<compile_context>
chip_gen: v7x
topology: tpu7x:2x2x1
jax: 0.10.2.dev20260603
libtpu: 0.0.44.dev20260713+nightly
codegen_flags: <defaults>
</compile_context>

<pallas_src>
import functools

import jax
import jax.numpy as jnp
from jax import lax
from jax.experimental import pallas as pl
from jax.experimental.pallas import tpu as pltpu
from jax.experimental.pallas import tpu_sc as plsc

N = 10000
E = 320000
D = 128
C = 64

NC = 2
NS = 16
NW = NC * NS

CHUNK = 128
NCH = 80
SEG = 40
EPW = NCH * CHUNK
E_PAD = EPW * NW
N_ACC = 10112
ROWS_PER_TILE = N_ACC // NS
N_CNT = 10240
CNT_PER_TILE = N_CNT // NS
CNT_ROWS = N_CNT // 128

_f32 = jnp.float32


def _make_sc_agg(with_counts: bool):
  out_type = [jax.ShapeDtypeStruct((NC, N_ACC, D), _f32)]
  if with_counts:
    out_type.append(jax.ShapeDtypeStruct((NC * N_CNT,), _f32))

  scratch = [
      pltpu.VMEM_SHARED((N_ACC, D), _f32),
      pltpu.VMEM((SEG, CHUNK), jnp.int32),
      pltpu.VMEM((SEG, CHUNK), jnp.int32),
      pltpu.VMEM((CHUNK, D), _f32),
      pltpu.VMEM((CHUNK, D), _f32),
      pltpu.SemaphoreType.DMA,
      pltpu.SemaphoreType.DMA,
      pltpu.SemaphoreType.DMA,
  ]
  if with_counts:
    scratch.insert(1, pltpu.VMEM_SHARED((N_CNT,), _f32))
    scratch.append(pltpu.VMEM((CHUNK,), _f32))
    scratch.append(pltpu.SemaphoreType.DMA)

  def body(*refs):
    if with_counts:
      (x_hbm, src_hbm, dst_hbm, z_hbm, zc_hbm, p_hbm, cnt_hbm,
       acc_sh, cnt_sh, sidx, didx, rows0, rows1, gsem, ssem, zsem,
       ones_v, csem) = refs
    else:
      (x_hbm, src_hbm, dst_hbm, z_hbm, p_hbm,
       acc_sh, sidx, didx, rows0, rows1, gsem, ssem, zsem) = refs

    c = lax.axis_index("c")
    s = lax.axis_index("s")
    w = c * NS + s

    pltpu.async_copy(z_hbm.at[pl.ds(s * ROWS_PER_TILE, ROWS_PER_TILE)],
                     acc_sh.at[pl.ds(s * ROWS_PER_TILE, ROWS_PER_TILE)],
                     zsem)
    if with_counts:
      pltpu.async_copy(zc_hbm.at[pl.ds(s * CNT_PER_TILE, CNT_PER_TILE)],
                       cnt_sh.at[pl.ds(s * CNT_PER_TILE, CNT_PER_TILE)],
                       zsem)
      for k in range(CHUNK // 16):
        ones_v[pl.ds(16 * k, 16)] = jnp.ones((16,), _f32)

    def start_gather(j, buf):
      pltpu.async_copy(x_hbm.at[sidx.at[j]], buf, gsem)

    def wait_gather(j, buf):
      pltpu.make_async_copy(x_hbm.at[sidx.at[j]], buf, gsem).wait()

    def start_scat(j, buf):
      pltpu.async_copy(buf, acc_sh.at[didx.at[j]], ssem, add=True)
      if with_counts:
        pltpu.async_copy(ones_v, cnt_sh.at[didx.at[j]], csem, add=True)

    def wait_scat(j, buf):
      pltpu.make_async_copy(buf, acc_sh.at[didx.at[j]], ssem).wait()
      if with_counts:
        pltpu.make_async_copy(ones_v, cnt_sh.at[didx.at[j]], csem).wait()

    def run_phase(base, seg, first):
      pltpu.sync_copy(src_hbm.at[pl.ds(base, seg)], sidx)
      pltpu.sync_copy(dst_hbm.at[pl.ds(base, seg)], didx)
      start_gather(0, rows0)
      wait_gather(0, rows0)
      start_gather(1, rows1)
      if first:
        pltpu.make_async_copy(
            z_hbm.at[pl.ds(s * ROWS_PER_TILE, ROWS_PER_TILE)],
            acc_sh.at[pl.ds(s * ROWS_PER_TILE, ROWS_PER_TILE)],
            zsem).wait()
        if with_counts:
          pltpu.make_async_copy(
              zc_hbm.at[pl.ds(s * CNT_PER_TILE, CNT_PER_TILE)],
              cnt_sh.at[pl.ds(s * CNT_PER_TILE, CNT_PER_TILE)],
              zsem).wait()
        plsc.subcore_barrier()
      start_scat(0, rows0)

      def pair(t, carry):
        for b, (cur, oth) in ((0, (rows1, rows0)), (1, (rows0, rows1))):
          j = 2 * t + 1 + b
          wait_gather(j, cur)
          wait_scat(j - 1, oth)
          start_gather(j + 1, oth)
          start_scat(j, cur)
        return carry

      lax.fori_loop(0, (seg - 2) // 2, pair, 0)

      j = seg - 1
      wait_gather(j, rows1)
      wait_scat(j - 1, rows0)
      start_scat(j, rows1)
      wait_scat(j, rows1)

    for h in range(NCH // SEG):
      run_phase(w * NCH + h * SEG, SEG, h == 0)
    plsc.subcore_barrier()

    pltpu.sync_copy(acc_sh.at[pl.ds(s * ROWS_PER_TILE, ROWS_PER_TILE)],
                    p_hbm.at[c].at[pl.ds(s * ROWS_PER_TILE, ROWS_PER_TILE)])
    if with_counts:
      pltpu.sync_copy(
          cnt_sh.at[pl.ds(s * CNT_PER_TILE, CNT_PER_TILE)],
          cnt_hbm.at[pl.ds(c * N_CNT + s * CNT_PER_TILE, CNT_PER_TILE)])

  return pl.kernel(
      body,
      out_type=tuple(out_type) if with_counts else out_type[0],
      mesh=plsc.VectorSubcoreMesh(core_axis_name="c", subcore_axis_name="s"),
      scratch_types=scratch,
  )


_sc_agg_counts = _make_sc_agg(True)
_sc_agg = _make_sc_agg(False)

_GRID = 5
_R = N // _GRID


def _inv_cnt_col(c0, c1):
  i = pl.program_id(0)
  r = 1.0 / jnp.maximum(c0[0] + c1[0], 1.0)
  g_k = lax.broadcasted_iota(jnp.int32, (_R, CNT_ROWS), 0) + _R * i
  k_j = lax.broadcasted_iota(jnp.int32, (_R, CNT_ROWS), 1)
  sel_row = (k_j == g_k // 128).astype(_f32)
  b_full = jnp.dot(sel_row, r, preferred_element_type=_f32,
                   precision=lax.Precision.HIGHEST)
  g_l = lax.broadcasted_iota(jnp.int32, (_R, 128), 0) + _R * i
  lane = lax.broadcasted_iota(jnp.int32, (_R, 128), 1)
  picked = jnp.where(lane == g_l % 128, b_full, 0.0)
  return jnp.sum(picked, axis=1, keepdims=True)


def _dense_body(p0, p1, c0, c1, x, wl, wr, b, o):
  mean = (p0[0] + p1[0]) * _inv_cnt_col(c0, c1)
  h = (jnp.dot(mean, wl[...], preferred_element_type=_f32)
       + jnp.dot(x[...], wr[...], preferred_element_type=_f32) + b[...])
  o[...] = jnp.maximum(h, 0.0)


def _dense_final_body(p0, p1, c0, c1, x, wl, wr, b, wlin, blin, o):
  mean = (p0[0] + p1[0]) * _inv_cnt_col(c0, c1)
  h = (jnp.dot(mean, wl[...], preferred_element_type=_f32)
       + jnp.dot(x[...], wr[...], preferred_element_type=_f32) + b[...])
  h = jnp.maximum(h, 0.0)
  o[...] = jnp.dot(h, wlin[...], preferred_element_type=_f32) + blin[...]


def _core_spec(core, d):
  return pl.BlockSpec((1, _R, d), lambda i, _c=core: (_c, i, 0))


def _cnt_spec(core):
  return pl.BlockSpec((1, CNT_ROWS, 128), lambda i, _c=core: (_c, 0, 0))


def _row_spec(d):
  return pl.BlockSpec((_R, d), lambda i: (i, 0))


def _full_spec(r, d):
  return pl.BlockSpec((r, d), lambda i: (0, 0))


def _dense(p, cnt, x, wl, wr, b):
  return pl.pallas_call(
      _dense_body,
      grid=(_GRID,),
      in_specs=[_core_spec(0, D), _core_spec(1, D), _cnt_spec(0),
                _cnt_spec(1), _row_spec(D), _full_spec(D, D),
                _full_spec(D, D), _full_spec(1, D)],
      out_specs=_row_spec(D),
      out_shape=jax.ShapeDtypeStruct((N, D), _f32),
  )(p, p, cnt, cnt, x, wl, wr, b)


def _dense_final(p, cnt, x, wl, wr, b, wlin, blin):
  return pl.pallas_call(
      _dense_final_body,
      grid=(_GRID,),
      in_specs=[_core_spec(0, D), _core_spec(1, D), _cnt_spec(0),
                _cnt_spec(1), _row_spec(D), _full_spec(D, D),
                _full_spec(D, D), _full_spec(1, D), _full_spec(D, C),
                _full_spec(1, C)],
      out_specs=pl.BlockSpec((_R, C), lambda i: (i, 0)),
      out_shape=jax.ShapeDtypeStruct((N, C), _f32),
  )(p, p, cnt, cnt, x, wl, wr, b, wlin, blin)


def kernel(x, edge_index, W1l, W1r, b1, W2l, W2r, b2, W3l, W3r, b3,
           Wlin, blin):
  src = edge_index[0].astype(jnp.int32)
  dst = edge_index[1].astype(jnp.int32)
  npad = E_PAD - E
  pad_iota = jnp.arange(npad, dtype=jnp.int32)
  src_p = jnp.concatenate([src, pad_iota % 64]).reshape(E_PAD // CHUNK, CHUNK)
  dst_p = jnp.concatenate([dst, N + (pad_iota % 16)]).reshape(
      E_PAD // CHUNK, CHUNK)

  zrows = jnp.zeros((N_ACC, D), _f32)
  zcnt = jnp.zeros((N_CNT,), _f32)

  p, cnt = _sc_agg_counts(x, src_p, dst_p, zrows, zcnt)
  cnt = cnt.reshape(NC, CNT_ROWS, 128)
  h = _dense(p, cnt, x, W1l, W1r, b1.reshape(1, D))

  p = _sc_agg(h, src_p, dst_p, zrows)
  h = _dense(p, cnt, h, W2l, W2r, b2.reshape(1, D))

  p = _sc_agg(h, src_p, dst_p, zrows)
  out = _dense_final(p, cnt, h, W3l, W3r, b3.reshape(1, D), Wlin,
                     blin.reshape(1, C))
  return out

# --- scband reference (transcript-rebuilt; emitter-appended) ---
"""Pipeline reference for scband-hetero-gnn2-81166291960244 (READ-ONLY COPY).

The authoritative reference and input builder live on the scoring server;
editing this copy changes nothing except your own understanding.
"""

import jax, jax.numpy as jnp
import numpy as np

N = 10000
E = 320000
D = 128
H = 128
EMB = 128
C = 64


def _glorot(key, shape):
    fan_in, fan_out = shape[0], shape[1]
    limit = np.sqrt(6.0 / (fan_in + fan_out))
    return jax.random.uniform(key, shape, dtype=jnp.float32, minval=-limit, maxval=limit)


def setup_inputs(seed: int = 0) -> dict:
    key = jax.random.key(seed)
    ks = jax.random.split(key, 16)
    x = jax.random.normal(ks[0], (N, D), dtype=jnp.float32)
    edge_index = jax.random.randint(ks[1], (2, E), 0, N, dtype=jnp.int64)
    return {
        "x": x,
        "edge_index": edge_index,
        "W1l": _glorot(ks[2], (D, H)),
        "W1r": _glorot(ks[3], (D, H)),
        "b1": jnp.zeros((H,), dtype=jnp.float32),
        "W2l": _glorot(ks[4], (H, H)),
        "W2r": _glorot(ks[5], (H, H)),
        "b2": jnp.zeros((H,), dtype=jnp.float32),
        "W3l": _glorot(ks[6], (H, EMB)),
        "W3r": _glorot(ks[7], (H, EMB)),
        "b3": jnp.zeros((EMB,), dtype=jnp.float32),
        "Wlin": _glorot(ks[8], (EMB, C)),
        "blin": jnp.zeros((C,), dtype=jnp.float32),
    }


def _sage_conv(x, src, dst, Wl, Wr, b, num_nodes):
    # SAGEConv with mean aggregation: out = mean_{j in N(i)} x_j @ Wl + b + x_i @ Wr
    msg = jnp.take(x, src, axis=0)  # gather source node features per edge
    summed = jax.ops.segment_sum(msg, dst, num_segments=num_nodes)
    cnt = jax.ops.segment_sum(jnp.ones((src.shape[0],), dtype=x.dtype), dst, num_segments=num_nodes)
    mean = summed / jnp.clip(cnt, 1.0)[:, None]
    return mean @ Wl + b + x @ Wr


def reference(x, edge_index, W1l, W1r, b1, W2l, W2r, b2, W3l, W3r, b3, Wlin, blin):
    src = edge_index[0]
    dst = edge_index[1]
    h = _sage_conv(x, src, dst, W1l, W1r, b1, N)
    h = jax.nn.relu(h)
    # dropout with training=False is identity
    h = _sage_conv(h, src, dst, W2l, W2r, b2, N)
    h = jax.nn.relu(h)
    h = _sage_conv(h, src, dst, W3l, W3r, b3, N)
    h = jax.nn.relu(h)
    out = h @ Wlin + blin
    return out

if __name__ == "__main__":
    import jax
    _d = setup_inputs()
    print(jax.jit(kernel)(*tuple(_d.values())))

</pallas_src>

<mosaic_0001>
#map = affine_map<(d0, d1) -> (0, 0)>
#map1 = affine_map<(d0, d1) -> (0)>
#map2 = affine_map<(d0, d1) -> (0, 0, 0)>
module attributes {stable_mosaic.version = 14 : i64} {
  func.func @body(%arg0: i32, %arg1: i32, %arg2: memref<10000x128xf32, #tpu.memory_space<hbm>>, %arg3: memref<2560x128xi32, #tpu.memory_space<hbm>>, %arg4: memref<2560x128xi32, #tpu.memory_space<hbm>>, %arg5: memref<10112x128xf32, #tpu.memory_space<hbm>>, %arg6: memref<10240xf32, #tpu.memory_space<hbm>>, %arg7: memref<2x10112x128xf32, #tpu.memory_space<hbm>>, %arg8: memref<20480xf32, #tpu.memory_space<hbm>>, %arg9: memref<10112x128xf32, #tpu.memory_space<vmem_shared>>, %arg10: memref<10240xf32, #tpu.memory_space<vmem_shared>>, %arg11: memref<40x128xi32, #tpu.memory_space<vmem>>, %arg12: memref<40x128xi32, #tpu.memory_space<vmem>>, %arg13: memref<128x128xf32, #tpu.memory_space<vmem>>, %arg14: memref<128x128xf32, #tpu.memory_space<vmem>>, %arg15: memref<!tpu.dma_semaphore, #tpu.memory_space<semaphore_mem>>, %arg16: memref<!tpu.dma_semaphore, #tpu.memory_space<semaphore_mem>>, %arg17: memref<!tpu.dma_semaphore, #tpu.memory_space<semaphore_mem>>, %arg18: memref<128xf32, #tpu.memory_space<vmem>>, %arg19: memref<!tpu.dma_semaphore, #tpu.memory_space<semaphore_mem>>) attributes {dimension_semantics = [#tpu.dimension_semantics<core_parallel>, #tpu.dimension_semantics<subcore_parallel>], iteration_bounds = array<i64: 2, 16>, scalar_prefetch = 0 : i64, scratch_operands = 11 : i64, tpu.core_type = #tpu.core_type<sc_vector_subcore>, window_params = [{transform_indices = #map}, {transform_indices = #map}, {transform_indices = #map}, {transform_indices = #map}, {transform_indices = #map1}, {transform_indices = #map2}, {transform_indices = #map1}]} {
    %mul3A = arith.constant 16 : i32
    %mul3A_0 = arith.muli %arg0, %mul3A : i32
    %add3A = arith.addi %mul3A_0, %arg1 : i32
    %mul3A_1 = arith.constant 632 : i32
    %mul3A_2 = arith.muli %arg1, %mul3A_1 : i32
    %mul3A_3 = arith.constant 632 : i32
    %mul3A_4 = arith.muli %arg1, %mul3A_3 : i32
    %dma_start3A = arith.constant 0 : i32
    %dma_start3A_5 = tpu.memref_slice %arg9[%mul3A_4, %dma_start3A] : memref<10112x128xf32, #tpu.memory_space<vmem_shared>> -> memref<632x128xf32, #tpu.memory_space<vmem_shared>>
    %dma_start3A_6 = arith.constant 0 : i32
    %dma_start3A_7 = tpu.memref_slice %arg5[%mul3A_2, %dma_start3A_6] : memref<10112x128xf32, #tpu.memory_space<hbm>> -> memref<632x128xf32, #tpu.memory_space<hbm>>
    tpu.enqueue_dma source(%dma_start3A_7 : memref<632x128xf32, #tpu.memory_space<hbm>>) target(%dma_start3A_5 : memref<632x128xf32, #tpu.memory_space<vmem_shared>>) target_semaphore(%arg17 : memref<!tpu.dma_semaphore, #tpu.memory_space<semaphore_mem>>)
    %mul3A_8 = arith.constant 640 : i32
    %mul3A_9 = arith.muli %arg1, %mul3A_8 : i32
    %mul3A_10 = arith.constant 640 : i32
    %mul3A_11 = arith.muli %arg1, %mul3A_10 : i32
    %dma_start3A_12 = tpu.memref_slice %arg10[%mul3A_11] : memref<10240xf32, #tpu.memory_space<vmem_shared>> -> memref<640xf32, #tpu.memory_space<vmem_shared>>
    %dma_start3A_13 = tpu.memref_slice %arg6[%mul3A_9] : memref<10240xf32, #tpu.memory_space<hbm>> -> memref<640xf32, #tpu.memory_space<hbm>>
    tpu.enqueue_dma source(%dma_start3A_13 : memref<640xf32, #tpu.memory_space<hbm>>) target(%dma_start3A_12 : memref<640xf32, #tpu.memory_space<vmem_shared>>) target_semaphore(%arg17 : memref<!tpu.dma_semaphore, #tpu.memory_space<semaphore_mem>>)
    %broadcast_in_dim3A = arith.constant 1.000000e+00 : f32
    %broadcast_in_dim3A_14 = vector.broadcast %broadcast_in_dim3A : f32 to vector<16xf32>
    %swap3A = arith.constant 0 : index
    %swap3A_15 = tpu.vector_load %arg18[%swap3A] {strides = array<i32>} : memref<128xf32, #tpu.memory_space<vmem>>, vector<16xf32>,
    %swap3A_16 = vector.shape_cast %swap3A_15 : vector<16xf32> to vector<16xf32>
    %swap3A_17 = vector.shape_cast %broadcast_in_dim3A_14 : vector<16xf32> to vector<16xf32>
    tpu.vector_store %arg18[%swap3A], %swap3A_17 {strides = array<i32>} : memref<128xf32, #tpu.memory_space<vmem>>, vector<16xf32>,
    %broadcast_in_dim3A_18 = arith.constant 1.000000e+00 : f32
    %broadcast_in_dim3A_19 = vector.broadcast %broadcast_in_dim3A_18 : f32 to vector<16xf32>
    %swap3A_20 = arith.constant 16 : index
    %swap3A_21 = tpu.vector_load %arg18[%swap3A_20] {strides = array<i32>} : memref<128xf32, #tpu.memory_space<vmem>>, vector<16xf32>,
    %swap3A_22 = vector.shape_cast %swap3A_21 : vector<16xf32> to vector<16xf32>
    %swap3A_23 = vector.shape_cast %broadcast_in_dim3A_19 : vector<16xf32> to vector<16xf32>
    tpu.vector_store %arg18[%swap3A_20], %swap3A_23 {strides = array<i32>} : memref<128xf32, #tpu.memory_space<vmem>>, vector<16xf32>,
    %broadcast_in_dim3A_24 = arith.constant 1.000000e+00 : f32
    %broadcast_in_dim3A_25 = vector.broadcast %broadcast_in_dim3A_24 : f32 to vector<16xf32>
    %swap3A_26 = arith.constant 32 : index
    %swap3A_27 = tpu.vector_load %arg18[%swap3A_26] {strides = array<i32>} : memref<128xf32, #tpu.memory_space<vmem>>, vector<16xf32>,
    %swap3A_28 = vector.shape_cast %swap3A_27 : vector<16xf32> to vector<16xf32>
    %swap3A_29 = vector.shape_cast %broadcast_in_dim3A_25 : vector<16xf32> to vector<16xf32>
    tpu.vector_store %arg18[%swap3A_26], %swap3A_29 {strides = array<i32>} : memref<128xf32, #tpu.memory_space<vmem>>, vector<16xf32>,
    %broadcast_in_dim3A_30 = arith.constant 1.000000e+00 : f32
    %broadcast_in_dim3A_31 = vector.broadcast %broadcast_in_dim3A_30 : f32 to vector<16xf32>
    %swap3A_32 = arith.constant 48 : index
    %swap3A_33 = tpu.vector_load %arg18[%swap3A_32] {strides = array<i32>} : memref<128xf32, #tpu.memory_space<vmem>>, vector<16xf32>,
    %swap3A_34 = vector.shape_cast %swap3A_33 : vector<16xf32> to vector<16xf32>
    %swap3A_35 = vector.shape_cast %broadcast_in_dim3A_31 : vector<16xf32> to vector<16xf32>
    tpu.vector_store %arg18[%swap3A_32], %swap3A_35 {strides = array<i32>} : memref<128xf32, #tpu.memory_space<vmem>>, vector<16xf32>,
    %broadcast_in_dim3A_36 = arith.constant 1.000000e+00 : f32
    %broadcast_in_dim3A_37 = vector.broadcast %broadcast_in_dim3A_36 : f32 to vector<16xf32>
    %swap3A_38 = arith.constant 64 : index
    %swap3A_39 = tpu.vector_load %arg18[%swap3A_38] {strides = array<i32>} : memref<128xf32, #tpu.memory_space<vmem>>, vector<16xf32>,
    %swap3A_40 = vector.shape_cast %swap3A_39 : vector<16xf32> to vector<16xf32>
    %swap3A_41 = vector.shape_cast %broadcast_in_dim3A_37 : vector<16xf32> to vector<16xf32>
    tpu.vector_store %arg18[%swap3A_38], %swap3A_41 {strides = array<i32>} : memref<128xf32, #tpu.memory_space<vmem>>, vector<16xf32>,
    %broadcast_in_dim3A_42 = arith.constant 1.000000e+00 : f32
    %broadcast_in_dim3A_43 = vector.broadcast %broadcast_in_dim3A_42 : f32 to vector<16xf32>
    %swap3A_44 = arith.constant 80 : index
    %swap3A_45 = tpu.vector_load %arg18[%swap3A_44] {strides = array<i32>} : memref<128xf32, #tpu.memory_space<vmem>>, vector<16xf32>,
    %swap3A_46 = vector.shape_cast %swap3A_45 : vector<16xf32> to vector<16xf32>
    %swap3A_47 = vector.shape_cast %broadcast_in_dim3A_43 : vector<16xf32> to vector<16xf32>
    tpu.vector_store %arg18[%swap3A_44], %swap3A_47 {strides = array<i32>} : memref<128xf32, #tpu.memory_space<vmem>>, vector<16xf32>,
    %broadcast_in_dim3A_48 = arith.constant 1.000000e+00 : f32
    %broadcast_in_dim3A_49 = vector.broadcast %broadcast_in_dim3A_48 : f32 to vector<16xf32>
    %swap3A_50 = arith.constant 96 : index
    %swap3A_51 = tpu.vector_load %arg18[%swap3A_50] {strides = array<i32>} : memref<128xf32, #tpu.memory_space<vmem>>, vector<16xf32>,
    %swap3A_52 = vector.shape_cast %swap3A_51 : vector<16xf32> to vector<16xf32>
    %swap3A_53 = vector.shape_cast %broadcast_in_dim3A_49 : vector<16xf32> to vector<16xf32>
    tpu.vector_store %arg18[%swap3A_50], %swap3A_53 {strides = array<i32>} : memref<128xf32, #tpu.memory_space<vmem>>, vector<16xf32>,
    %broadcast_in_dim3A_54 = arith.constant 1.000000e+00 : f32
    %broadcast_in_dim3A_55 = vector.broadcast %broadcast_in_dim3A_54 : f32 to vector<16xf32>
    %swap3A_56 = arith.constant 112 : index
    %swap3A_57 = tpu.vector_load %arg18[%swap3A_56] {strides = array<i32>} : memref<128xf32, #tpu.memory_space<vmem>>, vector<16xf32>,
    %swap3A_58 = vector.shape_cast %swap3A_57 : vector<16xf32> to vector<16xf32>
    %swap3A_59 = vector.shape_cast %broadcast_in_dim3A_55 : vector<16xf32> to vector<16xf32>
    tpu.vector_store %arg18[%swap3A_56], %swap3A_59 {strides = array<i32>} : memref<128xf32, #tpu.memory_space<vmem>>, vector<16xf32>,
    %mul3A_60 = arith.constant 80 : i32
    %mul3A_61 = arith.muli %add3A, %mul3A_60 : i32
    %add3A_62 = arith.constant 0 : i32
    %add3A_63 = arith.addi %mul3A_61, %add3A_62 : i32
    "tpu.region"() ({
      %run_scoped3A = tpu.sem_alloc : memref<!tpu.dma_semaphore, #tpu.memory_space<semaphore_mem>>
      %dma_start3A_264 = arith.constant 0 : i32
      %dma_start3A_265 = tpu.memref_slice %arg3[%add3A_63, %dma_start3A_264] : memref<2560x128xi32, #tpu.memory_space<hbm>> -> memref<40x128xi32, #tpu.memory_space<hbm>>
      %dma_start3A_266 = arith.constant 0 : i32
      %dma_start3A_267 = tpu.memref_slice %arg3[%add3A_63, %dma_start3A_266] : memref<2560x128xi32, #tpu.memory_space<hbm>> -> memref<40x128xi32, #tpu.memory_space<hbm>>
      tpu.enqueue_dma source(%dma_start3A_267 : memref<40x128xi32, #tpu.memory_space<hbm>>) target(%arg11 : memref<40x128xi32, #tpu.memory_space<vmem>>) target_semaphore(%run_scoped3A : memref<!tpu.dma_semaphore, #tpu.memory_space<semaphore_mem>>)
      %dma_wait3A_268 = arith.constant 0 : i32
      %dma_wait3A_269 = tpu.memref_slice %arg3[%add3A_63, %dma_wait3A_268] : memref<2560x128xi32, #tpu.memory_space<hbm>> -> memref<40x128xi32, #tpu.memory_space<hbm>>
      %dma_wait3A_270 = arith.constant 0 : i32
      %dma_wait3A_271 = tpu.memref_slice %arg3[%add3A_63, %dma_wait3A_270] : memref<2560x128xi32, #tpu.memory_space<hbm>> -> memref<40x128xi32, #tpu.memory_space<hbm>>
      tpu.wait_dma2 semaphore(%run_scoped3A : memref<!tpu.dma_semaphore, #tpu.memory_space<semaphore_mem>>) src(%dma_wait3A_271 : memref<40x128xi32, #tpu.memory_space<hbm>>) dst(%arg11 : memref<40x128xi32, #tpu.memory_space<vmem>>)
      tpu.yield
    }) : () -> ()
    "tpu.region"() ({
      %run_scoped3A = tpu.sem_alloc : memref<!tpu.dma_semaphore, #tpu.memory_space<semaphore_mem>>
      %dma_start3A_264 = arith.constant 0 : i32
      %dma_start3A_265 = tpu.memref_slice %arg4[%add3A_63, %dma_start3A_264] : memref<2560x128xi32, #tpu.memory_space<hbm>> -> memref<40x128xi32, #tpu.memory_space<hbm>>
      %dma_start3A_266 = arith.constant 0 : i32
      %dma_start3A_267 = tpu.memref_slice %arg4[%add3A_63, %dma_start3A_266] : memref<2560x128xi32, #tpu.memory_space<hbm>> -> memref<40x128xi32, #tpu.memory_space<hbm>>
      tpu.enqueue_dma source(%dma_start3A_267 : memref<40x128xi32, #tpu.memory_space<hbm>>) target(%arg12 : memref<40x128xi32, #tpu.memory_space<vmem>>) target_semaphore(%run_scoped3A : memref<!tpu.dma_semaphore, #tpu.memory_space<semaphore_mem>>)
      %dma_wait3A_268 = arith.constant 0 : i32
      %dma_wait3A_269 = tpu.memref_slice %arg4[%add3A_63, %dma_wait3A_268] : memref<2560x128xi32, #tpu.memory_space<hbm>> -> memref<40x128xi32, #tpu.memory_space<hbm>>
      %dma_wait3A_270 = arith.constant 0 : i32
      %dma_wait3A_271 = tpu.memref_slice %arg4[%add3A_63, %dma_wait3A_270] : memref<2560x128xi32, #tpu.memory_space<hbm>> -> memref<40x128xi32, #tpu.memory_space<hbm>>
      tpu.wait_dma2 semaphore(%run_scoped3A : memref<!tpu.dma_semaphore, #tpu.memory_space<semaphore_mem>>) src(%dma_wait3A_271 : memref<40x128xi32, #tpu.memory_space<hbm>>) dst(%arg12 : memref<40x128xi32, #tpu.memory_space<vmem>>)
      tpu.yield
    }) : () -> ()
    %dma_start3A_64 = arith.constant 0 : i32
    %dma_start3A_65 = arith.constant 0 : i32
    %dma_start3A_66 = tpu.memref_slice %arg11[%dma_start3A_64, %dma_start3A_65] : memref<40x128xi32, #tpu.memory_space<vmem>> -> memref<1x128xi32, #tpu.memory_space<vmem>>
    %dma_start3A_67 = tpu.memref_squeeze %dma_start3A_66 : memref<1x128xi32, #tpu.memory_space<vmem>> -> memref<128xi32, #tpu.memory_space<vmem>>
    %dma_start3A_68 = arith.constant 0 : i32
    %dma_start3A_69 = arith.constant 0 : i32
    %dma_start3A_70 = tpu.memref_slice %arg2[%dma_start3A_68, %dma_start3A_69] : memref<10000x128xf32, #tpu.memory_space<hbm>> -> memref<10000x128xf32, #tpu.memory_space<hbm>>
    tpu.enqueue_indirect_dma source(%dma_start3A_70 : memref<10000x128xf32, #tpu.memory_space<hbm>>) target(%arg13 : memref<128x128xf32, #tpu.memory_space<vmem>>) offsets(%dma_start3A_67 : memref<128xi32, #tpu.memory_space<vmem>>) semaphore(%arg15 : memref<!tpu.dma_semaphore, #tpu.memory_space<semaphore_mem>>)
    %dma_wait3A = arith.constant 0 : i32
    %dma_wait3A_71 = arith.constant 0 : i32
    %dma_wait3A_72 = tpu.memref_slice %arg11[%dma_wait3A, %dma_wait3A_71] : memref<40x128xi32, #tpu.memory_space<vmem>> -> memref<1x128xi32, #tpu.memory_space<vmem>>
    %dma_wait3A_73 = tpu.memref_squeeze %dma_wait3A_72 : memref<1x128xi32, #tpu.memory_space<vmem>> -> memref<128xi32, #tpu.memory_space<vmem>>
    %dma_wait3A_74 = arith.constant 0 : i32
    %dma_wait3A_75 = arith.constant 0 : i32
    %dma_wait3A_76 = tpu.memref_slice %arg2[%dma_wait3A_74, %dma_wait3A_75] : memref<10000x128xf32, #tpu.memory_space<hbm>> -> memref<10000x128xf32, #tpu.memory_space<hbm>>
    tpu.wait_indirect_dma semaphore(%arg15 : memref<!tpu.dma_semaphore, #tpu.memory_space<semaphore_mem>>) src(%dma_wait3A_76 : memref<10000x128xf32, #tpu.memory_space<hbm>>) dst(%arg13 : memref<128x128xf32, #tpu.memory_space<vmem>>)
    %dma_start3A_77 = arith.constant 1 : i32
    %dma_start3A_78 = arith.constant 0 : i32
    %dma_start3A_79 = tpu.memref_slice %arg11[%dma_start3A_77, %dma_start3A_78] : memref<40x128xi32, #tpu.memory_space<vmem>> -> memref<1x128xi32, #tpu.memory_space<vmem>>
    %dma_start3A_80 = tpu.memref_squeeze %dma_start3A_79 : memref<1x128xi32, #tpu.memory_space<vmem>> -> memref<128xi32, #tpu.memory_space<vmem>>
    %dma_start3A_81 = arith.constant 0 : i32
    %dma_start3A_82 = arith.constant 0 : i32
    %dma_start3A_83 = tpu.memref_slice %arg2[%dma_start3A_81, %dma_start3A_82] : memref<10000x128xf32, #tpu.memory_space<hbm>> -> memref<10000x128xf32, #tpu.memory_space<hbm>>
    tpu.enqueue_indirect_dma source(%dma_start3A_83 : memref<10000x128xf32, #tpu.memory_space<hbm>>) target(%arg14 : memref<128x128xf32, #tpu.memory_space<vmem>>) offsets(%dma_start3A_80 : memref<128xi32, #tpu.memory_space<vmem>>) semaphore(%arg15 : memref<!tpu.dma_semaphore, #tpu.memory_space<semaphore_mem>>)
    %mul3A_84 = arith.constant 632 : i32
    %mul3A_85 = arith.muli %arg1, %mul3A_84 : i32
    %mul3A_86 = arith.constant 632 : i32
    %mul3A_87 = arith.muli %arg1, %mul3A_86 : i32
    %dma_wait3A_88 = arith.constant 0 : i32
    %dma_wait3A_89 = tpu.memref_slice %arg9[%mul3A_87, %dma_wait3A_88] : memref<10112x128xf32, #tpu.memory_space<vmem_shared>> -> memref<632x128xf32, #tpu.memory_space<vmem_shared>>
    %dma_wait3A_90 = arith.constant 0 : i32
    %dma_wait3A_91 = tpu.memref_slice %arg5[%mul3A_85, %dma_wait3A_90] : memref<10112x128xf32, #tpu.memory_space<hbm>> -> memref<632x128xf32, #tpu.memory_space<hbm>>
    tpu.wait_dma2 semaphore(%arg17 : memref<!tpu.dma_semaphore, #tpu.memory_space<semaphore_mem>>) src(%dma_wait3A_91 : memref<632x128xf32, #tpu.memory_space<hbm>>) dst(%dma_wait3A_89 : memref<632x128xf32, #tpu.memory_space<vmem_shared>>)
    %mul3A_92 = arith.constant 640 : i32
    %mul3A_93 = arith.muli %arg1, %mul3A_92 : i32
    %mul3A_94 = arith.constant 640 : i32
    %mul3A_95 = arith.muli %arg1, %mul3A_94 : i32
    %dma_wait3A_96 = tpu.memref_slice %arg10[%mul3A_95] : memref<10240xf32, #tpu.memory_space<vmem_shared>> -> memref<640xf32, #tpu.memory_space<vmem_shared>>
    %dma_wait3A_97 = tpu.memref_slice %arg6[%mul3A_93] : memref<10240xf32, #tpu.memory_space<hbm>> -> memref<640xf32, #tpu.memory_space<hbm>>
    tpu.wait_dma2 semaphore(%arg17 : memref<!tpu.dma_semaphore, #tpu.memory_space<semaphore_mem>>) src(%dma_wait3A_97 : memref<640xf32, #tpu.memory_space<hbm>>) dst(%dma_wait3A_96 : memref<640xf32, #tpu.memory_space<vmem_shared>>)
    %barrier3A = arith.constant 0 : index
    tpu.barrier barrier_id(%barrier3A)
    %dma_start3A_98 = arith.constant 0 : i32
    %dma_start3A_99 = arith.constant 0 : i32
    %dma_start3A_100 = tpu.memref_slice %arg12[%dma_start3A_98, %dma_start3A_99] : memref<40x128xi32, #tpu.memory_space<vmem>> -> memref<1x128xi32, #tpu.memory_space<vmem>>
    %dma_start3A_101 = tpu.memref_squeeze %dma_start3A_100 : memref<1x128xi32, #tpu.memory_space<vmem>> -> memref<128xi32, #tpu.memory_space<vmem>>
    %dma_start3A_102 = arith.constant 0 : i32
    %dma_start3A_103 = arith.constant 0 : i32
    %dma_start3A_104 = tpu.memref_slice %arg9[%dma_start3A_102, %dma_start3A_103] : memref<10112x128xf32, #tpu.memory_space<vmem_shared>> -> memref<10112x128xf32, #tpu.memory_space<vmem_shared>>
    tpu.enqueue_indirect_dma source(%arg13 : memref<128x128xf32, #tpu.memory_space<vmem>>) target(%dma_start3A_104 : memref<10112x128xf32, #tpu.memory_space<vmem_shared>>) offsets(%dma_start3A_101 : memref<128xi32, #tpu.memory_space<vmem>>) semaphore(%arg16 : memref<!tpu.dma_semaphore, #tpu.memory_space<semaphore_mem>>) {add = true}
    %dma_start3A_105 = arith.constant 0 : i32
    %dma_start3A_106 = arith.constant 0 : i32
    %dma_start3A_107 = tpu.memref_slice %arg12[%dma_start3A_105, %dma_start3A_106] : memref<40x128xi32, #tpu.memory_space<vmem>> -> memref<1x128xi32, #tpu.memory_space<vmem>>
    %dma_start3A_108 = tpu.memref_squeeze %dma_start3A_107 : memref<1x128xi32, #tpu.memory_space<vmem>> -> memref<128xi32, #tpu.memory_space<vmem>>
    %dma_start3A_109 = arith.constant 0 : i32
    %dma_start3A_110 = tpu.memref_slice %arg10[%dma_start3A_109] : memref<10240xf32, #tpu.memory_space<vmem_shared>> -> memref<10240xf32, #tpu.memory_space<vmem_shared>>
    tpu.enqueue_indirect_dma source(%arg18 : memref<128xf32, #tpu.memory_space<vmem>>) target(%dma_start3A_110 : memref<10240xf32, #tpu.memory_space<vmem_shared>>) offsets(%dma_start3A_108 : memref<128xi32, #tpu.memory_space<vmem>>) semaphore(%arg19 : memref<!tpu.dma_semaphore, #tpu.memory_space<semaphore_mem>>) {add = true}
    %scan3A = arith.constant 0 : i32
    %scan3A_111 = arith.constant 0 : i32
    %scan3A_112 = arith.constant 19 : i32
    %scan3A_113 = arith.addi %scan3A_111, %scan3A_112 : i32
    %scan3A_114 = arith.constant 1 : i32
    scf.for %scan3A_264 = %scan3A_111 to %scan3A_113 step %scan3A_114  : i32 {
      %mul3A_265 = arith.constant 2 : i32
      %mul3A_266 = arith.muli %mul3A_265, %scan3A_264 : i32
      %add3A_267 = arith.constant 1 : i32
      %add3A_268 = arith.addi %mul3A_266, %add3A_267 : i32
      %add3A_269 = arith.constant 0 : i32
      %add3A_270 = arith.addi %add3A_268, %add3A_269 : i32
      %dma_wait3A_271 = arith.constant 0 : i32
      %dma_wait3A_272 = tpu.memref_slice %arg11[%add3A_270, %dma_wait3A_271] : memref<40x128xi32, #tpu.memory_space<vmem>> -> memref<1x128xi32, #tpu.memory_space<vmem>>
      %dma_wait3A_273 = tpu.memref_squeeze %dma_wait3A_272 : memref<1x128xi32, #tpu.memory_space<vmem>> -> memref<128xi32, #tpu.memory_space<vmem>>
      %dma_wait3A_274 = arith.constant 0 : i32
      %dma_wait3A_275 = arith.constant 0 : i32
      %dma_wait3A_276 = tpu.memref_slice %arg2[%dma_wait3A_274, %dma_wait3A_275] : memref<10000x128xf32, #tpu.memory_space<hbm>> -> memref<10000x128xf32, #tpu.memory_space<hbm>>
      tpu.wait_indirect_dma semaphore(%arg15 : memref<!tpu.dma_semaphore, #tpu.memory_space<semaphore_mem>>) src(%dma_wait3A_276 : memref<10000x128xf32, #tpu.memory_space<hbm>>) dst(%arg14 : memref<128x128xf32, #tpu.memory_space<vmem>>)
      %sub3A = arith.constant 1 : i32
      %sub3A_277 = arith.subi %add3A_270, %sub3A : i32
      %dma_wait3A_278 = arith.constant 0 : i32
      %dma_wait3A_279 = tpu.memref_slice %arg12[%sub3A_277, %dma_wait3A_278] : memref<40x128xi32, #tpu.memory_space<vmem>> -> memref<1x128xi32, #tpu.memory_space<vmem>>
      %dma_wait3A_280 = tpu.memref_squeeze %dma_wait3A_279 : memref<1x128xi32, #tpu.memory_space<vmem>> -> memref<128xi32, #tpu.memory_space<vmem>>
      %dma_wait3A_281 = arith.constant 0 : i32
      %dma_wait3A_282 = arith.constant 0 : i32
      %dma_wait3A_283 = tpu.memref_slice %arg9[%dma_wait3A_281, %dma_wait3A_282] : memref<10112x128xf32, #tpu.memory_space<vmem_shared>> -> memref<10112x128xf32, #tpu.memory_space<vmem_shared>>
      tpu.wait_indirect_dma semaphore(%arg16 : memref<!tpu.dma_semaphore, #tpu.memory_space<semaphore_mem>>) src(%arg13 : memref<128x128xf32, #tpu.memory_space<vmem>>) dst(%dma_wait3A_283 : memref<10112x128xf32, #tpu.memory_space<vmem_shared>>)
      %dma_wait3A_284 = arith.constant 0 : i32
      %dma_wait3A_285 = tpu.memref_slice %arg12[%sub3A_277, %dma_wait3A_284] : memref<40x128xi32, #tpu.memory_space<vmem>> -> memref<1x128xi32, #tpu.memory_space<vmem>>
      %dma_wait3A_286 = tpu.memref_squeeze %dma_wait3A_285 : memref<1x128xi32, #tpu.memory_space<vmem>> -> memref<128xi32, #tpu.memory_space<vmem>>
      %dma_wait3A_287 = arith.constant 0 : i32
      %dma_wait3A_288 = tpu.memref_slice %arg10[%dma_wait3A_287] : memref<10240xf32, #tpu.memory_space<vmem_shared>> -> memref<10240xf32, #tpu.memory_space<vmem_shared>>
      tpu.wait_indirect_dma semaphore(%arg19 : memref<!tpu.dma_semaphore, #tpu.memory_space<semaphore_mem>>) src(%arg18 : memref<128xf32, #tpu.memory_space<vmem>>) dst(%dma_wait3A_288 : memref<10240xf32, #tpu.memory_space<vmem_shared>>)
      %add3A_289 = arith.constant 1 : i32
      %add3A_290 = arith.addi %add3A_270, %add3A_289 : i32
      %dma_start3A_291 = arith.constant 0 : i32
      %dma_start3A_292 = tpu.memref_slice %arg11[%add3A_290, %dma_start3A_291] : memref<40x128xi32, #tpu.memory_space<vmem>> -> memref<1x128xi32, #tpu.memory_space<vmem>>
      %dma_start3A_293 = tpu.memref_squeeze %dma_start3A_292 : memref<1x128xi32, #tpu.memory_space<vmem>> -> memref<128xi32, #tpu.memory_space<vmem>>
      %dma_start3A_294 = arith.constant 0 : i32
      %dma_start3A_295 = arith.constant 0 : i32
      %dma_start3A_296 = tpu.memref_slice %arg2[%dma_start3A_294, %dma_start3A_295] : memref<10000x128xf32, #tpu.memory_space<hbm>> -> memref<10000x128xf32, #tpu.memory_space<hbm>>
      tpu.enqueue_indirect_dma source(%dma_start3A_296 : memref<10000x128xf32, #tpu.memory_space<hbm>>) target(%arg13 : memref<128x128xf32, #tpu.memory_space<vmem>>) offsets(%dma_start3A_293 : memref<128xi32, #tpu.memory_space<vmem>>) semaphore(%arg15 : memref<!tpu.dma_semaphore, #tpu.memory_space<semaphore_mem>>)
      %dma_start3A_297 = arith.constant 0 : i32
      %dma_start3A_298 = tpu.memref_slice %arg12[%add3A_270, %dma_start3A_297] : memref<40x128xi32, #tpu.memory_space<vmem>> -> memref<1x128xi32, #tpu.memory_space<vmem>>
      %dma_start3A_299 = tpu.memref_squeeze %dma_start3A_298 : memref<1x128xi32, #tpu.memory_space<vmem>> -> memref<128xi32, #tpu.memory_space<vmem>>
      %dma_start3A_300 = arith.constant 0 : i32
      %dma_start3A_301 = arith.constant 0 : i32
      %dma_start3A_302 = tpu.memref_slice %arg9[%dma_start3A_300, %dma_start3A_301] : memref<10112x128xf32, #tpu.memory_space<vmem_shared>> -> memref<10112x128xf32, #tpu.memory_space<vmem_shared>>
      tpu.enqueue_indirect_dma source(%arg14 : memref<128x128xf32, #tpu.memory_space<vmem>>) target(%dma_start3A_302 : memref<10112x128xf32, #tpu.memory_space<vmem_shared>>) offsets(%dma_start3A_299 : memref<128xi32, #tpu.memory_space<vmem>>) semaphore(%arg16 : memref<!tpu.dma_semaphore, #tpu.memory_space<semaphore_mem>>) {add = true}
      %dma_start3A_303 = arith.constant 0 : i32
      %dma_start3A_304 = tpu.memref_slice %arg12[%add3A_270, %dma_start3A_303] : memref<40x128xi32, #tpu.memory_space<vmem>> -> memref<1x128xi32, #tpu.memory_space<vmem>>
      %dma_start3A_305 = tpu.memref_squeeze %dma_start3A_304 : memref<1x128xi32, #tpu.memory_space<vmem>> -> memref<128xi32, #tpu.memory_space<vmem>>
      %dma_start3A_306 = arith.constant 0 : i32
      %dma_start3A_307 = tpu.memref_slice %arg10[%dma_start3A_306] : memref<10240xf32, #tpu.memory_space<vmem_shared>> -> memref<10240xf32, #tpu.memory_space<vmem_shared>>
      tpu.enqueue_indirect_dma source(%arg18 : memref<128xf32, #tpu.memory_space<vmem>>) target(%dma_start3A_307 : memref<10240xf32, #tpu.memory_space<vmem_shared>>) offsets(%dma_start3A_305 : memref<128xi32, #tpu.memory_space<vmem>>) semaphore(%arg19 : memref<!tpu.dma_semaphore, #tpu.memory_space<semaphore_mem>>) {add = true}
      %mul3A_308 = arith.constant 2 : i32
      %mul3A_309 = arith.muli %mul3A_308, %scan3A_264 : i32
      %add3A_310 = arith.constant 1 : i32
      %add3A_311 = arith.addi %mul3A_309, %add3A_310 : i32
      %add3A_312 = arith.constant 1 : i32
      %add3A_313 = arith.addi %add3A_311, %add3A_312 : i32
      %dma_wait3A_314 = arith.constant 0 : i32
      %dma_wait3A_315 = tpu.memref_slice %arg11[%add3A_313, %dma_wait3A_314] : memref<40x128xi32, #tpu.memory_space<vmem>> -> memref<1x128xi32, #tpu.memory_space<vmem>>
      %dma_wait3A_316 = tpu.memref_squeeze %dma_wait3A_315 : memref<1x128xi32, #tpu.memory_space<vmem>> -> memref<128xi32, #tpu.memory_space<vmem>>
      %dma_wait3A_317 = arith.constant 0 : i32
      %dma_wait3A_318 = arith.constant 0 : i32
      %dma_wait3A_319 = tpu.memref_slice %arg2[%dma_wait3A_317, %dma_wait3A_318] : memref<10000x128xf32, #tpu.memory_space<hbm>> -> memref<10000x128xf32, #tpu.memory_space<hbm>>
      tpu.wait_indirect_dma semaphore(%arg15 : memref<!tpu.dma_semaphore, #tpu.memory_space<semaphore_mem>>) src(%dma_wait3A_319 : memref<10000x128xf32, #tpu.memory_space<hbm>>) dst(%arg13 : memref<128x128xf32, #tpu.memory_space<vmem>>)
      %sub3A_320 = arith.constant 1 : i32
      %sub3A_321 = arith.subi %add3A_313, %sub3A_320 : i32
      %dma_wait3A_322 = arith.constant 0 : i32
      %dma_wait3A_323 = tpu.memref_slice %arg12[%sub3A_321, %dma_wait3A_322] : memref<40x128xi32, #tpu.memory_space<vmem>> -> memref<1x128xi32, #tpu.memory_space<vmem>>
      %dma_wait3A_324 = tpu.memref_squeeze %dma_wait3A_323 : memref<1x128xi32, #tpu.memory_space<vmem>> -> memref<128xi32, #tpu.memory_space<vmem>>
      %dma_wait3A_325 = arith.constant 0 : i32
      %dma_wait3A_326 = arith.constant 0 : i32
      %dma_wait3A_327 = tpu.memref_slice %arg9[%dma_wait3A_325, %dma_wait3A_326] : memref<10112x128xf32, #tpu.memory_space<vmem_shared>> -> memref<10112x128xf32, #tpu.memory_space<vmem_shared>>
      tpu.wait_indirect_dma semaphore(%arg16 : memref<!tpu.dma_semaphore, #tpu.memory_space<semaphore_mem>>) src(%arg14 : memref<128x128xf32, #tpu.memory_space<vmem>>) dst(%dma_wait3A_327 : memref<10112x128xf32, #tpu.memory_space<vmem_shared>>)
      %dma_wait3A_328 = arith.constant 0 : i32
      %dma_wait3A_329 = tpu.memref_slice %arg12[%sub3A_321, %dma_wait3A_328] : memref<40x128xi32, #tpu.memory_space<vmem>> -> memref<1x128xi32, #tpu.memory_space<vmem>>
      %dma_wait3A_330 = tpu.memref_squeeze %dma_wait3A_329 : memref<1x128xi32, #tpu.memory_space<vmem>> -> memref<128xi32, #tpu.memory_space<vmem>>
      %dma_wait3A_331 = arith.constant 0 : i32
      %dma_wait3A_332 = tpu.memref_slice %arg10[%dma_wait3A_331] : memref<10240xf32, #tpu.memory_space<vmem_shared>> -> memref<10240xf32, #tpu.memory_space<vmem_shared>>
      tpu.wait_indirect_dma semaphore(%arg19 : memref<!tpu.dma_semaphore, #tpu.memory_space<semaphore_mem>>) src(%arg18 : memref<128xf32, #tpu.memory_space<vmem>>) dst(%dma_wait3A_332 : memref<10240xf32, #tpu.memory_space<vmem_shared>>)
      %add3A_333 = arith.constant 1 : i32
      %add3A_334 = arith.addi %add3A_313, %add3A_333 : i32
      %dma_start3A_335 = arith.constant 0 : i32
      %dma_start3A_336 = tpu.memref_slice %arg11[%add3A_334, %dma_start3A_335] : memref<40x128xi32, #tpu.memory_space<vmem>> -> memref<1x128xi32, #tpu.memory_space<vmem>>
      %dma_start3A_337 = tpu.memref_squeeze %dma_start3A_336 : memref<1x128xi32, #tpu.memory_space<vmem>> -> memref<128xi32, #tpu.memory_space<vmem>>
      %dma_start3A_338 = arith.constant 0 : i32
      %dma_start3A_339 = arith.constant 0 : i32
      %dma_start3A_340 = tpu.memref_slice %arg2[%dma_start3A_338, %dma_start3A_339] : memref<10000x128xf32, #tpu.memory_space<hbm>> -> memref<10000x128xf32, #tpu.memory_space<hbm>>
      tpu.enqueue_indirect_dma source(%dma_start3A_340 : memref<10000x128xf32, #tpu.memory_space<hbm>>) target(%arg14 : memref<128x128xf32, #tpu.memory_space<vmem>>) offsets(%dma_start3A_337 : memref<128xi32, #tpu.memory_space<vmem>>) semaphore(%arg15 : memref<!tpu.dma_semaphore, #tpu.memory_space<semaphore_mem>>)
      %dma_start3A_341 = arith.constant 0 : i32
      %dma_start3A_342 = tpu.memref_slice %arg12[%add3A_313, %dma_start3A_341] : memref<40x128xi32, #tpu.memory_space<vmem>> -> memref<1x128xi32, #tpu.memory_space<vmem>>
      %dma_start3A_343 = tpu.memref_squeeze %dma_start3A_342 : memref<1x128xi32, #tpu.memory_space<vmem>> -> memref<128xi32, #tpu.memory_space<vmem>>
      %dma_start3A_344 = arith.constant 0 : i32
      %dma_start3A_345 = arith.constant 0 : i32
      %dma_start3A_346 = tpu.memref_slice %arg9[%dma_start3A_344, %dma_start3A_345] : memref<10112x128xf32, #tpu.memory_space<vmem_shared>> -> memref<10112x128xf32, #tpu.memory_space<vmem_shared>>
      tpu.enqueue_indirect_dma source(%arg13 : memref<128x128xf32, #tpu.memory_space<vmem>>) target(%dma_start3A_346 : memref<10112x128xf32, #tpu.memory_space<vmem_shared>>) offsets(%dma_start3A_343 : memref<128xi32, #tpu.memory_space<vmem>>) semaphore(%arg16 : memref<!tpu.dma_semaphore, #tpu.memory_space<semaphore_mem>>) {add = true}
      %dma_start3A_347 = arith.constant 0 : i32
      %dma_start3A_348 = tpu.memref_slice %arg12[%add3A_313, %dma_start3A_347] : memref<40x128xi32, #tpu.memory_space<vmem>> -> memref<1x128xi32, #tpu.memory_space<vmem>>
      %dma_start3A_349 = tpu.memref_squeeze %dma_start3A_348 : memref<1x128xi32, #tpu.memory_space<vmem>> -> memref<128xi32, #tpu.memory_space<vmem>>
      %dma_start3A_350 = arith.constant 0 : i32
      %dma_start3A_351 = tpu.memref_slice %arg10[%dma_start3A_350] : memref<10240xf32, #tpu.memory_space<vmem_shared>> -> memref<10240xf32, #tpu.memory_space<vmem_shared>>
      tpu.enqueue_indirect_dma source(%arg18 : memref<128xf32, #tpu.memory_space<vmem>>) target(%dma_start3A_351 : memref<10240xf32, #tpu.memory_space<vmem_shared>>) offsets(%dma_start3A_349 : memref<128xi32, #tpu.memory_space<vmem>>) semaphore(%arg19 : memref<!tpu.dma_semaphore, #tpu.memory_space<semaphore_mem>>) {add = true}
    }
    %scan3A_115 = arith.constant 19 : i32
    %dma_wait3A_116 = arith.constant 39 : i32
    %dma_wait3A_117 = arith.constant 0 : i32
    %dma_wait3A_118 = tpu.memref_slice %arg11[%dma_wait3A_116, %dma_wait3A_117] : memref<40x128xi32, #tpu.memory_space<vmem>> -> memref<1x128xi32, #tpu.memory_space<vmem>>
    %dma_wait3A_119 = tpu.memref_squeeze %dma_wait3A_118 : memref<1x128xi32, #tpu.memory_space<vmem>> -> memref<128xi32, #tpu.memory_space<vmem>>
    %dma_wait3A_120 = arith.constant 0 : i32
    %dma_wait3A_121 = arith.constant 0 : i32
    %dma_wait3A_122 = tpu.memref_slice %arg2[%dma_wait3A_120, %dma_wait3A_121] : memref<10000x128xf32, #tpu.memory_space<hbm>> -> memref<10000x128xf32, #tpu.memory_space<hbm>>
    tpu.wait_indirect_dma semaphore(%arg15 : memref<!tpu.dma_semaphore, #tpu.memory_space<semaphore_mem>>) src(%dma_wait3A_122 : memref<10000x128xf32, #tpu.memory_space<hbm>>) dst(%arg14 : memref<128x128xf32, #tpu.memory_space<vmem>>)
    %dma_wait3A_123 = arith.constant 38 : i32
    %dma_wait3A_124 = arith.constant 0 : i32
    %dma_wait3A_125 = tpu.memref_slice %arg12[%dma_wait3A_123, %dma_wait3A_124] : memref<40x128xi32, #tpu.memory_space<vmem>> -> memref<1x128xi32, #tpu.memory_space<vmem>>
    %dma_wait3A_126 = tpu.memref_squeeze %dma_wait3A_125 : memref<1x128xi32, #tpu.memory_space<vmem>> -> memref<128xi32, #tpu.memory_space<vmem>>
    %dma_wait3A_127 = arith.constant 0 : i32
    %dma_wait3A_128 = arith.constant 0 : i32
    %dma_wait3A_129 = tpu.memref_slice %arg9[%dma_wait3A_127, %dma_wait3A_128] : memref<10112x128xf32, #tpu.memory_space<vmem_shared>> -> memref<10112x128xf32, #tpu.memory_space<vmem_shared>>
    tpu.wait_indirect_dma semaphore(%arg16 : memref<!tpu.dma_semaphore, #tpu.memory_space<semaphore_mem>>) src(%arg13 : memref<128x128xf32, #tpu.memory_space<vmem>>) dst(%dma_wait3A_129 : memref<10112x128xf32, #tpu.memory_space<vmem_shared>>)
    %dma_wait3A_130 = arith.constant 38 : i32
    %dma_wait3A_131 = arith.constant 0 : i32
    %dma_wait3A_132 = tpu.memref_slice %arg12[%dma_wait3A_130, %dma_wait3A_131] : memref<40x128xi32, #tpu.memory_space<vmem>> -> memref<1x128xi32, #tpu.memory_space<vmem>>
    %dma_wait3A_133 = tpu.memref_squeeze %dma_wait3A_132 : memref<1x128xi32, #tpu.memory_space<vmem>> -> memref<128xi32, #tpu.memory_space<vmem>>
    %dma_wait3A_134 = arith.constant 0 : i32
    %dma_wait3A_135 = tpu.memref_slice %arg10[%dma_wait3A_134] : memref<10240xf32, #tpu.memory_space<vmem_shared>> -> memref<10240xf32, #tpu.memory_space<vmem_shared>>
    tpu.wait_indirect_dma semaphore(%arg19 : memref<!tpu.dma_semaphore, #tpu.memory_space<semaphore_mem>>) src(%arg18 : memref<128xf32, #tpu.memory_space<vmem>>) dst(%dma_wait3A_135 : memref<10240xf32, #tpu.memory_space<vmem_shared>>)
    %dma_start3A_136 = arith.constant 39 : i32
    %dma_start3A_137 = arith.constant 0 : i32
    %dma_start3A_138 = tpu.memref_slice %arg12[%dma_start3A_136, %dma_start3A_137] : memref<40x128xi32, #tpu.memory_space<vmem>> -> memref<1x128xi32, #tpu.memory_space<vmem>>
    %dma_start3A_139 = tpu.memref_squeeze %dma_start3A_138 : memref<1x128xi32, #tpu.memory_space<vmem>> -> memref<128xi32, #tpu.memory_space<vmem>>
    %dma_start3A_140 = arith.constant 0 : i32
    %dma_start3A_141 = arith.constant 0 : i32
    %dma_start3A_142 = tpu.memref_slice %arg9[%dma_start3A_140, %dma_start3A_141] : memref<10112x128xf32, #tpu.memory_space<vmem_shared>> -> memref<10112x128xf32, #tpu.memory_space<vmem_shared>>
    tpu.enqueue_indirect_dma source(%arg14 : memref<128x128xf32, #tpu.memory_space<vmem>>) target(%dma_start3A_142 : memref<10112x128xf32, #tpu.memory_space<vmem_shared>>) offsets(%dma_start3A_139 : memref<128xi32, #tpu.memory_space<vmem>>) semaphore(%arg16 : memref<!tpu.dma_semaphore, #tpu.memory_space<semaphore_mem>>) {add = true}
    %dma_start3A_143 = arith.constant 39 : i32
    %dma_start3A_144 = arith.constant 0 : i32
    %dma_start3A_145 = tpu.memref_slice %arg12[%dma_start3A_143, %dma_start3A_144] : memref<40x128xi32, #tpu.memory_space<vmem>> -> memref<1x128xi32, #tpu.memory_space<vmem>>
    %dma_start3A_146 = tpu.memref_squeeze %dma_start3A_145 : memref<1x128xi32, #tpu.memory_space<vmem>> -> memref<128xi32, #tpu.memory_space<vmem>>
    %dma_start3A_147 = arith.constant 0 : i32
    %dma_start3A_148 = tpu.memref_slice %arg10[%dma_start3A_147] : memref<10240xf32, #tpu.memory_space<vmem_shared>> -> memref<10240xf32, #tpu.memory_space<vmem_shared>>
    tpu.enqueue_indirect_dma source(%arg18 : memref<128xf32, #tpu.memory_space<vmem>>) target(%dma_start3A_148 : memref<10240xf32, #tpu.memory_space<vmem_shared>>) offsets(%dma_start3A_146 : memref<128xi32, #tpu.memory_space<vmem>>) semaphore(%arg19 : memref<!tpu.dma_semaphore, #tpu.memory_space<semaphore_mem>>) {add = true}
    %dma_wait3A_149 = arith.constant 39 : i32
    %dma_wait3A_150 = arith.constant 0 : i32
    %dma_wait3A_151 = tpu.memref_slice %arg12[%dma_wait3A_149, %dma_wait3A_150] : memref<40x128xi32, #tpu.memory_space<vmem>> -> memref<1x128xi32, #tpu.memory_space<vmem>>
    %dma_wait3A_152 = tpu.memref_squeeze %dma_wait3A_151 : memref<1x128xi32, #tpu.memory_space<vmem>> -> memref<128xi32, #tpu.memory_space<vmem>>
    %dma_wait3A_153 = arith.constant 0 : i32
    %dma_wait3A_154 = arith.constant 0 : i32
    %dma_wait3A_155 = tpu.memref_slice %arg9[%dma_wait3A_153, %dma_wait3A_154] : memref<10112x128xf32, #tpu.memory_space<vmem_shared>> -> memref<10112x128xf32, #tpu.memory_space<vmem_shared>>
    tpu.wait_indirect_dma semaphore(%arg16 : memref<!tpu.dma_semaphore, #tpu.memory_space<semaphore_mem>>) src(%arg14 : memref<128x128xf32, #tpu.memory_space<vmem>>) dst(%dma_wait3A_155 : memref<10112x128xf32, #tpu.memory_space<vmem_shared>>)
    %dma_wait3A_156 = arith.constant 39 : i32
    %dma_wait3A_157 = arith.constant 0 : i32
    %dma_wait3A_158 = tpu.memref_slice %arg12[%dma_wait3A_156, %dma_wait3A_157] : memref<40x128xi32, #tpu.memory_space<vmem>> -> memref<1x128xi32, #tpu.memory_space<vmem>>
    %dma_wait3A_159 = tpu.memref_squeeze %dma_wait3A_158 : memref<1x128xi32, #tpu.memory_space<vmem>> -> memref<128xi32, #tpu.memory_space<vmem>>
    %dma_wait3A_160 = arith.constant 0 : i32
    %dma_wait3A_161 = tpu.memref_slice %arg10[%dma_wait3A_160] : memref<10240xf32, #tpu.memory_space<vmem_shared>> -> memref<10240xf32, #tpu.memory_space<vmem_shared>>
    tpu.wait_indirect_dma semaphore(%arg19 : memref<!tpu.dma_semaphore, #tpu.memory_space<semaphore_mem>>) src(%arg18 : memref<128xf32, #tpu.memory_space<vmem>>) dst(%dma_wait3A_161 : memref<10240xf32, #tpu.memory_space<vmem_shared>>)
    %mul3A_162 = arith.constant 80 : i32
    %mul3A_163 = arith.muli %add3A, %mul3A_162 : i32
    %add3A_164 = arith.constant 40 : i32
    %add3A_165 = arith.addi %mul3A_163, %add3A_164 : i32
    "tpu.region"() ({
      %run_scoped3A = tpu.sem_alloc : memref<!tpu.dma_semaphore, #tpu.memory_space<semaphore_mem>>
      %dma_start3A_264 = arith.constant 0 : i32
      %dma_start3A_265 = tpu.memref_slice %arg3[%add3A_165, %dma_start3A_264] : memref<2560x128xi32, #tpu.memory_space<hbm>> -> memref<40x128xi32, #tpu.memory_space<hbm>>
      %dma_start3A_266 = arith.constant 0 : i32
      %dma_start3A_267 = tpu.memref_slice %arg3[%add3A_165, %dma_start3A_266] : memref<2560x128xi32, #tpu.memory_space<hbm>> -> memref<40x128xi32, #tpu.memory_space<hbm>>
      tpu.enqueue_dma source(%dma_start3A_267 : memref<40x128xi32, #tpu.memory_space<hbm>>) target(%arg11 : memref<40x128xi32, #tpu.memory_space<vmem>>) target_semaphore(%run_scoped3A : memref<!tpu.dma_semaphore, #tpu.memory_space<semaphore_mem>>)
      %dma_wait3A_268 = arith.constant 0 : i32
      %dma_wait3A_269 = tpu.memref_slice %arg3[%add3A_165, %dma_wait3A_268] : memref<2560x128xi32, #tpu.memory_space<hbm>> -> memref<40x128xi32, #tpu.memory_space<hbm>>
      %dma_wait3A_270 = arith.constant 0 : i32
      %dma_wait3A_271 = tpu.memref_slice %arg3[%add3A_165, %dma_wait3A_270] : memref<2560x128xi32, #tpu.memory_space<hbm>> -> memref<40x128xi32, #tpu.memory_space<hbm>>
      tpu.wait_dma2 semaphore(%run_scoped3A : memref<!tpu.dma_semaphore, #tpu.memory_space<semaphore_mem>>) src(%dma_wait3A_271 : memref<40x128xi32, #tpu.memory_space<hbm>>) dst(%arg11 : memref<40x128xi32, #tpu.memory_space<vmem>>)
      tpu.yield
    }) : () -> ()
    "tpu.region"() ({
      %run_scoped3A = tpu.sem_alloc : memref<!tpu.dma_semaphore, #tpu.memory_space<semaphore_mem>>
      %dma_start3A_264 = arith.constant 0 : i32
      %dma_start3A_265 = tpu.memref_slice %arg4[%add3A_165, %dma_start3A_264] : memref<2560x128xi32, #tpu.memory_space<hbm>> -> memref<40x128xi32, #tpu.memory_space<hbm>>
      %dma_start3A_266 = arith.constant 0 : i32
      %dma_start3A_267 = tpu.memref_slice %arg4[%add3A_165, %dma_start3A_266] : memref<2560x128xi32, #tpu.memory_space<hbm>> -> memref<40x128xi32, #tpu.memory_space<hbm>>
      tpu.enqueue_dma source(%dma_start3A_267 : memref<40x128xi32, #tpu.memory_space<hbm>>) target(%arg12 : memref<40x128xi32, #tpu.memory_space<vmem>>) target_semaphore(%run_scoped3A : memref<!tpu.dma_semaphore, #tpu.memory_space<semaphore_mem>>)
      %dma_wait3A_268 = arith.constant 0 : i32
      %dma_wait3A_269 = tpu.memref_slice %arg4[%add3A_165, %dma_wait3A_268] : memref<2560x128xi32, #tpu.memory_space<hbm>> -> memref<40x128xi32, #tpu.memory_space<hbm>>
      %dma_wait3A_270 = arith.constant 0 : i32
      %dma_wait3A_271 = tpu.memref_slice %arg4[%add3A_165, %dma_wait3A_270] : memref<2560x128xi32, #tpu.memory_space<hbm>> -> memref<40x128xi32, #tpu.memory_space<hbm>>
      tpu.wait_dma2 semaphore(%run_scoped3A : memref<!tpu.dma_semaphore, #tpu.memory_space<semaphore_mem>>) src(%dma_wait3A_271 : memref<40x128xi32, #tpu.memory_space<hbm>>) dst(%arg12 : memref<40x128xi32, #tpu.memory_space<vmem>>)
      tpu.yield
    }) : () -> ()
    %dma_start3A_166 = arith.constant 0 : i32
    %dma_start3A_167 = arith.constant 0 : i32
    %dma_start3A_168 = tpu.memref_slice %arg11[%dma_start3A_166, %dma_start3A_167] : memref<40x128xi32, #tpu.memory_space<vmem>> -> memref<1x128xi32, #tpu.memory_space<vmem>>
    %dma_start3A_169 = tpu.memref_squeeze %dma_start3A_168 : memref<1x128xi32, #tpu.memory_space<vmem>> -> memref<128xi32, #tpu.memory_space<vmem>>
    %dma_start3A_170 = arith.constant 0 : i32
    %dma_start3A_171 = arith.constant 0 : i32
    %dma_start3A_172 = tpu.memref_slice %arg2[%dma_start3A_170, %dma_start3A_171] : memref<10000x128xf32, #tpu.memory_space<hbm>> -> memref<10000x128xf32, #tpu.memory_space<hbm>>
    tpu.enqueue_indirect_dma source(%dma_start3A_172 : memref<10000x128xf32, #tpu.memory_space<hbm>>) target(%arg13 : memref<128x128xf32, #tpu.memory_space<vmem>>) offsets(%dma_start3A_169 : memref<128xi32, #tpu.memory_space<vmem>>) semaphore(%arg15 : memref<!tpu.dma_semaphore, #tpu.memory_space<semaphore_mem>>)
    %dma_wait3A_173 = arith.constant 0 : i32
    %dma_wait3A_174 = arith.constant 0 : i32
    %dma_wait3A_175 = tpu.memref_slice %arg11[%dma_wait3A_173, %dma_wait3A_174] : memref<40x128xi32, #tpu.memory_space<vmem>> -> memref<1x128xi32, #tpu.memory_space<vmem>>
    %dma_wait3A_176 = tpu.memref_squeeze %dma_wait3A_175 : memref<1x128xi32, #tpu.memory_space<vmem>> -> memref<128xi32, #tpu.memory_space<vmem>>
    %dma_wait3A_177 = arith.constant 0 : i32
    %dma_wait3A_178 = arith.constant 0 : i32
    %dma_wait3A_179 = tpu.memref_slice %arg2[%dma_wait3A_177, %dma_wait3A_178] : memref<10000x128xf32, #tpu.memory_space<hbm>> -> memref<10000x128xf32, #tpu.memory_space<hbm>>
    tpu.wait_indirect_dma semaphore(%arg15 : memref<!tpu.dma_semaphore, #tpu.memory_space<semaphore_mem>>) src(%dma_wait3A_179 : memref<10000x128xf32, #tpu.memory_space<hbm>>) dst(%arg13 : memref<128x128xf32, #tpu.memory_space<vmem>>)
    %dma_start3A_180 = arith.constant 1 : i32
    %dma_start3A_181 = arith.constant 0 : i32
    %dma_start3A_182 = tpu.memref_slice %arg11[%dma_start3A_180, %dma_start3A_181] : memref<40x128xi32, #tpu.memory_space<vmem>> -> memref<1x128xi32, #tpu.memory_space<vmem>>
    %dma_start3A_183 = tpu.memref_squeeze %dma_start3A_182 : memref<1x128xi32, #tpu.memory_space<vmem>> -> memref<128xi32, #tpu.memory_space<vmem>>
    %dma_start3A_184 = arith.constant 0 : i32
    %dma_start3A_185 = arith.constant 0 : i32
    %dma_start3A_186 = tpu.memref_slice %arg2[%dma_start3A_184, %dma_start3A_185] : memref<10000x128xf32, #tpu.memory_space<hbm>> -> memref<10000x128xf32, #tpu.memory_space<hbm>>
    tpu.enqueue_indirect_dma source(%dma_start3A_186 : memref<10000x128xf32, #tpu.memory_space<hbm>>) target(%arg14 : memref<128x128xf32, #tpu.memory_space<vmem>>) offsets(%dma_start3A_183 : memref<128xi32, #tpu.memory_space<vmem>>) semaphore(%arg15 : memref<!tpu.dma_semaphore, #tpu.memory_space<semaphore_mem>>)
    %dma_start3A_187 = arith.constant 0 : i32
    %dma_start3A_188 = arith.constant 0 : i32
    %dma_start3A_189 = tpu.memref_slice %arg12[%dma_start3A_187, %dma_start3A_188] : memref<40x128xi32, #tpu.memory_space<vmem>> -> memref<1x128xi32, #tpu.memory_space<vmem>>
    %dma_start3A_190 = tpu.memref_squeeze %dma_start3A_189 : memref<1x128xi32, #tpu.memory_space<vmem>> -> memref<128xi32, #tpu.memory_space<vmem>>
    %dma_start3A_191 = arith.constant 0 : i32
    %dma_start3A_192 = arith.constant 0 : i32
    %dma_start3A_193 = tpu.memref_slice %arg9[%dma_start3A_191, %dma_start3A_192] : memref<10112x128xf32, #tpu.memory_space<vmem_shared>> -> memref<10112x128xf32, #tpu.memory_space<vmem_shared>>
    tpu.enqueue_indirect_dma source(%arg13 : memref<128x128xf32, #tpu.memory_space<vmem>>) target(%dma_start3A_193 : memref<10112x128xf32, #tpu.memory_space<vmem_shared>>) offsets(%dma_start3A_190 : memref<128xi32, #tpu.memory_space<vmem>>) semaphore(%arg16 : memref<!tpu.dma_semaphore, #tpu.memory_space<semaphore_mem>>) {add = true}
    %dma_start3A_194 = arith.constant 0 : i32
    %dma_start3A_195 = arith.constant 0 : i32
    %dma_start3A_196 = tpu.memref_slice %arg12[%dma_start3A_194, %dma_start3A_195] : memref<40x128xi32, #tpu.memory_space<vmem>> -> memref<1x128xi32, #tpu.memory_space<vmem>>
    %dma_start3A_197 = tpu.memref_squeeze %dma_start3A_196 : memref<1x128xi32, #tpu.memory_space<vmem>> -> memref<128xi32, #tpu.memory_space<vmem>>
    %dma_start3A_198 = arith.constant 0 : i32
    %dma_start3A_199 = tpu.memref_slice %arg10[%dma_start3A_198] : memref<10240xf32, #tpu.memory_space<vmem_shared>> -> memref<10240xf32, #tpu.memory_space<vmem_shared>>
    tpu.enqueue_indirect_dma source(%arg18 : memref<128xf32, #tpu.memory_space<vmem>>) target(%dma_start3A_199 : memref<10240xf32, #tpu.memory_space<vmem_shared>>) offsets(%dma_start3A_197 : memref<128xi32, #tpu.memory_space<vmem>>) semaphore(%arg19 : memref<!tpu.dma_semaphore, #tpu.memory_space<semaphore_mem>>) {add = true}
    %scan3A_200 = arith.constant 0 : i32
    %scan3A_201 = arith.constant 0 : i32
    %scan3A_202 = arith.constant 19 : i32
    %scan3A_203 = arith.addi %scan3A_201, %scan3A_202 : i32
    %scan3A_204 = arith.constant 1 : i32
    scf.for %scan3A_264 = %scan3A_201 to %scan3A_203 step %scan3A_204  : i32 {
      %mul3A_265 = arith.constant 2 : i32
      %mul3A_266 = arith.muli %mul3A_265, %scan3A_264 : i32
      %add3A_267 = arith.constant 1 : i32
      %add3A_268 = arith.addi %mul3A_266, %add3A_267 : i32
      %add3A_269 = arith.constant 0 : i32
      %add3A_270 = arith.addi %add3A_268, %add3A_269 : i32
      %dma_wait3A_271 = arith.constant 0 : i32
      %dma_wait3A_272 = tpu.memref_slice %arg11[%add3A_270, %dma_wait3A_271] : memref<40x128xi32, #tpu.memory_space<vmem>> -> memref<1x128xi32, #tpu.memory_space<vmem>>
      %dma_wait3A_273 = tpu.memref_squeeze %dma_wait3A_272 : memref<1x128xi32, #tpu.memory_space<vmem>> -> memref<128xi32, #tpu.memory_space<vmem>>
      %dma_wait3A_274 = arith.constant 0 : i32
      %dma_wait3A_275 = arith.constant 0 : i32
      %dma_wait3A_276 = tpu.memref_slice %arg2[%dma_wait3A_274, %dma_wait3A_275] : memref<10000x128xf32, #tpu.memory_space<hbm>> -> memref<10000x128xf32, #tpu.memory_space<hbm>>
      tpu.wait_indirect_dma semaphore(%arg15 : memref<!tpu.dma_semaphore, #tpu.memory_space<semaphore_mem>>) src(%dma_wait3A_276 : memref<10000x128xf32, #tpu.memory_space<hbm>>) dst(%arg14 : memref<128x128xf32, #tpu.memory_space<vmem>>)
      %sub3A = arith.constant 1 : i32
      %sub3A_277 = arith.subi %add3A_270, %sub3A : i32
      %dma_wait3A_278 = arith.constant 0 : i32
      %dma_wait3A_279 = tpu.memref_slice %arg12[%sub3A_277, %dma_wait3A_278] : memref<40x128xi32, #tpu.memory_space<vmem>> -> memref<1x128xi32, #tpu.memory_space<vmem>>
      %dma_wait3A_280 = tpu.memref_squeeze %dma_wait3A_279 : memref<1x128xi32, #tpu.memory_space<vmem>> -> memref<128xi32, #tpu.memory_space<vmem>>
      %dma_wait3A_281 = arith.constant 0 : i32
      %dma_wait3A_282 = arith.constant 0 : i32
      %dma_wait3A_283 = tpu.memref_slice %arg9[%dma_wait3A_281, %dma_wait3A_282] : memref<10112x128xf32, #tpu.memory_space<vmem_shared>> -> memref<10112x128xf32, #tpu.memory_space<vmem_shared>>
      tpu.wait_indirect_dma semaphore(%arg16 : memref<!tpu.dma_semaphore, #tpu.memory_space<semaphore_mem>>) src(%arg13 : memref<128x128xf32, #tpu.memory_space<vmem>>) dst(%dma_wait3A_283 : memref<10112x128xf32, #tpu.memory_space<vmem_shared>>)
      %dma_wait3A_284 = arith.constant 0 : i32
      %dma_wait3A_285 = tpu.memref_slice %arg12[%sub3A_277, %dma_wait3A_284] : memref<40x128xi32, #tpu.memory_space<vmem>> -> memref<1x128xi32, #tpu.memory_space<vmem>>
      %dma_wait3A_286 = tpu.memref_squeeze %dma_wait3A_285 : memref<1x128xi32, #tpu.memory_space<vmem>> -> memref<128xi32, #tpu.memory_space<vmem>>
      %dma_wait3A_287 = arith.constant 0 : i32
      %dma_wait3A_288 = tpu.memref_slice %arg10[%dma_wait3A_287] : memref<10240xf32, #tpu.memory_space<vmem_shared>> -> memref<10240xf32, #tpu.memory_space<vmem_shared>>
      tpu.wait_indirect_dma semaphore(%arg19 : memref<!tpu.dma_semaphore, #tpu.memory_space<semaphore_mem>>) src(%arg18 : memref<128xf32, #tpu.memory_space<vmem>>) dst(%dma_wait3A_288 : memref<10240xf32, #tpu.memory_space<vmem_shared>>)
      %add3A_289 = arith.constant 1 : i32
      %add3A_290 = arith.addi %add3A_270, %add3A_289 : i32
      %dma_start3A_291 = arith.constant 0 : i32
      %dma_start3A_292 = tpu.memref_slice %arg11[%add3A_290, %dma_start3A_291] : memref<40x128xi32, #tpu.memory_space<vmem>> -> memref<1x128xi32, #tpu.memory_space<vmem>>
      %dma_start3A_293 = tpu.memref_squeeze %dma_start3A_292 : memref<1x128xi32, #tpu.memory_space<vmem>> -> memref<128xi32, #tpu.memory_space<vmem>>
      %dma_start3A_294 = arith.constant 0 : i32
      %dma_start3A_295 = arith.constant 0 : i32
      %dma_start3A_296 = tpu.memref_slice %arg2[%dma_start3A_294, %dma_start3A_295] : memref<10000x128xf32, #tpu.memory_space<hbm>> -> memref<10000x128xf32, #tpu.memory_space<hbm>>
      tpu.enqueue_indirect_dma source(%dma_start3A_296 : memref<10000x128xf32, #tpu.memory_space<hbm>>) target(%arg13 : memref<128x128xf32, #tpu.memory_space<vmem>>) offsets(%dma_start3A_293 : memref<128xi32, #tpu.memory_space<vmem>>) semaphore(%arg15 : memref<!tpu.dma_semaphore, #tpu.memory_space<semaphore_mem>>)
      %dma_start3A_297 = arith.constant 0 : i32
      %dma_start3A_298 = tpu.memref_slice %arg12[%add3A_270, %dma_start3A_297] : memref<40x128xi32, #tpu.memory_space<vmem>> -> memref<1x128xi32, #tpu.memory_space<vmem>>
      %dma_start3A_299 = tpu.memref_squeeze %dma_start3A_298 : memref<1x128xi32, #tpu.memory_space<vmem>> -> memref<128xi32, #tpu.memory_space<vmem>>
      %dma_start3A_300 = arith.constant 0 : i32
      %dma_start3A_301 = arith.constant 0 : i32
      %dma_start3A_302 = tpu.memref_slice %arg9[%dma_start3A_300, %dma_start3A_301] : memref<10112x128xf32, #tpu.memory_space<vmem_shared>> -> memref<10112x128xf32, #tpu.memory_space<vmem_shared>>
      tpu.enqueue_indirect_dma source(%arg14 : memref<128x128xf32, #tpu.memory_space<vmem>>) target(%dma_start3A_302 : memref<10112x128xf32, #tpu.memory_space<vmem_shared>>) offsets(%dma_start3A_299 : memref<128xi32, #tpu.memory_space<vmem>>) semaphore(%arg16 : memref<!tpu.dma_semaphore, #tpu.memory_space<semaphore_mem>>) {add = true}
      %dma_start3A_303 = arith.constant 0 : i32
      %dma_start3A_304 = tpu.memref_slice %arg12[%add3A_270, %dma_start3A_303] : memref<40x128xi32, #tpu.memory_space<vmem>> -> memref<1x128xi32, #tpu.memory_space<vmem>>
      %dma_start3A_305 = tpu.memref_squeeze %dma_start3A_304 : memref<1x128xi32, #tpu.memory_space<vmem>> -> memref<128xi32, #tpu.memory_space<vmem>>
      %dma_start3A_306 = arith.constant 0 : i32
      %dma_start3A_307 = tpu.memref_slice %arg10[%dma_start3A_306] : memref<10240xf32, #tpu.memory_space<vmem_shared>> -> memref<10240xf32, #tpu.memory_space<vmem_shared>>
      tpu.enqueue_indirect_dma source(%arg18 : memref<128xf32, #tpu.memory_space<vmem>>) target(%dma_start3A_307 : memref<10240xf32, #tpu.memory_space<vmem_shared>>) offsets(%dma_start3A_305 : memref<128xi32, #tpu.memory_space<vmem>>) semaphore(%arg19 : memref<!tpu.dma_semaphore, #tpu.memory_space<semaphore_mem>>) {add = true}
      %mul3A_308 = arith.constant 2 : i32
      %mul3A_309 = arith.muli %mul3A_308, %scan3A_264 : i32
      %add3A_310 = arith.constant 1 : i32
      %add3A_311 = arith.addi %mul3A_309, %add3A_310 : i32
      %add3A_312 = arith.constant 1 : i32
      %add3A_313 = arith.addi %add3A_311, %add3A_312 : i32
      %dma_wait3A_314 = arith.constant 0 : i32
      %dma_wait3A_315 = tpu.memref_slice %arg11[%add3A_313, %dma_wait3A_314] : memref<40x128xi32, #tpu.memory_space<vmem>> -> memref<1x128xi32, #tpu.memory_space<vmem>>
      %dma_wait3A_316 = tpu.memref_squeeze %dma_wait3A_315 : memref<1x128xi32, #tpu.memory_space<vmem>> -> memref<128xi32, #tpu.memory_space<vmem>>
      %dma_wait3A_317 = arith.constant 0 : i32
      %dma_wait3A_318 = arith.constant 0 : i32
      %dma_wait3A_319 = tpu.memref_slice %arg2[%dma_wait3A_317, %dma_wait3A_318] : memref<10000x128xf32, #tpu.memory_space<hbm>> -> memref<10000x128xf32, #tpu.memory_space<hbm>>
      tpu.wait_indirect_dma semaphore(%arg15 : memref<!tpu.dma_semaphore, #tpu.memory_space<semaphore_mem>>) src(%dma_wait3A_319 : memref<10000x128xf32, #tpu.memory_space<hbm>>) dst(%arg13 : memref<128x128xf32, #tpu.memory_space<vmem>>)
      %sub3A_320 = arith.constant 1 : i32
      %sub3A_321 = arith.subi %add3A_313, %sub3A_320 : i32
      %dma_wait3A_322 = arith.constant 0 : i32
      %dma_wait3A_323 = tpu.memref_slice %arg12[%sub3A_321, %dma_wait3A_322] : memref<40x128xi32, #tpu.memory_space<vmem>> -> memref<1x128xi32, #tpu.memory_space<vmem>>
      %dma_wait3A_324 = tpu.memref_squeeze %dma_wait3A_323 : memref<1x128xi32, #tpu.memory_space<vmem>> -> memref<128xi32, #tpu.memory_space<vmem>>
      %dma_wait3A_325 = arith.constant 0 : i32
      %dma_wait3A_326 = arith.constant 0 : i32
      %dma_wait3A_327 = tpu.memref_slice %arg9[%dma_wait3A_325, %dma_wait3A_326] : memref<10112x128xf32, #tpu.memory_space<vmem_shared>> -> memref<10112x128xf32, #tpu.memory_space<vmem_shared>>
      tpu.wait_indirect_dma semaphore(%arg16 : memref<!tpu.dma_semaphore, #tpu.memory_space<semaphore_mem>>) src(%arg14 : memref<128x128xf32, #tpu.memory_space<vmem>>) dst(%dma_wait3A_327 : memref<10112x128xf32, #tpu.memory_space<vmem_shared>>)
      %dma_wait3A_328 = arith.constant 0 : i32
      %dma_wait3A_329 = tpu.memref_slice %arg12[%sub3A_321, %dma_wait3A_328] : memref<40x128xi32, #tpu.memory_space<vmem>> -> memref<1x128xi32, #tpu.memory_space<vmem>>
      %dma_wait3A_330 = tpu.memref_squeeze %dma_wait3A_329 : memref<1x128xi32, #tpu.memory_space<vmem>> -> memref<128xi32, #tpu.memory_space<vmem>>
      %dma_wait3A_331 = arith.constant 0 : i32
      %dma_wait3A_332 = tpu.memref_slice %arg10[%dma_wait3A_331] : memref<10240xf32, #tpu.memory_space<vmem_shared>> -> memref<10240xf32, #tpu.memory_space<vmem_shared>>
      tpu.wait_indirect_dma semaphore(%arg19 : memref<!tpu.dma_semaphore, #tpu.memory_space<semaphore_mem>>) src(%arg18 : memref<128xf32, #tpu.memory_space<vmem>>) dst(%dma_wait3A_332 : memref<10240xf32, #tpu.memory_space<vmem_shared>>)
      %add3A_333 = arith.constant 1 : i32
      %add3A_334 = arith.addi %add3A_313, %add3A_333 : i32
      %dma_start3A_335 = arith.constant 0 : i32
      %dma_start3A_336 = tpu.memref_slice %arg11[%add3A_334, %dma_start3A_335] : memref<40x128xi32, #tpu.memory_space<vmem>> -> memref<1x128xi32, #tpu.memory_space<vmem>>
      %dma_start3A_337 = tpu.memref_squeeze %dma_start3A_336 : memref<1x128xi32, #tpu.memory_space<vmem>> -> memref<128xi32, #tpu.memory_space<vmem>>
      %dma_start3A_338 = arith.constant 0 : i32
      %dma_start3A_339 = arith.constant 0 : i32
      %dma_start3A_340 = tpu.memref_slice %arg2[%dma_start3A_338, %dma_start3A_339] : memref<10000x128xf32, #tpu.memory_space<hbm>> -> memref<10000x128xf32, #tpu.memory_space<hbm>>
      tpu.enqueue_indirect_dma source(%dma_start3A_340 : memref<10000x128xf32, #tpu.memory_space<hbm>>) target(%arg14 : memref<128x128xf32, #tpu.memory_space<vmem>>) offsets(%dma_start3A_337 : memref<128xi32, #tpu.memory_space<vmem>>) semaphore(%arg15 : memref<!tpu.dma_semaphore, #tpu.memory_space<semaphore_mem>>)
      %dma_start3A_341 = arith.constant 0 : i32
      %dma_start3A_342 = tpu.memref_slice %arg12[%add3A_313, %dma_start3A_341] : memref<40x128xi32, #tpu.memory_space<vmem>> -> memref<1x128xi32, #tpu.memory_space<vmem>>
      %dma_start3A_343 = tpu.memref_squeeze %dma_start3A_342 : memref<1x128xi32, #tpu.memory_space<vmem>> -> memref<128xi32, #tpu.memory_space<vmem>>
      %dma_start3A_344 = arith.constant 0 : i32
      %dma_start3A_345 = arith.constant 0 : i32
      %dma_start3A_346 = tpu.memref_slice %arg9[%dma_start3A_344, %dma_start3A_345] : memref<10112x128xf32, #tpu.memory_space<vmem_shared>> -> memref<10112x128xf32, #tpu.memory_space<vmem_shared>>
      tpu.enqueue_indirect_dma source(%arg13 : memref<128x128xf32, #tpu.memory_space<vmem>>) target(%dma_start3A_346 : memref<10112x128xf32, #tpu.memory_space<vmem_shared>>) offsets(%dma_start3A_343 : memref<128xi32, #tpu.memory_space<vmem>>) semaphore(%arg16 : memref<!tpu.dma_semaphore, #tpu.memory_space<semaphore_mem>>) {add = true}
      %dma_start3A_347 = arith.constant 0 : i32
      %dma_start3A_348 = tpu.memref_slice %arg12[%add3A_313, %dma_start3A_347] : memref<40x128xi32, #tpu.memory_space<vmem>> -> memref<1x128xi32, #tpu.memory_space<vmem>>
      %dma_start3A_349 = tpu.memref_squeeze %dma_start3A_348 : memref<1x128xi32, #tpu.memory_space<vmem>> -> memref<128xi32, #tpu.memory_space<vmem>>
      %dma_start3A_350 = arith.constant 0 : i32
      %dma_start3A_351 = tpu.memref_slice %arg10[%dma_start3A_350] : memref<10240xf32, #tpu.memory_space<vmem_shared>> -> memref<10240xf32, #tpu.memory_space<vmem_shared>>
      tpu.enqueue_indirect_dma source(%arg18 : memref<128xf32, #tpu.memory_space<vmem>>) target(%dma_start3A_351 : memref<10240xf32, #tpu.memory_space<vmem_shared>>) offsets(%dma_start3A_349 : memref<128xi32, #tpu.memory_space<vmem>>) semaphore(%arg19 : memref<!tpu.dma_semaphore, #tpu.memory_space<semaphore_mem>>) {add = true}
    }
    %scan3A_205 = arith.constant 19 : i32
    %dma_wait3A_206 = arith.constant 39 : i32
    %dma_wait3A_207 = arith.constant 0 : i32
    %dma_wait3A_208 = tpu.memref_slice %arg11[%dma_wait3A_206, %dma_wait3A_207] : memref<40x128xi32, #tpu.memory_space<vmem>> -> memref<1x128xi32, #tpu.memory_space<vmem>>
    %dma_wait3A_209 = tpu.memref_squeeze %dma_wait3A_208 : memref<1x128xi32, #tpu.memory_space<vmem>> -> memref<128xi32, #tpu.memory_space<vmem>>
    %dma_wait3A_210 = arith.constant 0 : i32
    %dma_wait3A_211 = arith.constant 0 : i32
    %dma_wait3A_212 = tpu.memref_slice %arg2[%dma_wait3A_210, %dma_wait3A_211] : memref<10000x128xf32, #tpu.memory_space<hbm>> -> memref<10000x128xf32, #tpu.memory_space<hbm>>
    tpu.wait_indirect_dma semaphore(%arg15 : memref<!tpu.dma_semaphore, #tpu.memory_space<semaphore_mem>>) src(%dma_wait3A_212 : memref<10000x128xf32, #tpu.memory_space<hbm>>) dst(%arg14 : memref<128x128xf32, #tpu.memory_space<vmem>>)
    %dma_wait3A_213 = arith.constant 38 : i32
    %dma_wait3A_214 = arith.constant 0 : i32
    %dma_wait3A_215 = tpu.memref_slice %arg12[%dma_wait3A_213, %dma_wait3A_214] : memref<40x128xi32, #tpu.memory_space<vmem>> -> memref<1x128xi32, #tpu.memory_space<vmem>>
    %dma_wait3A_216 = tpu.memref_squeeze %dma_wait3A_215 : memref<1x128xi32, #tpu.memory_space<vmem>> -> memref<128xi32, #tpu.memory_space<vmem>>
    %dma_wait3A_217 = arith.constant 0 : i32
    %dma_wait3A_218 = arith.constant 0 : i32
    %dma_wait3A_219 = tpu.memref_slice %arg9[%dma_wait3A_217, %dma_wait3A_218] : memref<10112x128xf32, #tpu.memory_space<vmem_shared>> -> memref<10112x128xf32, #tpu.memory_space<vmem_shared>>
    tpu.wait_indirect_dma semaphore(%arg16 : memref<!tpu.dma_semaphore, #tpu.memory_space<semaphore_mem>>) src(%arg13 : memref<128x128xf32, #tpu.memory_space<vmem>>) dst(%dma_wait3A_219 : memref<10112x128xf32, #tpu.memory_space<vmem_shared>>)
    %dma_wait3A_220 = arith.constant 38 : i32
    %dma_wait3A_221 = arith.constant 0 : i32
    %dma_wait3A_222 = tpu.memref_slice %arg12[%dma_wait3A_220, %dma_wait3A_221] : memref<40x128xi32, #tpu.memory_space<vmem>> -> memref<1x128xi32, #tpu.memory_space<vmem>>
    %dma_wait3A_223 = tpu.memref_squeeze %dma_wait3A_222 : memref<1x128xi32, #tpu.memory_space<vmem>> -> memref<128xi32, #tpu.memory_space<vmem>>
    %dma_wait3A_224 = arith.constant 0 : i32
    %dma_wait3A_225 = tpu.memref_slice %arg10[%dma_wait3A_224] : memref<10240xf32, #tpu.memory_space<vmem_shared>> -> memref<10240xf32, #tpu.memory_space<vmem_shared>>
    tpu.wait_indirect_dma semaphore(%arg19 : memref<!tpu.dma_semaphore, #tpu.memory_space<semaphore_mem>>) src(%arg18 : memref<128xf32, #tpu.memory_space<vmem>>) dst(%dma_wait3A_225 : memref<10240xf32, #tpu.memory_space<vmem_shared>>)
    %dma_start3A_226 = arith.constant 39 : i32
    %dma_start3A_227 = arith.constant 0 : i32
    %dma_start3A_228 = tpu.memref_slice %arg12[%dma_start3A_226, %dma_start3A_227] : memref<40x128xi32, #tpu.memory_space<vmem>> -> memref<1x128xi32, #tpu.memory_space<vmem>>
    %dma_start3A_229 = tpu.memref_squeeze %dma_start3A_228 : memref<1x128xi32, #tpu.memory_space<vmem>> -> memref<128xi32, #tpu.memory_space<vmem>>
    %dma_start3A_230 = arith.constant 0 : i32
    %dma_start3A_231 = arith.constant 0 : i32
    %dma_start3A_232 = tpu.memref_slice %arg9[%dma_start3A_230, %dma_start3A_231] : memref<10112x128xf32, #tpu.memory_space<vmem_shared>> -> memref<10112x128xf32, #tpu.memory_space<vmem_shared>>
    tpu.enqueue_indirect_dma source(%arg14 : memref<128x128xf32, #tpu.memory_space<vmem>>) target(%dma_start3A_232 : memref<10112x128xf32, #tpu.memory_space<vmem_shared>>) offsets(%dma_start3A_229 : memref<128xi32, #tpu.memory_space<vmem>>) semaphore(%arg16 : memref<!tpu.dma_semaphore, #tpu.memory_space<semaphore_mem>>) {add = true}
    %dma_start3A_233 = arith.constant 39 : i32
    %dma_start3A_234 = arith.constant 0 : i32
    %dma_start3A_235 = tpu.memref_slice %arg12[%dma_start3A_233, %dma_start3A_234] : memref<40x128xi32, #tpu.memory_space<vmem>> -> memref<1x128xi32, #tpu.memory_space<vmem>>
    %dma_start3A_236 = tpu.memref_squeeze %dma_start3A_235 : memref<1x128xi32, #tpu.memory_space<vmem>> -> memref<128xi32, #tpu.memory_space<vmem>>
    %dma_start3A_237 = arith.constant 0 : i32
    %dma_start3A_238 = tpu.memref_slice %arg10[%dma_start3A_237] : memref<10240xf32, #tpu.memory_space<vmem_shared>> -> memref<10240xf32, #tpu.memory_space<vmem_shared>>
    tpu.enqueue_indirect_dma source(%arg18 : memref<128xf32, #tpu.memory_space<vmem>>) target(%dma_start3A_238 : memref<10240xf32, #tpu.memory_space<vmem_shared>>) offsets(%dma_start3A_236 : memref<128xi32, #tpu.memory_space<vmem>>) semaphore(%arg19 : memref<!tpu.dma_semaphore, #tpu.memory_space<semaphore_mem>>) {add = true}
    %dma_wait3A_239 = arith.constant 39 : i32
    %dma_wait3A_240 = arith.constant 0 : i32
    %dma_wait3A_241 = tpu.memref_slice %arg12[%dma_wait3A_239, %dma_wait3A_240] : memref<40x128xi32, #tpu.memory_space<vmem>> -> memref<1x128xi32, #tpu.memory_space<vmem>>
    %dma_wait3A_242 = tpu.memref_squeeze %dma_wait3A_241 : memref<1x128xi32, #tpu.memory_space<vmem>> -> memref<128xi32, #tpu.memory_space<vmem>>
    %dma_wait3A_243 = arith.constant 0 : i32
    %dma_wait3A_244 = arith.constant 0 : i32
    %dma_wait3A_245 = tpu.memref_slice %arg9[%dma_wait3A_243, %dma_wait3A_244] : memref<10112x128xf32, #tpu.memory_space<vmem_shared>> -> memref<10112x128xf32, #tpu.memory_space<vmem_shared>>
    tpu.wait_indirect_dma semaphore(%arg16 : memref<!tpu.dma_semaphore, #tpu.memory_space<semaphore_mem>>) src(%arg14 : memref<128x128xf32, #tpu.memory_space<vmem>>) dst(%dma_wait3A_245 : memref<10112x128xf32, #tpu.memory_space<vmem_shared>>)
    %dma_wait3A_246 = arith.constant 39 : i32
    %dma_wait3A_247 = arith.constant 0 : i32
    %dma_wait3A_248 = tpu.memref_slice %arg12[%dma_wait3A_246, %dma_wait3A_247] : memref<40x128xi32, #tpu.memory_space<vmem>> -> memref<1x128xi32, #tpu.memory_space<vmem>>
    %dma_wait3A_249 = tpu.memref_squeeze %dma_wait3A_248 : memref<1x128xi32, #tpu.memory_space<vmem>> -> memref<128xi32, #tpu.memory_space<vmem>>
    %dma_wait3A_250 = arith.constant 0 : i32
    %dma_wait3A_251 = tpu.memref_slice %arg10[%dma_wait3A_250] : memref<10240xf32, #tpu.memory_space<vmem_shared>> -> memref<10240xf32, #tpu.memory_space<vmem_shared>>
    tpu.wait_indirect_dma semaphore(%arg19 : memref<!tpu.dma_semaphore, #tpu.memory_space<semaphore_mem>>) src(%arg18 : memref<128xf32, #tpu.memory_space<vmem>>) dst(%dma_wait3A_251 : memref<10240xf32, #tpu.memory_space<vmem_shared>>)
    %barrier3A_252 = arith.constant 0 : index
    tpu.barrier barrier_id(%barrier3A_252)
    %mul3A_253 = arith.constant 632 : i32
    %mul3A_254 = arith.muli %arg1, %mul3A_253 : i32
    %mul3A_255 = arith.constant 632 : i32
    %mul3A_256 = arith.muli %arg1, %mul3A_255 : i32
    "tpu.region"() ({
      %run_scoped3A = tpu.sem_alloc : memref<!tpu.dma_semaphore, #tpu.memory_space<semaphore_mem>>
      %dma_start3A_264 = arith.constant 0 : i32
      %dma_start3A_265 = arith.constant 0 : i32
      %dma_start3A_266 = tpu.memref_slice %arg7[%arg0, %dma_start3A_264, %dma_start3A_265] : memref<2x10112x128xf32, #tpu.memory_space<hbm>> -> memref<1x10112x128xf32, #tpu.memory_space<hbm>>
      %dma_start3A_267 = tpu.memref_squeeze %dma_start3A_266 : memref<1x10112x128xf32, #tpu.memory_space<hbm>> -> memref<10112x128xf32, #tpu.memory_space<hbm>>
      %dma_start3A_268 = arith.constant 0 : i32
      %dma_start3A_269 = tpu.memref_slice %dma_start3A_267[%mul3A_256, %dma_start3A_268] : memref<10112x128xf32, #tpu.memory_space<hbm>> -> memref<632x128xf32, #tpu.memory_space<hbm>>
      %dma_start3A_270 = arith.constant 0 : i32
      %dma_start3A_271 = tpu.memref_slice %arg9[%mul3A_254, %dma_start3A_270] : memref<10112x128xf32, #tpu.memory_space<vmem_shared>> -> memref<632x128xf32, #tpu.memory_space<vmem_shared>>
      tpu.enqueue_dma source(%dma_start3A_271 : memref<632x128xf32, #tpu.memory_space<vmem_shared>>) target(%dma_start3A_269 : memref<632x128xf32, #tpu.memory_space<hbm>>) target_semaphore(%run_scoped3A : memref<!tpu.dma_semaphore, #tpu.memory_space<semaphore_mem>>)
      %dma_wait3A_272 = arith.constant 0 : i32
      %dma_wait3A_273 = arith.constant 0 : i32
      %dma_wait3A_274 = tpu.memref_slice %arg7[%arg0, %dma_wait3A_272, %dma_wait3A_273] : memref<2x10112x128xf32, #tpu.memory_space<hbm>> -> memref<1x10112x128xf32, #tpu.memory_space<hbm>>
      %dma_wait3A_275 = tpu.memref_squeeze %dma_wait3A_274 : memref<1x10112x128xf32, #tpu.memory_space<hbm>> -> memref<10112x128xf32, #tpu.memory_space<hbm>>
      %dma_wait3A_276 = arith.constant 0 : i32
      %dma_wait3A_277 = tpu.memref_slice %dma_wait3A_275[%mul3A_256, %dma_wait3A_276] : memref<10112x128xf32, #tpu.memory_space<hbm>> -> memref<632x128xf32, #tpu.memory_space<hbm>>
      %dma_wait3A_278 = arith.constant 0 : i32
      %dma_wait3A_279 = tpu.memref_slice %arg9[%mul3A_254, %dma_wait3A_278] : memref<10112x128xf32, #tpu.memory_space<vmem_shared>> -> memref<632x128xf32, #tpu.memory_space<vmem_shared>>
      tpu.wait_dma2 semaphore(%run_scoped3A : memref<!tpu.dma_semaphore, #tpu.memory_space<semaphore_mem>>) src(%dma_wait3A_279 : memref<632x128xf32, #tpu.memory_space<vmem_shared>>) dst(%dma_wait3A_277 : memref<632x128xf32, #tpu.memory_space<hbm>>)
      tpu.yield
    }) : () -> ()
    %mul3A_257 = arith.constant 640 : i32
    %mul3A_258 = arith.muli %arg1, %mul3A_257 : i32
    %mul3A_259 = arith.constant 10240 : i32
    %mul3A_260 = arith.muli %arg0, %mul3A_259 : i32
    %mul3A_261 = arith.constant 640 : i32
    %mul3A_262 = arith.muli %arg1, %mul3A_261 : i32
    %add3A_263 = arith.addi %mul3A_260, %mul3A_262 : i32
    "tpu.region"() ({
      %run_scoped3A = tpu.sem_alloc : memref<!tpu.dma_semaphore, #tpu.memory_space<semaphore_mem>>
      %dma_start3A_264 = tpu.memref_slice %arg8[%add3A_263] : memref<20480xf32, #tpu.memory_space<hbm>> -> memref<640xf32, #tpu.memory_space<hbm>>
      %dma_start3A_265 = tpu.memref_slice %arg10[%mul3A_258] : memref<10240xf32, #tpu.memory_space<vmem_shared>> -> memref<640xf32, #tpu.memory_space<vmem_shared>>
      tpu.enqueue_dma source(%dma_start3A_265 : memref<640xf32, #tpu.memory_space<vmem_shared>>) target(%dma_start3A_264 : memref<640xf32, #tpu.memory_space<hbm>>) target_semaphore(%run_scoped3A : memref<!tpu.dma_semaphore, #tpu.memory_space<semaphore_mem>>)
      %dma_wait3A_266 = tpu.memref_slice %arg8[%add3A_263] : memref<20480xf32, #tpu.memory_space<hbm>> -> memref<640xf32, #tpu.memory_space<hbm>>
      %dma_wait3A_267 = tpu.memref_slice %arg10[%mul3A_258] : memref<10240xf32, #tpu.memory_space<vmem_shared>> -> memref<640xf32, #tpu.memory_space<vmem_shared>>
      tpu.wait_dma2 semaphore(%run_scoped3A : memref<!tpu.dma_semaphore, #tpu.memory_space<semaphore_mem>>) src(%dma_wait3A_267 : memref<640xf32, #tpu.memory_space<vmem_shared>>) dst(%dma_wait3A_266 : memref<640xf32, #tpu.memory_space<hbm>>)
      tpu.yield
    }) : () -> ()
    return
  }
}

#map = affine_map<(d0, d1) -> (0, 0)>
#map1 = affine_map<(d0, d1) -> (0, 0, 0)>
module attributes {stable_mosaic.version = 14 : i64} {
  func.func @body(%arg0: i32, %arg1: i32, %arg2: memref<10000x128xf32, #tpu.memory_space<hbm>>, %arg3: memref<2560x128xi32, #tpu.memory_space<hbm>>, %arg4: memref<2560x128xi32, #tpu.memory_space<hbm>>, %arg5: memref<10112x128xf32, #tpu.memory_space<hbm>>, %arg6: memref<2x10112x128xf32, #tpu.memory_space<hbm>>, %arg7: memref<10112x128xf32, #tpu.memory_space<vmem_shared>>, %arg8: memref<40x128xi32, #tpu.memory_space<vmem>>, %arg9: memref<40x128xi32, #tpu.memory_space<vmem>>, %arg10: memref<128x128xf32, #tpu.memory_space<vmem>>, %arg11: memref<128x128xf32, #tpu.memory_space<vmem>>, %arg12: memref<!tpu.dma_semaphore, #tpu.memory_space<semaphore_mem>>, %arg13: memref<!tpu.dma_semaphore, #tpu.memory_space<semaphore_mem>>, %arg14: memref<!tpu.dma_semaphore, #tpu.memory_space<semaphore_mem>>) attributes {dimension_semantics = [#tpu.dimension_semantics<core_parallel>, #tpu.dimension_semantics<subcore_parallel>], iteration_bounds = array<i64: 2, 16>, scalar_prefetch = 0 : i64, scratch_operands = 8 : i64, tpu.core_type = #tpu.core_type<sc_vector_subcore>, window_params = [{transform_indices = #map}, {transform_indices = #map}, {transform_indices = #map}, {transform_indices = #map}, {transform_indices = #map1}]} {
    %mul3A = arith.constant 16 : i32
    %mul3A_0 = arith.muli %arg0, %mul3A : i32
    %add3A = arith.addi %mul3A_0, %arg1 : i32
    %mul3A_1 = arith.constant 632 : i32
    %mul3A_2 = arith.muli %arg1, %mul3A_1 : i32
    %mul3A_3 = arith.constant 632 : i32
    %mul3A_4 = arith.muli %arg1, %mul3A_3 : i32
    %dma_start3A = arith.constant 0 : i32
    %dma_start3A_5 = tpu.memref_slice %arg7[%mul3A_4, %dma_start3A] : memref<10112x128xf32, #tpu.memory_space<vmem_shared>> -> memref<632x128xf32, #tpu.memory_space<vmem_shared>>
    %dma_start3A_6 = arith.constant 0 : i32
    %dma_start3A_7 = tpu.memref_slice %arg5[%mul3A_2, %dma_start3A_6] : memref<10112x128xf32, #tpu.memory_space<hbm>> -> memref<632x128xf32, #tpu.memory_space<hbm>>
    tpu.enqueue_dma source(%dma_start3A_7 : memref<632x128xf32, #tpu.memory_space<hbm>>) target(%dma_start3A_5 : memref<632x128xf32, #tpu.memory_space<vmem_shared>>) target_semaphore(%arg14 : memref<!tpu.dma_semaphore, #tpu.memory_space<semaphore_mem>>)
    %mul3A_8 = arith.constant 80 : i32
    %mul3A_9 = arith.muli %add3A, %mul3A_8 : i32
    %add3A_10 = arith.constant 0 : i32
    %add3A_11 = arith.addi %mul3A_9, %add3A_10 : i32
    "tpu.region"() ({
      %run_scoped3A = tpu.sem_alloc : memref<!tpu.dma_semaphore, #tpu.memory_space<semaphore_mem>>
      %dma_start3A_151 = arith.constant 0 : i32
      %dma_start3A_152 = tpu.memref_slice %arg3[%add3A_11, %dma_start3A_151] : memref<2560x128xi32, #tpu.memory_space<hbm>> -> memref<40x128xi32, #tpu.memory_space<hbm>>
      %dma_start3A_153 = arith.constant 0 : i32
      %dma_start3A_154 = tpu.memref_slice %arg3[%add3A_11, %dma_start3A_153] : memref<2560x128xi32, #tpu.memory_space<hbm>> -> memref<40x128xi32, #tpu.memory_space<hbm>>
      tpu.enqueue_dma source(%dma_start3A_154 : memref<40x128xi32, #tpu.memory_space<hbm>>) target(%arg8 : memref<40x128xi32, #tpu.memory_space<vmem>>) target_semaphore(%run_scoped3A : memref<!tpu.dma_semaphore, #tpu.memory_space<semaphore_mem>>)
      %dma_wait3A_155 = arith.constant 0 : i32
      %dma_wait3A_156 = tpu.memref_slice %arg3[%add3A_11, %dma_wait3A_155] : memref<2560x128xi32, #tpu.memory_space<hbm>> -> memref<40x128xi32, #tpu.memory_space<hbm>>
      %dma_wait3A_157 = arith.constant 0 : i32
      %dma_wait3A_158 = tpu.memref_slice %arg3[%add3A_11, %dma_wait3A_157] : memref<2560x128xi32, #tpu.memory_space<hbm>> -> memref<40x128xi32, #tpu.memory_space<hbm>>
      tpu.wait_dma2 semaphore(%run_scoped3A : memref<!tpu.dma_semaphore, #tpu.memory_space<semaphore_mem>>) src(%dma_wait3A_158 : memref<40x128xi32, #tpu.memory_space<hbm>>) dst(%arg8 : memref<40x128xi32, #tpu.memory_space<vmem>>)
      tpu.yield
    }) : () -> ()
    "tpu.region"() ({
      %run_scoped3A = tpu.sem_alloc : memref<!tpu.dma_semaphore, #tpu.memory_space<semaphore_mem>>
      %dma_start3A_151 = arith.constant 0 : i32
      %dma_start3A_152 = tpu.memref_slice %arg4[%add3A_11, %dma_start3A_151] : memref<2560x128xi32, #tpu.memory_space<hbm>> -> memref<40x128xi32, #tpu.memory_space<hbm>>
      %dma_start3A_153 = arith.constant 0 : i32
      %dma_start3A_154 = tpu.memref_slice %arg4[%add3A_11, %dma_start3A_153] : memref<2560x128xi32, #tpu.memory_space<hbm>> -> memref<40x128xi32, #tpu.memory_space<hbm>>
      tpu.enqueue_dma source(%dma_start3A_154 : memref<40x128xi32, #tpu.memory_space<hbm>>) target(%arg9 : memref<40x128xi32, #tpu.memory_space<vmem>>) target_semaphore(%run_scoped3A : memref<!tpu.dma_semaphore, #tpu.memory_space<semaphore_mem>>)
      %dma_wait3A_155 = arith.constant 0 : i32
      %dma_wait3A_156 = tpu.memref_slice %arg4[%add3A_11, %dma_wait3A_155] : memref<2560x128xi32, #tpu.memory_space<hbm>> -> memref<40x128xi32, #tpu.memory_space<hbm>>
      %dma_wait3A_157 = arith.constant 0 : i32
      %dma_wait3A_158 = tpu.memref_slice %arg4[%add3A_11, %dma_wait3A_157] : memref<2560x128xi32, #tpu.memory_space<hbm>> -> memref<40x128xi32, #tpu.memory_space<hbm>>
      tpu.wait_dma2 semaphore(%run_scoped3A : memref<!tpu.dma_semaphore, #tpu.memory_space<semaphore_mem>>) src(%dma_wait3A_158 : memref<40x128xi32, #tpu.memory_space<hbm>>) dst(%arg9 : memref<40x128xi32, #tpu.memory_space<vmem>>)
      tpu.yield
    }) : () -> ()
    %dma_start3A_12 = arith.constant 0 : i32
    %dma_start3A_13 = arith.constant 0 : i32
    %dma_start3A_14 = tpu.memref_slice %arg8[%dma_start3A_12, %dma_start3A_13] : memref<40x128xi32, #tpu.memory_space<vmem>> -> memref<1x128xi32, #tpu.memory_space<vmem>>
    %dma_start3A_15 = tpu.memref_squeeze %dma_start3A_14 : memref<1x128xi32, #tpu.memory_space<vmem>> -> memref<128xi32, #tpu.memory_space<vmem>>
    %dma_start3A_16 = arith.constant 0 : i32
    %dma_start3A_17 = arith.constant 0 : i32
    %dma_start3A_18 = tpu.memref_slice %arg2[%dma_start3A_16, %dma_start3A_17] : memref<10000x128xf32, #tpu.memory_space<hbm>> -> memref<10000x128xf32, #tpu.memory_space<hbm>>
    tpu.enqueue_indirect_dma source(%dma_start3A_18 : memref<10000x128xf32, #tpu.memory_space<hbm>>) target(%arg10 : memref<128x128xf32, #tpu.memory_space<vmem>>) offsets(%dma_start3A_15 : memref<128xi32, #tpu.memory_space<vmem>>) semaphore(%arg12 : memref<!tpu.dma_semaphore, #tpu.memory_space<semaphore_mem>>)
    %dma_wait3A = arith.constant 0 : i32
    %dma_wait3A_19 = arith.constant 0 : i32
    %dma_wait3A_20 = tpu.memref_slice %arg8[%dma_wait3A, %dma_wait3A_19] : memref<40x128xi32, #tpu.memory_space<vmem>> -> memref<1x128xi32, #tpu.memory_space<vmem>>
    %dma_wait3A_21 = tpu.memref_squeeze %dma_wait3A_20 : memref<1x128xi32, #tpu.memory_space<vmem>> -> memref<128xi32, #tpu.memory_space<vmem>>
    %dma_wait3A_22 = arith.constant 0 : i32
    %dma_wait3A_23 = arith.constant 0 : i32
    %dma_wait3A_24 = tpu.memref_slice %arg2[%dma_wait3A_22, %dma_wait3A_23] : memref<10000x128xf32, #tpu.memory_space<hbm>> -> memref<10000x128xf32, #tpu.memory_space<hbm>>
    tpu.wait_indirect_dma semaphore(%arg12 : memref<!tpu.dma_semaphore, #tpu.memory_space<semaphore_mem>>) src(%dma_wait3A_24 : memref<10000x128xf32, #tpu.memory_space<hbm>>) dst(%arg10 : memref<128x128xf32, #tpu.memory_space<vmem>>)
    %dma_start3A_25 = arith.constant 1 : i32
    %dma_start3A_26 = arith.constant 0 : i32
    %dma_start3A_27 = tpu.memref_slice %arg8[%dma_start3A_25, %dma_start3A_26] : memref<40x128xi32, #tpu.memory_space<vmem>> -> memref<1x128xi32, #tpu.memory_space<vmem>>
    %dma_start3A_28 = tpu.memref_squeeze %dma_start3A_27 : memref<1x128xi32, #tpu.memory_space<vmem>> -> memref<128xi32, #tpu.memory_space<vmem>>
    %dma_start3A_29 = arith.constant 0 : i32
    %dma_start3A_30 = arith.constant 0 : i32
    %dma_start3A_31 = tpu.memref_slice %arg2[%dma_start3A_29, %dma_start3A_30] : memref<10000x128xf32, #tpu.memory_space<hbm>> -> memref<10000x128xf32, #tpu.memory_space<hbm>>
    tpu.enqueue_indirect_dma source(%dma_start3A_31 : memref<10000x128xf32, #tpu.memory_space<hbm>>) target(%arg11 : memref<128x128xf32, #tpu.memory_space<vmem>>) offsets(%dma_start3A_28 : memref<128xi32, #tpu.memory_space<vmem>>) semaphore(%arg12 : memref<!tpu.dma_semaphore, #tpu.memory_space<semaphore_mem>>)
    %mul3A_32 = arith.constant 632 : i32
    %mul3A_33 = arith.muli %arg1, %mul3A_32 : i32
    %mul3A_34 = arith.constant 632 : i32
    %mul3A_35 = arith.muli %arg1, %mul3A_34 : i32
    %dma_wait3A_36 = arith.constant 0 : i32
    %dma_wait3A_37 = tpu.memref_slice %arg7[%mul3A_35, %dma_wait3A_36] : memref<10112x128xf32, #tpu.memory_space<vmem_shared>> -> memref<632x128xf32, #tpu.memory_space<vmem_shared>>
    %dma_wait3A_38 = arith.constant 0 : i32
    %dma_wait3A_39 = tpu.memref_slice %arg5[%mul3A_33, %dma_wait3A_38] : memref<10112x128xf32, #tpu.memory_space<hbm>> -> memref<632x128xf32, #tpu.memory_space<hbm>>
    tpu.wait_dma2 semaphore(%arg14 : memref<!tpu.dma_semaphore, #tpu.memory_space<semaphore_mem>>) src(%dma_wait3A_39 : memref<632x128xf32, #tpu.memory_space<hbm>>) dst(%dma_wait3A_37 : memref<632x128xf32, #tpu.memory_space<vmem_shared>>)
    %barrier3A = arith.constant 0 : index
    tpu.barrier barrier_id(%barrier3A)
    %dma_start3A_40 = arith.constant 0 : i32
    %dma_start3A_41 = arith.constant 0 : i32
    %dma_start3A_42 = tpu.memref_slice %arg9[%dma_start3A_40, %dma_start3A_41] : memref<40x128xi32, #tpu.memory_space<vmem>> -> memref<1x128xi32, #tpu.memory_space<vmem>>
    %dma_start3A_43 = tpu.memref_squeeze %dma_start3A_42 : memref<1x128xi32, #tpu.memory_space<vmem>> -> memref<128xi32, #tpu.memory_space<vmem>>
    %dma_start3A_44 = arith.constant 0 : i32
    %dma_start3A_45 = arith.constant 0 : i32
    %dma_start3A_46 = tpu.memref_slice %arg7[%dma_start3A_44, %dma_start3A_45] : memref<10112x128xf32, #tpu.memory_space<vmem_shared>> -> memref<10112x128xf32, #tpu.memory_space<vmem_shared>>
    tpu.enqueue_indirect_dma source(%arg10 : memref<128x128xf32, #tpu.memory_space<vmem>>) target(%dma_start3A_46 : memref<10112x128xf32, #tpu.memory_space<vmem_shared>>) offsets(%dma_start3A_43 : memref<128xi32, #tpu.memory_space<vmem>>) semaphore(%arg13 : memref<!tpu.dma_semaphore, #tpu.memory_space<semaphore_mem>>) {add = true}
    %scan3A = arith.constant 0 : i32
    %scan3A_47 = arith.constant 0 : i32
    %scan3A_48 = arith.constant 19 : i32
    %scan3A_49 = arith.addi %scan3A_47, %scan3A_48 : i32
    %scan3A_50 = arith.constant 1 : i32
    scf.for %scan3A_151 = %scan3A_47 to %scan3A_49 step %scan3A_50  : i32 {
      %mul3A_152 = arith.constant 2 : i32
      %mul3A_153 = arith.muli %mul3A_152, %scan3A_151 : i32
      %add3A_154 = arith.constant 1 : i32
      %add3A_155 = arith.addi %mul3A_153, %add3A_154 : i32
      %add3A_156 = arith.constant 0 : i32
      %add3A_157 = arith.addi %add3A_155, %add3A_156 : i32
      %dma_wait3A_158 = arith.constant 0 : i32
      %dma_wait3A_159 = tpu.memref_slice %arg8[%add3A_157, %dma_wait3A_158] : memref<40x128xi32, #tpu.memory_space<vmem>> -> memref<1x128xi32, #tpu.memory_space<vmem>>
      %dma_wait3A_160 = tpu.memref_squeeze %dma_wait3A_159 : memref<1x128xi32, #tpu.memory_space<vmem>> -> memref<128xi32, #tpu.memory_space<vmem>>
      %dma_wait3A_161 = arith.constant 0 : i32
      %dma_wait3A_162 = arith.constant 0 : i32
      %dma_wait3A_163 = tpu.memref_slice %arg2[%dma_wait3A_161, %dma_wait3A_162] : memref<10000x128xf32, #tpu.memory_space<hbm>> -> memref<10000x128xf32, #tpu.memory_space<hbm>>
      tpu.wait_indirect_dma semaphore(%arg12 : memref<!tpu.dma_semaphore, #tpu.memory_space<semaphore_mem>>) src(%dma_wait3A_163 : memref<10000x128xf32, #tpu.memory_space<hbm>>) dst(%arg11 : memref<128x128xf32, #tpu.memory_space<vmem>>)
      %sub3A = arith.constant 1 : i32
      %sub3A_164 = arith.subi %add3A_157, %sub3A : i32
      %dma_wait3A_165 = arith.constant 0 : i32
      %dma_wait3A_166 = tpu.memref_slice %arg9[%sub3A_164, %dma_wait3A_165] : memref<40x128xi32, #tpu.memory_space<vmem>> -> memref<1x128xi32, #tpu.memory_space<vmem>>
      %dma_wait3A_167 = tpu.memref_squeeze %dma_wait3A_166 : memref<1x128xi32, #tpu.memory_space<vmem>> -> memref<128xi32, #tpu.memory_space<vmem>>
      %dma_wait3A_168 = arith.constant 0 : i32
      %dma_wait3A_169 = arith.constant 0 : i32
      %dma_wait3A_170 = tpu.memref_slice %arg7[%dma_wait3A_168, %dma_wait3A_169] : memref<10112x128xf32, #tpu.memory_space<vmem_shared>> -> memref<10112x128xf32, #tpu.memory_space<vmem_shared>>
      tpu.wait_indirect_dma semaphore(%arg13 : memref<!tpu.dma_semaphore, #tpu.memory_space<semaphore_mem>>) src(%arg10 : memref<128x128xf32, #tpu.memory_space<vmem>>) dst(%dma_wait3A_170 : memref<10112x128xf32, #tpu.memory_space<vmem_shared>>)
      %add3A_171 = arith.constant 1 : i32
      %add3A_172 = arith.addi %add3A_157, %add3A_171 : i32
      %dma_start3A_173 = arith.constant 0 : i32
      %dma_start3A_174 = tpu.memref_slice %arg8[%add3A_172, %dma_start3A_173] : memref<40x128xi32, #tpu.memory_space<vmem>> -> memref<1x128xi32, #tpu.memory_space<vmem>>
      %dma_start3A_175 = tpu.memref_squeeze %dma_start3A_174 : memref<1x128xi32, #tpu.memory_space<vmem>> -> memref<128xi32, #tpu.memory_space<vmem>>
      %dma_start3A_176 = arith.constant 0 : i32
      %dma_start3A_177 = arith.constant 0 : i32
      %dma_start3A_178 = tpu.memref_slice %arg2[%dma_start3A_176, %dma_start3A_177] : memref<10000x128xf32, #tpu.memory_space<hbm>> -> memref<10000x128xf32, #tpu.memory_space<hbm>>
      tpu.enqueue_indirect_dma source(%dma_start3A_178 : memref<10000x128xf32, #tpu.memory_space<hbm>>) target(%arg10 : memref<128x128xf32, #tpu.memory_space<vmem>>) offsets(%dma_start3A_175 : memref<128xi32, #tpu.memory_space<vmem>>) semaphore(%arg12 : memref<!tpu.dma_semaphore, #tpu.memory_space<semaphore_mem>>)
      %dma_start3A_179 = arith.constant 0 : i32
      %dma_start3A_180 = tpu.memref_slice %arg9[%add3A_157, %dma_start3A_179] : memref<40x128xi32, #tpu.memory_space<vmem>> -> memref<1x128xi32, #tpu.memory_space<vmem>>
      %dma_start3A_181 = tpu.memref_squeeze %dma_start3A_180 : memref<1x128xi32, #tpu.memory_space<vmem>> -> memref<128xi32, #tpu.memory_space<vmem>>
      %dma_start3A_182 = arith.constant 0 : i32
      %dma_start3A_183 = arith.constant 0 : i32
      %dma_start3A_184 = tpu.memref_slice %arg7[%dma_start3A_182, %dma_start3A_183] : memref<10112x128xf32, #tpu.memory_space<vmem_shared>> -> memref<10112x128xf32, #tpu.memory_space<vmem_shared>>
      tpu.enqueue_indirect_dma source(%arg11 : memref<128x128xf32, #tpu.memory_space<vmem>>) target(%dma_start3A_184 : memref<10112x128xf32, #tpu.memory_space<vmem_shared>>) offsets(%dma_start3A_181 : memref<128xi32, #tpu.memory_space<vmem>>) semaphore(%arg13 : memref<!tpu.dma_semaphore, #tpu.memory_space<semaphore_mem>>) {add = true}
      %mul3A_185 = arith.constant 2 : i32
      %mul3A_186 = arith.muli %mul3A_185, %scan3A_151 : i32
      %add3A_187 = arith.constant 1 : i32
      %add3A_188 = arith.addi %mul3A_186, %add3A_187 : i32
      %add3A_189 = arith.constant 1 : i32
      %add3A_190 = arith.addi %add3A_188, %add3A_189 : i32
      %dma_wait3A_191 = arith.constant 0 : i32
      %dma_wait3A_192 = tpu.memref_slice %arg8[%add3A_190, %dma_wait3A_191] : memref<40x128xi32, #tpu.memory_space<vmem>> -> memref<1x128xi32, #tpu.memory_space<vmem>>
      %dma_wait3A_193 = tpu.memref_squeeze %dma_wait3A_192 : memref<1x128xi32, #tpu.memory_space<vmem>> -> memref<128xi32, #tpu.memory_space<vmem>>
      %dma_wait3A_194 = arith.constant 0 : i32
      %dma_wait3A_195 = arith.constant 0 : i32
      %dma_wait3A_196 = tpu.memref_slice %arg2[%dma_wait3A_194, %dma_wait3A_195] : memref<10000x128xf32, #tpu.memory_space<hbm>> -> memref<10000x128xf32, #tpu.memory_space<hbm>>
      tpu.wait_indirect_dma semaphore(%arg12 : memref<!tpu.dma_semaphore, #tpu.memory_space<semaphore_mem>>) src(%dma_wait3A_196 : memref<10000x128xf32, #tpu.memory_space<hbm>>) dst(%arg10 : memref<128x128xf32, #tpu.memory_space<vmem>>)
      %sub3A_197 = arith.constant 1 : i32
      %sub3A_198 = arith.subi %add3A_190, %sub3A_197 : i32
      %dma_wait3A_199 = arith.constant 0 : i32
      %dma_wait3A_200 = tpu.memref_slice %arg9[%sub3A_198, %dma_wait3A_199] : memref<40x128xi32, #tpu.memory_space<vmem>> -> memref<1x128xi32, #tpu.memory_space<vmem>>
      %dma_wait3A_201 = tpu.memref_squeeze %dma_wait3A_200 : memref<1x128xi32, #tpu.memory_space<vmem>> -> memref<128xi32, #tpu.memory_space<vmem>>
      %dma_wait3A_202 = arith.constant 0 : i32
      %dma_wait3A_203 = arith.constant 0 : i32
      %dma_wait3A_204 = tpu.memref_slice %arg7[%dma_wait3A_202, %dma_wait3A_203] : memref<10112x128xf32, #tpu.memory_space<vmem_shared>> -> memref<10112x128xf32, #tpu.memory_space<vmem_shared>>
      tpu.wait_indirect_dma semaphore(%arg13 : memref<!tpu.dma_semaphore, #tpu.memory_space<semaphore_mem>>) src(%arg11 : memref<128x128xf32, #tpu.memory_space<vmem>>) dst(%dma_wait3A_204 : memref<10112x128xf32, #tpu.memory_space<vmem_shared>>)
      %add3A_205 = arith.constant 1 : i32
      %add3A_206 = arith.addi %add3A_190, %add3A_205 : i32
      %dma_start3A_207 = arith.constant 0 : i32
      %dma_start3A_208 = tpu.memref_slice %arg8[%add3A_206, %dma_start3A_207] : memref<40x128xi32, #tpu.memory_space<vmem>> -> memref<1x128xi32, #tpu.memory_space<vmem>>
      %dma_start3A_209 = tpu.memref_squeeze %dma_start3A_208 : memref<1x128xi32, #tpu.memory_space<vmem>> -> memref<128xi32, #tpu.memory_space<vmem>>
      %dma_start3A_210 = arith.constant 0 : i32
      %dma_start3A_211 = arith.constant 0 : i32
      %dma_start3A_212 = tpu.memref_slice %arg2[%dma_start3A_210, %dma_start3A_211] : memref<10000x128xf32, #tpu.memory_space<hbm>> -> memref<10000x128xf32, #tpu.memory_space<hbm>>
      tpu.enqueue_indirect_dma source(%dma_start3A_212 : memref<10000x128xf32, #tpu.memory_space<hbm>>) target(%arg11 : memref<128x128xf32, #tpu.memory_space<vmem>>) offsets(%dma_start3A_209 : memref<128xi32, #tpu.memory_space<vmem>>) semaphore(%arg12 : memref<!tpu.dma_semaphore, #tpu.memory_space<semaphore_mem>>)
      %dma_start3A_213 = arith.constant 0 : i32
      %dma_start3A_214 = tpu.memref_slice %arg9[%add3A_190, %dma_start3A_213] : memref<40x128xi32, #tpu.memory_space<vmem>> -> memref<1x128xi32, #tpu.memory_space<vmem>>
      %dma_start3A_215 = tpu.memref_squeeze %dma_start3A_214 : memref<1x128xi32, #tpu.memory_space<vmem>> -> memref<128xi32, #tpu.memory_space<vmem>>
      %dma_start3A_216 = arith.constant 0 : i32
      %dma_start3A_217 = arith.constant 0 : i32
      %dma_start3A_218 = tpu.memref_slice %arg7[%dma_start3A_216, %dma_start3A_217] : memref<10112x128xf32, #tpu.memory_space<vmem_shared>> -> memref<10112x128xf32, #tpu.memory_space<vmem_shared>>
      tpu.enqueue_indirect_dma source(%arg10 : memref<128x128xf32, #tpu.memory_space<vmem>>) target(%dma_start3A_218 : memref<10112x128xf32, #tpu.memory_space<vmem_shared>>) offsets(%dma_start3A_215 : memref<128xi32, #tpu.memory_space<vmem>>) semaphore(%arg13 : memref<!tpu.dma_semaphore, #tpu.memory_space<semaphore_mem>>) {add = true}
    }
    %scan3A_51 = arith.constant 19 : i32
    %dma_wait3A_52 = arith.constant 39 : i32
    %dma_wait3A_53 = arith.constant 0 : i32
    %dma_wait3A_54 = tpu.memref_slice %arg8[%dma_wait3A_52, %dma_wait3A_53] : memref<40x128xi32, #tpu.memory_space<vmem>> -> memref<1x128xi32, #tpu.memory_space<vmem>>
    %dma_wait3A_55 = tpu.memref_squeeze %dma_wait3A_54 : memref<1x128xi32, #tpu.memory_space<vmem>> -> memref<128xi32, #tpu.memory_space<vmem>>
    %dma_wait3A_56 = arith.constant 0 : i32
    %dma_wait3A_57 = arith.constant 0 : i32
    %dma_wait3A_58 = tpu.memref_slice %arg2[%dma_wait3A_56, %dma_wait3A_57] : memref<10000x128xf32, #tpu.memory_space<hbm>> -> memref<10000x128xf32, #tpu.memory_space<hbm>>
    tpu.wait_indirect_dma semaphore(%arg12 : memref<!tpu.dma_semaphore, #tpu.memory_space<semaphore_mem>>) src(%dma_wait3A_58 : memref<10000x128xf32, #tpu.memory_space<hbm>>) dst(%arg11 : memref<128x128xf32, #tpu.memory_space<vmem>>)
    %dma_wait3A_59 = arith.constant 38 : i32
    %dma_wait3A_60 = arith.constant 0 : i32
    %dma_wait3A_61 = tpu.memref_slice %arg9[%dma_wait3A_59, %dma_wait3A_60] : memref<40x128xi32, #tpu.memory_space<vmem>> -> memref<1x128xi32, #tpu.memory_space<vmem>>
    %dma_wait3A_62 = tpu.memref_squeeze %dma_wait3A_61 : memref<1x128xi32, #tpu.memory_space<vmem>> -> memref<128xi32, #tpu.memory_space<vmem>>
    %dma_wait3A_63 = arith.constant 0 : i32
    %dma_wait3A_64 = arith.constant 0 : i32
    %dma_wait3A_65 = tpu.memref_slice %arg7[%dma_wait3A_63, %dma_wait3A_64] : memref<10112x128xf32, #tpu.memory_space<vmem_shared>> -> memref<10112x128xf32, #tpu.memory_space<vmem_shared>>
    tpu.wait_indirect_dma semaphore(%arg13 : memref<!tpu.dma_semaphore, #tpu.memory_space<semaphore_mem>>) src(%arg10 : memref<128x128xf32, #tpu.memory_space<vmem>>) dst(%dma_wait3A_65 : memref<10112x128xf32, #tpu.memory_space<vmem_shared>>)
    %dma_start3A_66 = arith.constant 39 : i32
    %dma_start3A_67 = arith.constant 0 : i32
    %dma_start3A_68 = tpu.memref_slice %arg9[%dma_start3A_66, %dma_start3A_67] : memref<40x128xi32, #tpu.memory_space<vmem>> -> memref<1x128xi32, #tpu.memory_space<vmem>>
    %dma_start3A_69 = tpu.memref_squeeze %dma_start3A_68 : memref<1x128xi32, #tpu.memory_space<vmem>> -> memref<128xi32, #tpu.memory_space<vmem>>
    %dma_start3A_70 = arith.constant 0 : i32
    %dma_start3A_71 = arith.constant 0 : i32
    %dma_start3A_72 = tpu.memref_slice %arg7[%dma_start3A_70, %dma_start3A_71] : memref<10112x128xf32, #tpu.memory_space<vmem_shared>> -> memref<10112x128xf32, #tpu.memory_space<vmem_shared>>
    tpu.enqueue_indirect_dma source(%arg11 : memref<128x128xf32, #tpu.memory_space<vmem>>) target(%dma_start3A_72 : memref<10112x128xf32, #tpu.memory_space<vmem_shared>>) offsets(%dma_start3A_69 : memref<128xi32, #tpu.memory_space<vmem>>) semaphore(%arg13 : memref<!tpu.dma_semaphore, #tpu.memory_space<semaphore_mem>>) {add = true}
    %dma_wait3A_73 = arith.constant 39 : i32
    %dma_wait3A_74 = arith.constant 0 : i32
    %dma_wait3A_75 = tpu.memref_slice %arg9[%dma_wait3A_73, %dma_wait3A_74] : memref<40x128xi32, #tpu.memory_space<vmem>> -> memref<1x128xi32, #tpu.memory_space<vmem>>
    %dma_wait3A_76 = tpu.memref_squeeze %dma_wait3A_75 : memref<1x128xi32, #tpu.memory_space<vmem>> -> memref<128xi32, #tpu.memory_space<vmem>>
    %dma_wait3A_77 = arith.constant 0 : i32
    %dma_wait3A_78 = arith.constant 0 : i32
    %dma_wait3A_79 = tpu.memref_slice %arg7[%dma_wait3A_77, %dma_wait3A_78] : memref<10112x128xf32, #tpu.memory_space<vmem_shared>> -> memref<10112x128xf32, #tpu.memory_space<vmem_shared>>
    tpu.wait_indirect_dma semaphore(%arg13 : memref<!tpu.dma_semaphore, #tpu.memory_space<semaphore_mem>>) src(%arg11 : memref<128x128xf32, #tpu.memory_space<vmem>>) dst(%dma_wait3A_79 : memref<10112x128xf32, #tpu.memory_space<vmem_shared>>)
    %mul3A_80 = arith.constant 80 : i32
    %mul3A_81 = arith.muli %add3A, %mul3A_80 : i32
    %add3A_82 = arith.constant 40 : i32
    %add3A_83 = arith.addi %mul3A_81, %add3A_82 : i32
    "tpu.region"() ({
      %run_scoped3A = tpu.sem_alloc : memref<!tpu.dma_semaphore, #tpu.memory_space<semaphore_mem>>
      %dma_start3A_151 = arith.constant 0 : i32
      %dma_start3A_152 = tpu.memref_slice %arg3[%add3A_83, %dma_start3A_151] : memref<2560x128xi32, #tpu.memory_space<hbm>> -> memref<40x128xi32, #tpu.memory_space<hbm>>
      %dma_start3A_153 = arith.constant 0 : i32
      %dma_start3A_154 = tpu.memref_slice %arg3[%add3A_83, %dma_start3A_153] : memref<2560x128xi32, #tpu.memory_space<hbm>> -> memref<40x128xi32, #tpu.memory_space<hbm>>
      tpu.enqueue_dma source(%dma_start3A_154 : memref<40x128xi32, #tpu.memory_space<hbm>>) target(%arg8 : memref<40x128xi32, #tpu.memory_space<vmem>>) target_semaphore(%run_scoped3A : memref<!tpu.dma_semaphore, #tpu.memory_space<semaphore_mem>>)
      %dma_wait3A_155 = arith.constant 0 : i32
      %dma_wait3A_156 = tpu.memref_slice %arg3[%add3A_83, %dma_wait3A_155] : memref<2560x128xi32, #tpu.memory_space<hbm>> -> memref<40x128xi32, #tpu.memory_space<hbm>>
      %dma_wait3A_157 = arith.constant 0 : i32
      %dma_wait3A_158 = tpu.memref_slice %arg3[%add3A_83, %dma_wait3A_157] : memref<2560x128xi32, #tpu.memory_space<hbm>> -> memref<40x128xi32, #tpu.memory_space<hbm>>
      tpu.wait_dma2 semaphore(%run_scoped3A : memref<!tpu.dma_semaphore, #tpu.memory_space<semaphore_mem>>) src(%dma_wait3A_158 : memref<40x128xi32, #tpu.memory_space<hbm>>) dst(%arg8 : memref<40x128xi32, #tpu.memory_space<vmem>>)
      tpu.yield
    }) : () -> ()
    "tpu.region"() ({
      %run_scoped3A = tpu.sem_alloc : memref<!tpu.dma_semaphore, #tpu.memory_space<semaphore_mem>>
      %dma_start3A_151 = arith.constant 0 : i32
      %dma_start3A_152 = tpu.memref_slice %arg4[%add3A_83, %dma_start3A_151] : memref<2560x128xi32, #tpu.memory_space<hbm>> -> memref<40x128xi32, #tpu.memory_space<hbm>>
      %dma_start3A_153 = arith.constant 0 : i32
      %dma_start3A_154 = tpu.memref_slice %arg4[%add3A_83, %dma_start3A_153] : memref<2560x128xi32, #tpu.memory_space<hbm>> -> memref<40x128xi32, #tpu.memory_space<hbm>>
      tpu.enqueue_dma source(%dma_start3A_154 : memref<40x128xi32, #tpu.memory_space<hbm>>) target(%arg9 : memref<40x128xi32, #tpu.memory_space<vmem>>) target_semaphore(%run_scoped3A : memref<!tpu.dma_semaphore, #tpu.memory_space<semaphore_mem>>)
      %dma_wait3A_155 = arith.constant 0 : i32
      %dma_wait3A_156 = tpu.memref_slice %arg4[%add3A_83, %dma_wait3A_155] : memref<2560x128xi32, #tpu.memory_space<hbm>> -> memref<40x128xi32, #tpu.memory_space<hbm>>
      %dma_wait3A_157 = arith.constant 0 : i32
      %dma_wait3A_158 = tpu.memref_slice %arg4[%add3A_83, %dma_wait3A_157] : memref<2560x128xi32, #tpu.memory_space<hbm>> -> memref<40x128xi32, #tpu.memory_space<hbm>>
      tpu.wait_dma2 semaphore(%run_scoped3A : memref<!tpu.dma_semaphore, #tpu.memory_space<semaphore_mem>>) src(%dma_wait3A_158 : memref<40x128xi32, #tpu.memory_space<hbm>>) dst(%arg9 : memref<40x128xi32, #tpu.memory_space<vmem>>)
      tpu.yield
    }) : () -> ()
    %dma_start3A_84 = arith.constant 0 : i32
    %dma_start3A_85 = arith.constant 0 : i32
    %dma_start3A_86 = tpu.memref_slice %arg8[%dma_start3A_84, %dma_start3A_85] : memref<40x128xi32, #tpu.memory_space<vmem>> -> memref<1x128xi32, #tpu.memory_space<vmem>>
    %dma_start3A_87 = tpu.memref_squeeze %dma_start3A_86 : memref<1x128xi32, #tpu.memory_space<vmem>> -> memref<128xi32, #tpu.memory_space<vmem>>
    %dma_start3A_88 = arith.constant 0 : i32
    %dma_start3A_89 = arith.constant 0 : i32
    %dma_start3A_90 = tpu.memref_slice %arg2[%dma_start3A_88, %dma_start3A_89] : memref<10000x128xf32, #tpu.memory_space<hbm>> -> memref<10000x128xf32, #tpu.memory_space<hbm>>
    tpu.enqueue_indirect_dma source(%dma_start3A_90 : memref<10000x128xf32, #tpu.memory_space<hbm>>) target(%arg10 : memref<128x128xf32, #tpu.memory_space<vmem>>) offsets(%dma_start3A_87 : memref<128xi32, #tpu.memory_space<vmem>>) semaphore(%arg12 : memref<!tpu.dma_semaphore, #tpu.memory_space<semaphore_mem>>)
    %dma_wait3A_91 = arith.constant 0 : i32
    %dma_wait3A_92 = arith.constant 0 : i32
    %dma_wait3A_93 = tpu.memref_slice %arg8[%dma_wait3A_91, %dma_wait3A_92] : memref<40x128xi32, #tpu.memory_space<vmem>> -> memref<1x128xi32, #tpu.memory_space<vmem>>
    %dma_wait3A_94 = tpu.memref_squeeze %dma_wait3A_93 : memref<1x128xi32, #tpu.memory_space<vmem>> -> memref<128xi32, #tpu.memory_space<vmem>>
    %dma_wait3A_95 = arith.constant 0 : i32
    %dma_wait3A_96 = arith.constant 0 : i32
    %dma_wait3A_97 = tpu.memref_slice %arg2[%dma_wait3A_95, %dma_wait3A_96] : memref<10000x128xf32, #tpu.memory_space<hbm>> -> memref<10000x128xf32, #tpu.memory_space<hbm>>
    tpu.wait_indirect_dma semaphore(%arg12 : memref<!tpu.dma_semaphore, #tpu.memory_space<semaphore_mem>>) src(%dma_wait3A_97 : memref<10000x128xf32, #tpu.memory_space<hbm>>) dst(%arg10 : memref<128x128xf32, #tpu.memory_space<vmem>>)
    %dma_start3A_98 = arith.constant 1 : i32
    %dma_start3A_99 = arith.constant 0 : i32
    %dma_start3A_100 = tpu.memref_slice %arg8[%dma_start3A_98, %dma_start3A_99] : memref<40x128xi32, #tpu.memory_space<vmem>> -> memref<1x128xi32, #tpu.memory_space<vmem>>
    %dma_start3A_101 = tpu.memref_squeeze %dma_start3A_100 : memref<1x128xi32, #tpu.memory_space<vmem>> -> memref<128xi32, #tpu.memory_space<vmem>>
    %dma_start3A_102 = arith.constant 0 : i32
    %dma_start3A_103 = arith.constant 0 : i32
    %dma_start3A_104 = tpu.memref_slice %arg2[%dma_start3A_102, %dma_start3A_103] : memref<10000x128xf32, #tpu.memory_space<hbm>> -> memref<10000x128xf32, #tpu.memory_space<hbm>>
    tpu.enqueue_indirect_dma source(%dma_start3A_104 : memref<10000x128xf32, #tpu.memory_space<hbm>>) target(%arg11 : memref<128x128xf32, #tpu.memory_space<vmem>>) offsets(%dma_start3A_101 : memref<128xi32, #tpu.memory_space<vmem>>) semaphore(%arg12 : memref<!tpu.dma_semaphore, #tpu.memory_space<semaphore_mem>>)
    %dma_start3A_105 = arith.constant 0 : i32
    %dma_start3A_106 = arith.constant 0 : i32
    %dma_start3A_107 = tpu.memref_slice %arg9[%dma_start3A_105, %dma_start3A_106] : memref<40x128xi32, #tpu.memory_space<vmem>> -> memref<1x128xi32, #tpu.memory_space<vmem>>
    %dma_start3A_108 = tpu.memref_squeeze %dma_start3A_107 : memref<1x128xi32, #tpu.memory_space<vmem>> -> memref<128xi32, #tpu.memory_space<vmem>>
    %dma_start3A_109 = arith.constant 0 : i32
    %dma_start3A_110 = arith.constant 0 : i32
    %dma_start3A_111 = tpu.memref_slice %arg7[%dma_start3A_109, %dma_start3A_110] : memref<10112x128xf32, #tpu.memory_space<vmem_shared>> -> memref<10112x128xf32, #tpu.memory_space<vmem_shared>>
    tpu.enqueue_indirect_dma source(%arg10 : memref<128x128xf32, #tpu.memory_space<vmem>>) target(%dma_start3A_111 : memref<10112x128xf32, #tpu.memory_space<vmem_shared>>) offsets(%dma_start3A_108 : memref<128xi32, #tpu.memory_space<vmem>>) semaphore(%arg13 : memref<!tpu.dma_semaphore, #tpu.memory_space<semaphore_mem>>) {add = true}
    %scan3A_112 = arith.constant 0 : i32
    %scan3A_113 = arith.constant 0 : i32
    %scan3A_114 = arith.constant 19 : i32
    %scan3A_115 = arith.addi %scan3A_113, %scan3A_114 : i32
    %scan3A_116 = arith.constant 1 : i32
    scf.for %scan3A_151 = %scan3A_113 to %scan3A_115 step %scan3A_116  : i32 {
      %mul3A_152 = arith.constant 2 : i32
      %mul3A_153 = arith.muli %mul3A_152, %scan3A_151 : i32
      %add3A_154 = arith.constant 1 : i32
      %add3A_155 = arith.addi %mul3A_153, %add3A_154 : i32
      %add3A_156 = arith.constant 0 : i32
      %add3A_157 = arith.addi %add3A_155, %add3A_156 : i32
      %dma_wait3A_158 = arith.constant 0 : i32
      %dma_wait3A_159 = tpu.memref_slice %arg8[%add3A_157, %dma_wait3A_158] : memref<40x128xi32, #tpu.memory_space<vmem>> -> memref<1x128xi32, #tpu.memory_space<vmem>>
      %dma_wait3A_160 = tpu.memref_squeeze %dma_wait3A_159 : memref<1x128xi32, #tpu.memory_space<vmem>> -> memref<128xi32, #tpu.memory_space<vmem>>
      %dma_wait3A_161 = arith.constant 0 : i32
      %dma_wait3A_162 = arith.constant 0 : i32
      %dma_wait3A_163 = tpu.memref_slice %arg2[%dma_wait3A_161, %dma_wait3A_162] : memref<10000x128xf32, #tpu.memory_space<hbm>> -> memref<10000x128xf32, #tpu.memory_space<hbm>>
      tpu.wait_indirect_dma semaphore(%arg12 : memref<!tpu.dma_semaphore, #tpu.memory_space<semaphore_mem>>) src(%dma_wait3A_163 : memref<10000x128xf32, #tpu.memory_space<hbm>>) dst(%arg11 : memref<128x128xf32, #tpu.memory_space<vmem>>)
      %sub3A = arith.constant 1 : i32
      %sub3A_164 = arith.subi %add3A_157, %sub3A : i32
      %dma_wait3A_165 = arith.constant 0 : i32
      %dma_wait3A_166 = tpu.memref_slice %arg9[%sub3A_164, %dma_wait3A_165] : memref<40x128xi32, #tpu.memory_space<vmem>> -> memref<1x128xi32, #tpu.memory_space<vmem>>
      %dma_wait3A_167 = tpu.memref_squeeze %dma_wait3A_166 : memref<1x128xi32, #tpu.memory_space<vmem>> -> memref<128xi32, #tpu.memory_space<vmem>>
      %dma_wait3A_168 = arith.constant 0 : i32
      %dma_wait3A_169 = arith.constant 0 : i32
      %dma_wait3A_170 = tpu.memref_slice %arg7[%dma_wait3A_168, %dma_wait3A_169] : memref<10112x128xf32, #tpu.memory_space<vmem_shared>> -> memref<10112x128xf32, #tpu.memory_space<vmem_shared>>
      tpu.wait_indirect_dma semaphore(%arg13 : memref<!tpu.dma_semaphore, #tpu.memory_space<semaphore_mem>>) src(%arg10 : memref<128x128xf32, #tpu.memory_space<vmem>>) dst(%dma_wait3A_170 : memref<10112x128xf32, #tpu.memory_space<vmem_shared>>)
      %add3A_171 = arith.constant 1 : i32
      %add3A_172 = arith.addi %add3A_157, %add3A_171 : i32
      %dma_start3A_173 = arith.constant 0 : i32
      %dma_start3A_174 = tpu.memref_slice %arg8[%add3A_172, %dma_start3A_173] : memref<40x128xi32, #tpu.memory_space<vmem>> -> memref<1x128xi32, #tpu.memory_space<vmem>>
      %dma_start3A_175 = tpu.memref_squeeze %dma_start3A_174 : memref<1x128xi32, #tpu.memory_space<vmem>> -> memref<128xi32, #tpu.memory_space<vmem>>
      %dma_start3A_176 = arith.constant 0 : i32
      %dma_start3A_177 = arith.constant 0 : i32
      %dma_start3A_178 = tpu.memref_slice %arg2[%dma_start3A_176, %dma_start3A_177] : memref<10000x128xf32, #tpu.memory_space<hbm>> -> memref<10000x128xf32, #tpu.memory_space<hbm>>
      tpu.enqueue_indirect_dma source(%dma_start3A_178 : memref<10000x128xf32, #tpu.memory_space<hbm>>) target(%arg10 : memref<128x128xf32, #tpu.memory_space<vmem>>) offsets(%dma_start3A_175 : memref<128xi32, #tpu.memory_space<vmem>>) semaphore(%arg12 : memref<!tpu.dma_semaphore, #tpu.memory_space<semaphore_mem>>)
      %dma_start3A_179 = arith.constant 0 : i32
      %dma_start3A_180 = tpu.memref_slice %arg9[%add3A_157, %dma_start3A_179] : memref<40x128xi32, #tpu.memory_space<vmem>> -> memref<1x128xi32, #tpu.memory_space<vmem>>
      %dma_start3A_181 = tpu.memref_squeeze %dma_start3A_180 : memref<1x128xi32, #tpu.memory_space<vmem>> -> memref<128xi32, #tpu.memory_space<vmem>>
      %dma_start3A_182 = arith.constant 0 : i32
      %dma_start3A_183 = arith.constant 0 : i32
      %dma_start3A_184 = tpu.memref_slice %arg7[%dma_start3A_182, %dma_start3A_183] : memref<10112x128xf32, #tpu.memory_space<vmem_shared>> -> memref<10112x128xf32, #tpu.memory_space<vmem_shared>>
      tpu.enqueue_indirect_dma source(%arg11 : memref<128x128xf32, #tpu.memory_space<vmem>>) target(%dma_start3A_184 : memref<10112x128xf32, #tpu.memory_space<vmem_shared>>) offsets(%dma_start3A_181 : memref<128xi32, #tpu.memory_space<vmem>>) semaphore(%arg13 : memref<!tpu.dma_semaphore, #tpu.memory_space<semaphore_mem>>) {add = true}
      %mul3A_185 = arith.constant 2 : i32
      %mul3A_186 = arith.muli %mul3A_185, %scan3A_151 : i32
      %add3A_187 = arith.constant 1 : i32
      %add3A_188 = arith.addi %mul3A_186, %add3A_187 : i32
      %add3A_189 = arith.constant 1 : i32
      %add3A_190 = arith.addi %add3A_188, %add3A_189 : i32
      %dma_wait3A_191 = arith.constant 0 : i32
      %dma_wait3A_192 = tpu.memref_slice %arg8[%add3A_190, %dma_wait3A_191] : memref<40x128xi32, #tpu.memory_space<vmem>> -> memref<1x128xi32, #tpu.memory_space<vmem>>
      %dma_wait3A_193 = tpu.memref_squeeze %dma_wait3A_192 : memref<1x128xi32, #tpu.memory_space<vmem>> -> memref<128xi32, #tpu.memory_space<vmem>>
      %dma_wait3A_194 = arith.constant 0 : i32
      %dma_wait3A_195 = arith.constant 0 : i32
      %dma_wait3A_196 = tpu.memref_slice %arg2[%dma_wait3A_194, %dma_wait3A_195] : memref<10000x128xf32, #tpu.memory_space<hbm>> -> memref<10000x128xf32, #tpu.memory_space<hbm>>
      tpu.wait_indirect_dma semaphore(%arg12 : memref<!tpu.dma_semaphore, #tpu.memory_space<semaphore_mem>>) src(%dma_wait3A_196 : memref<10000x128xf32, #tpu.memory_space<hbm>>) dst(%arg10 : memref<128x128xf32, #tpu.memory_space<vmem>>)
      %sub3A_197 = arith.constant 1 : i32
      %sub3A_198 = arith.subi %add3A_190, %sub3A_197 : i32
      %dma_wait3A_199 = arith.constant 0 : i32
      %dma_wait3A_200 = tpu.memref_slice %arg9[%sub3A_198, %dma_wait3A_199] : memref<40x128xi32, #tpu.memory_space<vmem>> -> memref<1x128xi32, #tpu.memory_space<vmem>>
      %dma_wait3A_201 = tpu.memref_squeeze %dma_wait3A_200 : memref<1x128xi32, #tpu.memory_space<vmem>> -> memref<128xi32, #tpu.memory_space<vmem>>
      %dma_wait3A_202 = arith.constant 0 : i32
      %dma_wait3A_203 = arith.constant 0 : i32
      %dma_wait3A_204 = tpu.memref_slice %arg7[%dma_wait3A_202, %dma_wait3A_203] : memref<10112x128xf32, #tpu.memory_space<vmem_shared>> -> memref<10112x128xf32, #tpu.memory_space<vmem_shared>>
      tpu.wait_indirect_dma semaphore(%arg13 : memref<!tpu.dma_semaphore, #tpu.memory_space<semaphore_mem>>) src(%arg11 : memref<128x128xf32, #tpu.memory_space<vmem>>) dst(%dma_wait3A_204 : memref<10112x128xf32, #tpu.memory_space<vmem_shared>>)
      %add3A_205 = arith.constant 1 : i32
      %add3A_206 = arith.addi %add3A_190, %add3A_205 : i32
      %dma_start3A_207 = arith.constant 0 : i32
      %dma_start3A_208 = tpu.memref_slice %arg8[%add3A_206, %dma_start3A_207] : memref<40x128xi32, #tpu.memory_space<vmem>> -> memref<1x128xi32, #tpu.memory_space<vmem>>
      %dma_start3A_209 = tpu.memref_squeeze %dma_start3A_208 : memref<1x128xi32, #tpu.memory_space<vmem>> -> memref<128xi32, #tpu.memory_space<vmem>>
      %dma_start3A_210 = arith.constant 0 : i32
      %dma_start3A_211 = arith.constant 0 : i32
      %dma_start3A_212 = tpu.memref_slice %arg2[%dma_start3A_210, %dma_start3A_211] : memref<10000x128xf32, #tpu.memory_space<hbm>> -> memref<10000x128xf32, #tpu.memory_space<hbm>>
      tpu.enqueue_indirect_dma source(%dma_start3A_212 : memref<10000x128xf32, #tpu.memory_space<hbm>>) target(%arg11 : memref<128x128xf32, #tpu.memory_space<vmem>>) offsets(%dma_start3A_209 : memref<128xi32, #tpu.memory_space<vmem>>) semaphore(%arg12 : memref<!tpu.dma_semaphore, #tpu.memory_space<semaphore_mem>>)
      %dma_start3A_213 = arith.constant 0 : i32
      %dma_start3A_214 = tpu.memref_slice %arg9[%add3A_190, %dma_start3A_213] : memref<40x128xi32, #tpu.memory_space<vmem>> -> memref<1x128xi32, #tpu.memory_space<vmem>>
      %dma_start3A_215 = tpu.memref_squeeze %dma_start3A_214 : memref<1x128xi32, #tpu.memory_space<vmem>> -> memref<128xi32, #tpu.memory_space<vmem>>
      %dma_start3A_216 = arith.constant 0 : i32
      %dma_start3A_217 = arith.constant 0 : i32
      %dma_start3A_218 = tpu.memref_slice %arg7[%dma_start3A_216, %dma_start3A_217] : memref<10112x128xf32, #tpu.memory_space<vmem_shared>> -> memref<10112x128xf32, #tpu.memory_space<vmem_shared>>
      tpu.enqueue_indirect_dma source(%arg10 : memref<128x128xf32, #tpu.memory_space<vmem>>) target(%dma_start3A_218 : memref<10112x128xf32, #tpu.memory_space<vmem_shared>>) offsets(%dma_start3A_215 : memref<128xi32, #tpu.memory_space<vmem>>) semaphore(%arg13 : memref<!tpu.dma_semaphore, #tpu.memory_space<semaphore_mem>>) {add = true}
    }
    %scan3A_117 = arith.constant 19 : i32
    %dma_wait3A_118 = arith.constant 39 : i32
    %dma_wait3A_119 = arith.constant 0 : i32
    %dma_wait3A_120 = tpu.memref_slice %arg8[%dma_wait3A_118, %dma_wait3A_119] : memref<40x128xi32, #tpu.memory_space<vmem>> -> memref<1x128xi32, #tpu.memory_space<vmem>>
    %dma_wait3A_121 = tpu.memref_squeeze %dma_wait3A_120 : memref<1x128xi32, #tpu.memory_space<vmem>> -> memref<128xi32, #tpu.memory_space<vmem>>
    %dma_wait3A_122 = arith.constant 0 : i32
    %dma_wait3A_123 = arith.constant 0 : i32
    %dma_wait3A_124 = tpu.memref_slice %arg2[%dma_wait3A_122, %dma_wait3A_123] : memref<10000x128xf32, #tpu.memory_space<hbm>> -> memref<10000x128xf32, #tpu.memory_space<hbm>>
    tpu.wait_indirect_dma semaphore(%arg12 : memref<!tpu.dma_semaphore, #tpu.memory_space<semaphore_mem>>) src(%dma_wait3A_124 : memref<10000x128xf32, #tpu.memory_space<hbm>>) dst(%arg11 : memref<128x128xf32, #tpu.memory_space<vmem>>)
    %dma_wait3A_125 = arith.constant 38 : i32
    %dma_wait3A_126 = arith.constant 0 : i32
    %dma_wait3A_127 = tpu.memref_slice %arg9[%dma_wait3A_125, %dma_wait3A_126] : memref<40x128xi32, #tpu.memory_space<vmem>> -> memref<1x128xi32, #tpu.memory_space<vmem>>
    %dma_wait3A_128 = tpu.memref_squeeze %dma_wait3A_127 : memref<1x128xi32, #tpu.memory_space<vmem>> -> memref<128xi32, #tpu.memory_space<vmem>>
    %dma_wait3A_129 = arith.constant 0 : i32
    %dma_wait3A_130 = arith.constant 0 : i32
    %dma_wait3A_131 = tpu.memref_slice %arg7[%dma_wait3A_129, %dma_wait3A_130] : memref<10112x128xf32, #tpu.memory_space<vmem_shared>> -> memref<10112x128xf32, #tpu.memory_space<vmem_shared>>
    tpu.wait_indirect_dma semaphore(%arg13 : memref<!tpu.dma_semaphore, #tpu.memory_space<semaphore_mem>>) src(%arg10 : memref<128x128xf32, #tpu.memory_space<vmem>>) dst(%dma_wait3A_131 : memref<10112x128xf32, #tpu.memory_space<vmem_shared>>)
    %dma_start3A_132 = arith.constant 39 : i32
    %dma_start3A_133 = arith.constant 0 : i32
    %dma_start3A_134 = tpu.memref_slice %arg9[%dma_start3A_132, %dma_start3A_133] : memref<40x128xi32, #tpu.memory_space<vmem>> -> memref<1x128xi32, #tpu.memory_space<vmem>>
    %dma_start3A_135 = tpu.memref_squeeze %dma_start3A_134 : memref<1x128xi32, #tpu.memory_space<vmem>> -> memref<128xi32, #tpu.memory_space<vmem>>
    %dma_start3A_136 = arith.constant 0 : i32
    %dma_start3A_137 = arith.constant 0 : i32
    %dma_start3A_138 = tpu.memref_slice %arg7[%dma_start3A_136, %dma_start3A_137] : memref<10112x128xf32, #tpu.memory_space<vmem_shared>> -> memref<10112x128xf32, #tpu.memory_space<vmem_shared>>
    tpu.enqueue_indirect_dma source(%arg11 : memref<128x128xf32, #tpu.memory_space<vmem>>) target(%dma_start3A_138 : memref<10112x128xf32, #tpu.memory_space<vmem_shared>>) offsets(%dma_start3A_135 : memref<128xi32, #tpu.memory_space<vmem>>) semaphore(%arg13 : memref<!tpu.dma_semaphore, #tpu.memory_space<semaphore_mem>>) {add = true}
    %dma_wait3A_139 = arith.constant 39 : i32
    %dma_wait3A_140 = arith.constant 0 : i32
    %dma_wait3A_141 = tpu.memref_slice %arg9[%dma_wait3A_139, %dma_wait3A_140] : memref<40x128xi32, #tpu.memory_space<vmem>> -> memref<1x128xi32, #tpu.memory_space<vmem>>
    %dma_wait3A_142 = tpu.memref_squeeze %dma_wait3A_141 : memref<1x128xi32, #tpu.memory_space<vmem>> -> memref<128xi32, #tpu.memory_space<vmem>>
    %dma_wait3A_143 = arith.constant 0 : i32
    %dma_wait3A_144 = arith.constant 0 : i32
    %dma_wait3A_145 = tpu.memref_slice %arg7[%dma_wait3A_143, %dma_wait3A_144] : memref<10112x128xf32, #tpu.memory_space<vmem_shared>> -> memref<10112x128xf32, #tpu.memory_space<vmem_shared>>
    tpu.wait_indirect_dma semaphore(%arg13 : memref<!tpu.dma_semaphore, #tpu.memory_space<semaphore_mem>>) src(%arg11 : memref<128x128xf32, #tpu.memory_space<vmem>>) dst(%dma_wait3A_145 : memref<10112x128xf32, #tpu.memory_space<vmem_shared>>)
    %barrier3A_146 = arith.constant 0 : index
    tpu.barrier barrier_id(%barrier3A_146)
    %mul3A_147 = arith.constant 632 : i32
    %mul3A_148 = arith.muli %arg1, %mul3A_147 : i32
    %mul3A_149 = arith.constant 632 : i32
    %mul3A_150 = arith.muli %arg1, %mul3A_149 : i32
    "tpu.region"() ({
      %run_scoped3A = tpu.sem_alloc : memref<!tpu.dma_semaphore, #tpu.memory_space<semaphore_mem>>
      %dma_start3A_151 = arith.constant 0 : i32
      %dma_start3A_152 = arith.constant 0 : i32
      %dma_start3A_153 = tpu.memref_slice %arg6[%arg0, %dma_start3A_151, %dma_start3A_152] : memref<2x10112x128xf32, #tpu.memory_space<hbm>> -> memref<1x10112x128xf32, #tpu.memory_space<hbm>>
      %dma_start3A_154 = tpu.memref_squeeze %dma_start3A_153 : memref<1x10112x128xf32, #tpu.memory_space<hbm>> -> memref<10112x128xf32, #tpu.memory_space<hbm>>
      %dma_start3A_155 = arith.constant 0 : i32
      %dma_start3A_156 = tpu.memref_slice %dma_start3A_154[%mul3A_150, %dma_start3A_155] : memref<10112x128xf32, #tpu.memory_space<hbm>> -> memref<632x128xf32, #tpu.memory_space<hbm>>
      %dma_start3A_157 = arith.constant 0 : i32
      %dma_start3A_158 = tpu.memref_slice %arg7[%mul3A_148, %dma_start3A_157] : memref<10112x128xf32, #tpu.memory_space<vmem_shared>> -> memref<632x128xf32, #tpu.memory_space<vmem_shared>>
      tpu.enqueue_dma source(%dma_start3A_158 : memref<632x128xf32, #tpu.memory_space<vmem_shared>>) target(%dma_start3A_156 : memref<632x128xf32, #tpu.memory_space<hbm>>) target_semaphore(%run_scoped3A : memref<!tpu.dma_semaphore, #tpu.memory_space<semaphore_mem>>)
      %dma_wait3A_159 = arith.constant 0 : i32
      %dma_wait3A_160 = arith.constant 0 : i32
      %dma_wait3A_161 = tpu.memref_slice %arg6[%arg0, %dma_wait3A_159, %dma_wait3A_160] : memref<2x10112x128xf32, #tpu.memory_space<hbm>> -> memref<1x10112x128xf32, #tpu.memory_space<hbm>>
      %dma_wait3A_162 = tpu.memref_squeeze %dma_wait3A_161 : memref<1x10112x128xf32, #tpu.memory_space<hbm>> -> memref<10112x128xf32, #tpu.memory_space<hbm>>
      %dma_wait3A_163 = arith.constant 0 : i32
      %dma_wait3A_164 = tpu.memref_slice %dma_wait3A_162[%mul3A_150, %dma_wait3A_163] : memref<10112x128xf32, #tpu.memory_space<hbm>> -> memref<632x128xf32, #tpu.memory_space<hbm>>
      %dma_wait3A_165 = arith.constant 0 : i32
      %dma_wait3A_166 = tpu.memref_slice %arg7[%mul3A_148, %dma_wait3A_165] : memref<10112x128xf32, #tpu.memory_space<vmem_shared>> -> memref<632x128xf32, #tpu.memory_space<vmem_shared>>
      tpu.wait_dma2 semaphore(%run_scoped3A : memref<!tpu.dma_semaphore, #tpu.memory_space<semaphore_mem>>) src(%dma_wait3A_166 : memref<632x128xf32, #tpu.memory_space<vmem_shared>>) dst(%dma_wait3A_164 : memref<632x128xf32, #tpu.memory_space<hbm>>)
      tpu.yield
    }) : () -> ()
    return
  }
}

#map = affine_map<(d0, d1) -> (0, 0)>
#map1 = affine_map<(d0, d1) -> (0, 0, 0)>
module attributes {stable_mosaic.version = 14 : i64} {
  func.func @body(%arg0: i32, %arg1: i32, %arg2: memref<10000x128xf32, #tpu.memory_space<hbm>>, %arg3: memref<2560x128xi32, #tpu.memory_space<hbm>>, %arg4: memref<2560x128xi32, #tpu.memory_space<hbm>>, %arg5: memref<10112x128xf32, #tpu.memory_space<hbm>>, %arg6: memref<2x10112x128xf32, #tpu.memory_space<hbm>>, %arg7: memref<10112x128xf32, #tpu.memory_space<vmem_shared>>, %arg8: memref<40x128xi32, #tpu.memory_space<vmem>>, %arg9: memref<40x128xi32, #tpu.memory_space<vmem>>, %arg10: memref<128x128xf32, #tpu.memory_space<vmem>>, %arg11: memref<128x128xf32, #tpu.memory_space<vmem>>, %arg12: memref<!tpu.dma_semaphore, #tpu.memory_space<semaphore_mem>>, %arg13: memref<!tpu.dma_semaphore, #tpu.memory_space<semaphore_mem>>, %arg14: memref<!tpu.dma_semaphore, #tpu.memory_space<semaphore_mem>>) attributes {dimension_semantics = [#tpu.dimension_semantics<core_parallel>, #tpu.dimension_semantics<subcore_parallel>], iteration_bounds = array<i64: 2, 16>, scalar_prefetch = 0 : i64, scratch_operands = 8 : i64, tpu.core_type = #tpu.core_type<sc_vector_subcore>, window_params = [{transform_indices = #map}, {transform_indices = #map}, {transform_indices = #map}, {transform_indices = #map}, {transform_indices = #map1}]} {
    %mul3A = arith.constant 16 : i32
    %mul3A_0 = arith.muli %arg0, %mul3A : i32
    %add3A = arith.addi %mul3A_0, %arg1 : i32
    %mul3A_1 = arith.constant 632 : i32
    %mul3A_2 = arith.muli %arg1, %mul3A_1 : i32
    %mul3A_3 = arith.constant 632 : i32
    %mul3A_4 = arith.muli %arg1, %mul3A_3 : i32
    %dma_start3A = arith.constant 0 : i32
    %dma_start3A_5 = tpu.memref_slice %arg7[%mul3A_4, %dma_start3A] : memref<10112x128xf32, #tpu.memory_space<vmem_shared>> -> memref<632x128xf32, #tpu.memory_space<vmem_shared>>
    %dma_start3A_6 = arith.constant 0 : i32
    %dma_start3A_7 = tpu.memref_slice %arg5[%mul3A_2, %dma_start3A_6] : memref<10112x128xf32, #tpu.memory_space<hbm>> -> memref<632x128xf32, #tpu.memory_space<hbm>>
    tpu.enqueue_dma source(%dma_start3A_7 : memref<632x128xf32, #tpu.memory_space<hbm>>) target(%dma_start3A_5 : memref<632x128xf32, #tpu.memory_space<vmem_shared>>) target_semaphore(%arg14 : memref<!tpu.dma_semaphore, #tpu.memory_space<semaphore_mem>>)
    %mul3A_8 = arith.constant 80 : i32
    %mul3A_9 = arith.muli %add3A, %mul3A_8 : i32
    %add3A_10 = arith.constant 0 : i32
    %add3A_11 = arith.addi %mul3A_9, %add3A_10 : i32
    "tpu.region"() ({
      %run_scoped3A = tpu.sem_alloc : memref<!tpu.dma_semaphore, #tpu.memory_space<semaphore_mem>>
      %dma_start3A_151 = arith.constant 0 : i32
      %dma_start3A_152 = tpu.memref_slice %arg3[%add3A_11, %dma_start3A_151] : memref<2560x128xi32, #tpu.memory_space<hbm>> -> memref<40x128xi32, #tpu.memory_space<hbm>>
      %dma_start3A_153 = arith.constant 0 : i32
      %dma_start3A_154 = tpu.memref_slice %arg3[%add3A_11, %dma_start3A_153] : memref<2560x128xi32, #tpu.memory_space<hbm>> -> memref<40x128xi32, #tpu.memory_space<hbm>>
      tpu.enqueue_dma source(%dma_start3A_154 : memref<40x128xi32, #tpu.memory_space<hbm>>) target(%arg8 : memref<40x128xi32, #tpu.memory_space<vmem>>) target_semaphore(%run_scoped3A : memref<!tpu.dma_semaphore, #tpu.memory_space<semaphore_mem>>)
      %dma_wait3A_155 = arith.constant 0 : i32
      %dma_wait3A_156 = tpu.memref_slice %arg3[%add3A_11, %dma_wait3A_155] : memref<2560x128xi32, #tpu.memory_space<hbm>> -> memref<40x128xi32, #tpu.memory_space<hbm>>
      %dma_wait3A_157 = arith.constant 0 : i32
      %dma_wait3A_158 = tpu.memref_slice %arg3[%add3A_11, %dma_wait3A_157] : memref<2560x128xi32, #tpu.memory_space<hbm>> -> memref<40x128xi32, #tpu.memory_space<hbm>>
      tpu.wait_dma2 semaphore(%run_scoped3A : memref<!tpu.dma_semaphore, #tpu.memory_space<semaphore_mem>>) src(%dma_wait3A_158 : memref<40x128xi32, #tpu.memory_space<hbm>>) dst(%arg8 : memref<40x128xi32, #tpu.memory_space<vmem>>)
      tpu.yield
    }) : () -> ()
    "tpu.region"() ({
      %run_scoped3A = tpu.sem_alloc : memref<!tpu.dma_semaphore, #tpu.memory_space<semaphore_mem>>
      %dma_start3A_151 = arith.constant 0 : i32
      %dma_start3A_152 = tpu.memref_slice %arg4[%add3A_11, %dma_start3A_151] : memref<2560x128xi32, #tpu.memory_space<hbm>> -> memref<40x128xi32, #tpu.memory_space<hbm>>
      %dma_start3A_153 = arith.constant 0 : i32
      %dma_start3A_154 = tpu.memref_slice %arg4[%add3A_11, %dma_start3A_153] : memref<2560x128xi32, #tpu.memory_space<hbm>> -> memref<40x128xi32, #tpu.memory_space<hbm>>
      tpu.enqueue_dma source(%dma_start3A_154 : memref<40x128xi32, #tpu.memory_space<hbm>>) target(%arg9 : memref<40x128xi32, #tpu.memory_space<vmem>>) target_semaphore(%run_scoped3A : memref<!tpu.dma_semaphore, #tpu.memory_space<semaphore_mem>>)
      %dma_wait3A_155 = arith.constant 0 : i32
      %dma_wait3A_156 = tpu.memref_slice %arg4[%add3A_11, %dma_wait3A_155] : memref<2560x128xi32, #tpu.memory_space<hbm>> -> memref<40x128xi32, #tpu.memory_space<hbm>>
      %dma_wait3A_157 = arith.constant 0 : i32
      %dma_wait3A_158 = tpu.memref_slice %arg4[%add3A_11, %dma_wait3A_157] : memref<2560x128xi32, #tpu.memory_space<hbm>> -> memref<40x128xi32, #tpu.memory_space<hbm>>
      tpu.wait_dma2 semaphore(%run_scoped3A : memref<!tpu.dma_semaphore, #tpu.memory_space<semaphore_mem>>) src(%dma_wait3A_158 : memref<40x128xi32, #tpu.memory_space<hbm>>) dst(%arg9 : memref<40x128xi32, #tpu.memory_space<vmem>>)
      tpu.yield
    }) : () -> ()
    %dma_start3A_12 = arith.constant 0 : i32
    %dma_start3A_13 = arith.constant 0 : i32
    %dma_start3A_14 = tpu.memref_slice %arg8[%dma_start3A_12, %dma_start3A_13] : memref<40x128xi32, #tpu.memory_space<vmem>> -> memref<1x128xi32, #tpu.memory_space<vmem>>
    %dma_start3A_15 = tpu.memref_squeeze %dma_start3A_14 : memref<1x128xi32, #tpu.memory_space<vmem>> -> memref<128xi32, #tpu.memory_space<vmem>>
    %dma_start3A_16 = arith.constant 0 : i32
    %dma_start3A_17 = arith.constant 0 : i32
    %dma_start3A_18 = tpu.memref_slice %arg2[%dma_start3A_16, %dma_start3A_17] : memref<10000x128xf32, #tpu.memory_space<hbm>> -> memref<10000x128xf32, #tpu.memory_space<hbm>>
    tpu.enqueue_indirect_dma source(%dma_start3A_18 : memref<10000x128xf32, #tpu.memory_space<hbm>>) target(%arg10 : memref<128x128xf32, #tpu.memory_space<vmem>>) offsets(%dma_start3A_15 : memref<128xi32, #tpu.memory_space<vmem>>) semaphore(%arg12 : memref<!tpu.dma_semaphore, #tpu.memory_space<semaphore_mem>>)
    %dma_wait3A = arith.constant 0 : i32
    %dma_wait3A_19 = arith.constant 0 : i32
    %dma_wait3A_20 = tpu.memref_slice %arg8[%dma_wait3A, %dma_wait3A_19] : memref<40x128xi32, #tpu.memory_space<vmem>> -> memref<1x128xi32, #tpu.memory_space<vmem>>
    %dma_wait3A_21 = tpu.memref_squeeze %dma_wait3A_20 : memref<1x128xi32, #tpu.memory_space<vmem>> -> memref<128xi32, #tpu.memory_space<vmem>>
    %dma_wait3A_22 = arith.constant 0 : i32
    %dma_wait3A_23 = arith.constant 0 : i32
    %dma_wait3A_24 = tpu.memref_slice %arg2[%dma_wait3A_22, %dma_wait3A_23] : memref<10000x128xf32, #tpu.memory_space<hbm>> -> memref<10000x128xf32, #tpu.memory_space<hbm>>
    tpu.wait_indirect_dma semaphore(%arg12 : memref<!tpu.dma_semaphore, #tpu.memory_space<semaphore_mem>>) src(%dma_wait3A_24 : memref<10000x128xf32, #tpu.memory_space<hbm>>) dst(%arg10 : memref<128x128xf32, #tpu.memory_space<vmem>>)
    %dma_start3A_25 = arith.constant 1 : i32
    %dma_start3A_26 = arith.constant 0 : i32
    %dma_start3A_27 = tpu.memref_slice %arg8[%dma_start3A_25, %dma_start3A_26] : memref<40x128xi32, #tpu.memory_space<vmem>> -> memref<1x128xi32, #tpu.memory_space<vmem>>
    %dma_start3A_28 = tpu.memref_squeeze %dma_start3A_27 : memref<1x128xi32, #tpu.memory_space<vmem>> -> memref<128xi32, #tpu.memory_space<vmem>>
    %dma_start3A_29 = arith.constant 0 : i32
    %dma_start3A_30 = arith.constant 0 : i32
    %dma_start3A_31 = tpu.memref_slice %arg2[%dma_start3A_29, %dma_start3A_30] : memref<10000x128xf32, #tpu.memory_space<hbm>> -> memref<10000x128xf32, #tpu.memory_space<hbm>>
    tpu.enqueue_indirect_dma source(%dma_start3A_31 : memref<10000x128xf32, #tpu.memory_space<hbm>>) target(%arg11 : memref<128x128xf32, #tpu.memory_space<vmem>>) offsets(%dma_start3A_28 : memref<128xi32, #tpu.memory_space<vmem>>) semaphore(%arg12 : memref<!tpu.dma_semaphore, #tpu.memory_space<semaphore_mem>>)
    %mul3A_32 = arith.constant 632 : i32
    %mul3A_33 = arith.muli %arg1, %mul3A_32 : i32
    %mul3A_34 = arith.constant 632 : i32
    %mul3A_35 = arith.muli %arg1, %mul3A_34 : i32
    %dma_wait3A_36 = arith.constant 0 : i32
    %dma_wait3A_37 = tpu.memref_slice %arg7[%mul3A_35, %dma_wait3A_36] : memref<10112x128xf32, #tpu.memory_space<vmem_shared>> -> memref<632x128xf32, #tpu.memory_space<vmem_shared>>
    %dma_wait3A_38 = arith.constant 0 : i32
    %dma_wait3A_39 = tpu.memref_slice %arg5[%mul3A_33, %dma_wait3A_38] : memref<10112x128xf32, #tpu.memory_space<hbm>> -> memref<632x128xf32, #tpu.memory_space<hbm>>
    tpu.wait_dma2 semaphore(%arg14 : memref<!tpu.dma_semaphore, #tpu.memory_space<semaphore_mem>>) src(%dma_wait3A_39 : memref<632x128xf32, #tpu.memory_space<hbm>>) dst(%dma_wait3A_37 : memref<632x128xf32, #tpu.memory_space<vmem_shared>>)
    %barrier3A = arith.constant 0 : index
    tpu.barrier barrier_id(%barrier3A)
    %dma_start3A_40 = arith.constant 0 : i32
    %dma_start3A_41 = arith.constant 0 : i32
    %dma_start3A_42 = tpu.memref_slice %arg9[%dma_start3A_40, %dma_start3A_41] : memref<40x128xi32, #tpu.memory_space<vmem>> -> memref<1x128xi32, #tpu.memory_space<vmem>>
    %dma_start3A_43 = tpu.memref_squeeze %dma_start3A_42 : memref<1x128xi32, #tpu.memory_space<vmem>> -> memref<128xi32, #tpu.memory_space<vmem>>
    %dma_start3A_44 = arith.constant 0 : i32
    %dma_start3A_45 = arith.constant 0 : i32
    %dma_start3A_46 = tpu.memref_slice %arg7[%dma_start3A_44, %dma_start3A_45] : memref<10112x128xf32, #tpu.memory_space<vmem_shared>> -> memref<10112x128xf32, #tpu.memory_space<vmem_shared>>
    tpu.enqueue_indirect_dma source(%arg10 : memref<128x128xf32, #tpu.memory_space<vmem>>) target(%dma_start3A_46 : memref<10112x128xf32, #tpu.memory_space<vmem_shared>>) offsets(%dma_start3A_43 : memref<128xi32, #tpu.memory_space<vmem>>) semaphore(%arg13 : memref<!tpu.dma_semaphore, #tpu.memory_space<semaphore_mem>>) {add = true}
    %scan3A = arith.constant 0 : i32
    %scan3A_47 = arith.constant 0 : i32
    %scan3A_48 = arith.constant 19 : i32
    %scan3A_49 = arith.addi %scan3A_47, %scan3A_48 : i32
    %scan3A_50 = arith.constant 1 : i32
    scf.for %scan3A_151 = %scan3A_47 to %scan3A_49 step %scan3A_50  : i32 {
      %mul3A_152 = arith.constant 2 : i32
      %mul3A_153 = arith.muli %mul3A_152, %scan3A_151 : i32
      %add3A_154 = arith.constant 1 : i32
      %add3A_155 = arith.addi %mul3A_153, %add3A_154 : i32
      %add3A_156 = arith.constant 0 : i32
      %add3A_157 = arith.addi %add3A_155, %add3A_156 : i32
      %dma_wait3A_158 = arith.constant 0 : i32
      %dma_wait3A_159 = tpu.memref_slice %arg8[%add3A_157, %dma_wait3A_158] : memref<40x128xi32, #tpu.memory_space<vmem>> -> memref<1x128xi32, #tpu.memory_space<vmem>>
      %dma_wait3A_160 = tpu.memref_squeeze %dma_wait3A_159 : memref<1x128xi32, #tpu.memory_space<vmem>> -> memref<128xi32, #tpu.memory_space<vmem>>
      %dma_wait3A_161 = arith.constant 0 : i32
      %dma_wait3A_162 = arith.constant 0 : i32
      %dma_wait3A_163 = tpu.memref_slice %arg2[%dma_wait3A_161, %dma_wait3A_162] : memref<10000x128xf32, #tpu.memory_space<hbm>> -> memref<10000x128xf32, #tpu.memory_space<hbm>>
      tpu.wait_indirect_dma semaphore(%arg12 : memref<!tpu.dma_semaphore, #tpu.memory_space<semaphore_mem>>) src(%dma_wait3A_163 : memref<10000x128xf32, #tpu.memory_space<hbm>>) dst(%arg11 : memref<128x128xf32, #tpu.memory_space<vmem>>)
      %sub3A = arith.constant 1 : i32
      %sub3A_164 = arith.subi %add3A_157, %sub3A : i32
      %dma_wait3A_165 = arith.constant 0 : i32
      %dma_wait3A_166 = tpu.memref_slice %arg9[%sub3A_164, %dma_wait3A_165] : memref<40x128xi32, #tpu.memory_space<vmem>> -> memref<1x128xi32, #tpu.memory_space<vmem>>
      %dma_wait3A_167 = tpu.memref_squeeze %dma_wait3A_166 : memref<1x128xi32, #tpu.memory_space<vmem>> -> memref<128xi32, #tpu.memory_space<vmem>>
      %dma_wait3A_168 = arith.constant 0 : i32
      %dma_wait3A_169 = arith.constant 0 : i32
      %dma_wait3A_170 = tpu.memref_slice %arg7[%dma_wait3A_168, %dma_wait3A_169] : memref<10112x128xf32, #tpu.memory_space<vmem_shared>> -> memref<10112x128xf32, #tpu.memory_space<vmem_shared>>
      tpu.wait_indirect_dma semaphore(%arg13 : memref<!tpu.dma_semaphore, #tpu.memory_space<semaphore_mem>>) src(%arg10 : memref<128x128xf32, #tpu.memory_space<vmem>>) dst(%dma_wait3A_170 : memref<10112x128xf32, #tpu.memory_space<vmem_shared>>)
      %add3A_171 = arith.constant 1 : i32
      %add3A_172 = arith.addi %add3A_157, %add3A_171 : i32
      %dma_start3A_173 = arith.constant 0 : i32
      %dma_start3A_174 = tpu.memref_slice %arg8[%add3A_172, %dma_start3A_173] : memref<40x128xi32, #tpu.memory_space<vmem>> -> memref<1x128xi32, #tpu.memory_space<vmem>>
      %dma_start3A_175 = tpu.memref_squeeze %dma_start3A_174 : memref<1x128xi32, #tpu.memory_space<vmem>> -> memref<128xi32, #tpu.memory_space<vmem>>
      %dma_start3A_176 = arith.constant 0 : i32
      %dma_start3A_177 = arith.constant 0 : i32
      %dma_start3A_178 = tpu.memref_slice %arg2[%dma_start3A_176, %dma_start3A_177] : memref<10000x128xf32, #tpu.memory_space<hbm>> -> memref<10000x128xf32, #tpu.memory_space<hbm>>
      tpu.enqueue_indirect_dma source(%dma_start3A_178 : memref<10000x128xf32, #tpu.memory_space<hbm>>) target(%arg10 : memref<128x128xf32, #tpu.memory_space<vmem>>) offsets(%dma_start3A_175 : memref<128xi32, #tpu.memory_space<vmem>>) semaphore(%arg12 : memref<!tpu.dma_semaphore, #tpu.memory_space<semaphore_mem>>)
      %dma_start3A_179 = arith.constant 0 : i32
      %dma_start3A_180 = tpu.memref_slice %arg9[%add3A_157, %dma_start3A_179] : memref<40x128xi32, #tpu.memory_space<vmem>> -> memref<1x128xi32, #tpu.memory_space<vmem>>
      %dma_start3A_181 = tpu.memref_squeeze %dma_start3A_180 : memref<1x128xi32, #tpu.memory_space<vmem>> -> memref<128xi32, #tpu.memory_space<vmem>>
      %dma_start3A_182 = arith.constant 0 : i32
      %dma_start3A_183 = arith.constant 0 : i32
      %dma_start3A_184 = tpu.memref_slice %arg7[%dma_start3A_182, %dma_start3A_183] : memref<10112x128xf32, #tpu.memory_space<vmem_shared>> -> memref<10112x128xf32, #tpu.memory_space<vmem_shared>>
      tpu.enqueue_indirect_dma source(%arg11 : memref<128x128xf32, #tpu.memory_space<vmem>>) target(%dma_start3A_184 : memref<10112x128xf32, #tpu.memory_space<vmem_shared>>) offsets(%dma_start3A_181 : memref<128xi32, #tpu.memory_space<vmem>>) semaphore(%arg13 : memref<!tpu.dma_semaphore, #tpu.memory_space<semaphore_mem>>) {add = true}
      %mul3A_185 = arith.constant 2 : i32
      %mul3A_186 = arith.muli %mul3A_185, %scan3A_151 : i32
      %add3A_187 = arith.constant 1 : i32
      %add3A_188 = arith.addi %mul3A_186, %add3A_187 : i32
      %add3A_189 = arith.constant 1 : i32
      %add3A_190 = arith.addi %add3A_188, %add3A_189 : i32
      %dma_wait3A_191 = arith.constant 0 : i32
      %dma_wait3A_192 = tpu.memref_slice %arg8[%add3A_190, %dma_wait3A_191] : memref<40x128xi32, #tpu.memory_space<vmem>> -> memref<1x128xi32, #tpu.memory_space<vmem>>
      %dma_wait3A_193 = tpu.memref_squeeze %dma_wait3A_192 : memref<1x128xi32, #tpu.memory_space<vmem>> -> memref<128xi32, #tpu.memory_space<vmem>>
      %dma_wait3A_194 = arith.constant 0 : i32
      %dma_wait3A_195 = arith.constant 0 : i32
      %dma_wait3A_196 = tpu.memref_slice %arg2[%dma_wait3A_194, %dma_wait3A_195] : memref<10000x128xf32, #tpu.memory_space<hbm>> -> memref<10000x128xf32, #tpu.memory_space<hbm>>
      tpu.wait_indirect_dma semaphore(%arg12 : memref<!tpu.dma_semaphore, #tpu.memory_space<semaphore_mem>>) src(%dma_wait3A_196 : memref<10000x128xf32, #tpu.memory_space<hbm>>) dst(%arg10 : memref<128x128xf32, #tpu.memory_space<vmem>>)
      %sub3A_197 = arith.constant 1 : i32
      %sub3A_198 = arith.subi %add3A_190, %sub3A_197 : i32
      %dma_wait3A_199 = arith.constant 0 : i32
      %dma_wait3A_200 = tpu.memref_slice %arg9[%sub3A_198, %dma_wait3A_199] : memref<40x128xi32, #tpu.memory_space<vmem>> -> memref<1x128xi32, #tpu.memory_space<vmem>>
      %dma_wait3A_201 = tpu.memref_squeeze %dma_wait3A_200 : memref<1x128xi32, #tpu.memory_space<vmem>> -> memref<128xi32, #tpu.memory_space<vmem>>
      %dma_wait3A_202 = arith.constant 0 : i32
      %dma_wait3A_203 = arith.constant 0 : i32
      %dma_wait3A_204 = tpu.memref_slice %arg7[%dma_wait3A_202, %dma_wait3A_203] : memref<10112x128xf32, #tpu.memory_space<vmem_shared>> -> memref<10112x128xf32, #tpu.memory_space<vmem_shared>>
      tpu.wait_indirect_dma semaphore(%arg13 : memref<!tpu.dma_semaphore, #tpu.memory_space<semaphore_mem>>) src(%arg11 : memref<128x128xf32, #tpu.memory_space<vmem>>) dst(%dma_wait3A_204 : memref<10112x128xf32, #tpu.memory_space<vmem_shared>>)
      %add3A_205 = arith.constant 1 : i32
      %add3A_206 = arith.addi %add3A_190, %add3A_205 : i32
      %dma_start3A_207 = arith.constant 0 : i32
      %dma_start3A_208 = tpu.memref_slice %arg8[%add3A_206, %dma_start3A_207] : memref<40x128xi32, #tpu.memory_space<vmem>> -> memref<1x128xi32, #tpu.memory_space<vmem>>
      %dma_start3A_209 = tpu.memref_squeeze %dma_start3A_208 : memref<1x128xi32, #tpu.memory_space<vmem>> -> memref<128xi32, #tpu.memory_space<vmem>>
      %dma_start3A_210 = arith.constant 0 : i32
      %dma_start3A_211 = arith.constant 0 : i32
      %dma_start3A_212 = tpu.memref_slice %arg2[%dma_start3A_210, %dma_start3A_211] : memref<10000x128xf32, #tpu.memory_space<hbm>> -> memref<10000x128xf32, #tpu.memory_space<hbm>>
      tpu.enqueue_indirect_dma source(%dma_start3A_212 : memref<10000x128xf32, #tpu.memory_space<hbm>>) target(%arg11 : memref<128x128xf32, #tpu.memory_space<vmem>>) offsets(%dma_start3A_209 : memref<128xi32, #tpu.memory_space<vmem>>) semaphore(%arg12 : memref<!tpu.dma_semaphore, #tpu.memory_space<semaphore_mem>>)
      %dma_start3A_213 = arith.constant 0 : i32
      %dma_start3A_214 = tpu.memref_slice %arg9[%add3A_190, %dma_start3A_213] : memref<40x128xi32, #tpu.memory_space<vmem>> -> memref<1x128xi32, #tpu.memory_space<vmem>>
      %dma_start3A_215 = tpu.memref_squeeze %dma_start3A_214 : memref<1x128xi32, #tpu.memory_space<vmem>> -> memref<128xi32, #tpu.memory_space<vmem>>
      %dma_start3A_216 = arith.constant 0 : i32
      %dma_start3A_217 = arith.constant 0 : i32
      %dma_start3A_218 = tpu.memref_slice %arg7[%dma_start3A_216, %dma_start3A_217] : memref<10112x128xf32, #tpu.memory_space<vmem_shared>> -> memref<10112x128xf32, #tpu.memory_space<vmem_shared>>
      tpu.enqueue_indirect_dma source(%arg10 : memref<128x128xf32, #tpu.memory_space<vmem>>) target(%dma_start3A_218 : memref<10112x128xf32, #tpu.memory_space<vmem_shared>>) offsets(%dma_start3A_215 : memref<128xi32, #tpu.memory_space<vmem>>) semaphore(%arg13 : memref<!tpu.dma_semaphore, #tpu.memory_space<semaphore_mem>>) {add = true}
    }
    %scan3A_51 = arith.constant 19 : i32
    %dma_wait3A_52 = arith.constant 39 : i32
    %dma_wait3A_53 = arith.constant 0 : i32
    %dma_wait3A_54 = tpu.memref_slice %arg8[%dma_wait3A_52, %dma_wait3A_53] : memref<40x128xi32, #tpu.memory_space<vmem>> -> memref<1x128xi32, #tpu.memory_space<vmem>>
    %dma_wait3A_55 = tpu.memref_squeeze %dma_wait3A_54 : memref<1x128xi32, #tpu.memory_space<vmem>> -> memref<128xi32, #tpu.memory_space<vmem>>
    %dma_wait3A_56 = arith.constant 0 : i32
    %dma_wait3A_57 = arith.constant 0 : i32
    %dma_wait3A_58 = tpu.memref_slice %arg2[%dma_wait3A_56, %dma_wait3A_57] : memref<10000x128xf32, #tpu.memory_space<hbm>> -> memref<10000x128xf32, #tpu.memory_space<hbm>>
    tpu.wait_indirect_dma semaphore(%arg12 : memref<!tpu.dma_semaphore, #tpu.memory_space<semaphore_mem>>) src(%dma_wait3A_58 : memref<10000x128xf32, #tpu.memory_space<hbm>>) dst(%arg11 : memref<128x128xf32, #tpu.memory_space<vmem>>)
    %dma_wait3A_59 = arith.constant 38 : i32
    %dma_wait3A_60 = arith.constant 0 : i32
    %dma_wait3A_61 = tpu.memref_slice %arg9[%dma_wait3A_59, %dma_wait3A_60] : memref<40x128xi32, #tpu.memory_space<vmem>> -> memref<1x128xi32, #tpu.memory_space<vmem>>
    %dma_wait3A_62 = tpu.memref_squeeze %dma_wait3A_61 : memref<1x128xi32, #tpu.memory_space<vmem>> -> memref<128xi32, #tpu.memory_space<vmem>>
    %dma_wait3A_63 = arith.constant 0 : i32
    %dma_wait3A_64 = arith.constant 0 : i32
    %dma_wait3A_65 = tpu.memref_slice %arg7[%dma_wait3A_63, %dma_wait3A_64] : memref<10112x128xf32, #tpu.memory_space<vmem_shared>> -> memref<10112x128xf32, #tpu.memory_space<vmem_shared>>
    tpu.wait_indirect_dma semaphore(%arg13 : memref<!tpu.dma_semaphore, #tpu.memory_space<semaphore_mem>>) src(%arg10 : memref<128x128xf32, #tpu.memory_space<vmem>>) dst(%dma_wait3A_65 : memref<10112x128xf32, #tpu.memory_space<vmem_shared>>)
    %dma_start3A_66 = arith.constant 39 : i32
    %dma_start3A_67 = arith.constant 0 : i32
    %dma_start3A_68 = tpu.memref_slice %arg9[%dma_start3A_66, %dma_start3A_67] : memref<40x128xi32, #tpu.memory_space<vmem>> -> memref<1x128xi32, #tpu.memory_space<vmem>>
    %dma_start3A_69 = tpu.memref_squeeze %dma_start3A_68 : memref<1x128xi32, #tpu.memory_space<vmem>> -> memref<128xi32, #tpu.memory_space<vmem>>
    %dma_start3A_70 = arith.constant 0 : i32
    %dma_start3A_71 = arith.constant 0 : i32
    %dma_start3A_72 = tpu.memref_slice %arg7[%dma_start3A_70, %dma_start3A_71] : memref<10112x128xf32, #tpu.memory_space<vmem_shared>> -> memref<10112x128xf32, #tpu.memory_space<vmem_shared>>
    tpu.enqueue_indirect_dma source(%arg11 : memref<128x128xf32, #tpu.memory_space<vmem>>) target(%dma_start3A_72 : memref<10112x128xf32, #tpu.memory_space<vmem_shared>>) offsets(%dma_start3A_69 : memref<128xi32, #tpu.memory_space<vmem>>) semaphore(%arg13 : memref<!tpu.dma_semaphore, #tpu.memory_space<semaphore_mem>>) {add = true}
    %dma_wait3A_73 = arith.constant 39 : i32
    %dma_wait3A_74 = arith.constant 0 : i32
    %dma_wait3A_75 = tpu.memref_slice %arg9[%dma_wait3A_73, %dma_wait3A_74] : memref<40x128xi32, #tpu.memory_space<vmem>> -> memref<1x128xi32, #tpu.memory_space<vmem>>
    %dma_wait3A_76 = tpu.memref_squeeze %dma_wait3A_75 : memref<1x128xi32, #tpu.memory_space<vmem>> -> memref<128xi32, #tpu.memory_space<vmem>>
    %dma_wait3A_77 = arith.constant 0 : i32
    %dma_wait3A_78 = arith.constant 0 : i32
    %dma_wait3A_79 = tpu.memref_slice %arg7[%dma_wait3A_77, %dma_wait3A_78] : memref<10112x128xf32, #tpu.memory_space<vmem_shared>> -> memref<10112x128xf32, #tpu.memory_space<vmem_shared>>
    tpu.wait_indirect_dma semaphore(%arg13 : memref<!tpu.dma_semaphore, #tpu.memory_space<semaphore_mem>>) src(%arg11 : memref<128x128xf32, #tpu.memory_space<vmem>>) dst(%dma_wait3A_79 : memref<10112x128xf32, #tpu.memory_space<vmem_shared>>)
    %mul3A_80 = arith.constant 80 : i32
    %mul3A_81 = arith.muli %add3A, %mul3A_80 : i32
    %add3A_82 = arith.constant 40 : i32
    %add3A_83 = arith.addi %mul3A_81, %add3A_82 : i32
    "tpu.region"() ({
      %run_scoped3A = tpu.sem_alloc : memref<!tpu.dma_semaphore, #tpu.memory_space<semaphore_mem>>
      %dma_start3A_151 = arith.constant 0 : i32
      %dma_start3A_152 = tpu.memref_slice %arg3[%add3A_83, %dma_start3A_151] : memref<2560x128xi32, #tpu.memory_space<hbm>> -> memref<40x128xi32, #tpu.memory_space<hbm>>
      %dma_start3A_153 = arith.constant 0 : i32
      %dma_start3A_154 = tpu.memref_slice %arg3[%add3A_83, %dma_start3A_153] : memref<2560x128xi32, #tpu.memory_space<hbm>> -> memref<40x128xi32, #tpu.memory_space<hbm>>
      tpu.enqueue_dma source(%dma_start3A_154 : memref<40x128xi32, #tpu.memory_space<hbm>>) target(%arg8 : memref<40x128xi32, #tpu.memory_space<vmem>>) target_semaphore(%run_scoped3A : memref<!tpu.dma_semaphore, #tpu.memory_space<semaphore_mem>>)
      %dma_wait3A_155 = arith.constant 0 : i32
      %dma_wait3A_156 = tpu.memref_slice %arg3[%add3A_83, %dma_wait3A_155] : memref<2560x128xi32, #tpu.memory_space<hbm>> -> memref<40x128xi32, #tpu.memory_space<hbm>>
      %dma_wait3A_157 = arith.constant 0 : i32
      %dma_wait3A_158 = tpu.memref_slice %arg3[%add3A_83, %dma_wait3A_157] : memref<2560x128xi32, #tpu.memory_space<hbm>> -> memref<40x128xi32, #tpu.memory_space<hbm>>
      tpu.wait_dma2 semaphore(%run_scoped3A : memref<!tpu.dma_semaphore, #tpu.memory_space<semaphore_mem>>) src(%dma_wait3A_158 : memref<40x128xi32, #tpu.memory_space<hbm>>) dst(%arg8 : memref<40x128xi32, #tpu.memory_space<vmem>>)
      tpu.yield
    }) : () -> ()
    "tpu.region"() ({
      %run_scoped3A = tpu.sem_alloc : memref<!tpu.dma_semaphore, #tpu.memory_space<semaphore_mem>>
      %dma_start3A_151 = arith.constant 0 : i32
      %dma_start3A_152 = tpu.memref_slice %arg4[%add3A_83, %dma_start3A_151] : memref<2560x128xi32, #tpu.memory_space<hbm>> -> memref<40x128xi32, #tpu.memory_space<hbm>>
      %dma_start3A_153 = arith.constant 0 : i32
      %dma_start3A_154 = tpu.memref_slice %arg4[%add3A_83, %dma_start3A_153] : memref<2560x128xi32, #tpu.memory_space<hbm>> -> memref<40x128xi32, #tpu.memory_space<hbm>>
      tpu.enqueue_dma source(%dma_start3A_154 : memref<40x128xi32, #tpu.memory_space<hbm>>) target(%arg9 : memref<40x128xi32, #tpu.memory_space<vmem>>) target_semaphore(%run_scoped3A : memref<!tpu.dma_semaphore, #tpu.memory_space<semaphore_mem>>)
      %dma_wait3A_155 = arith.constant 0 : i32
      %dma_wait3A_156 = tpu.memref_slice %arg4[%add3A_83, %dma_wait3A_155] : memref<2560x128xi32, #tpu.memory_space<hbm>> -> memref<40x128xi32, #tpu.memory_space<hbm>>
      %dma_wait3A_157 = arith.constant 0 : i32
      %dma_wait3A_158 = tpu.memref_slice %arg4[%add3A_83, %dma_wait3A_157] : memref<2560x128xi32, #tpu.memory_space<hbm>> -> memref<40x128xi32, #tpu.memory_space<hbm>>
      tpu.wait_dma2 semaphore(%run_scoped3A : memref<!tpu.dma_semaphore, #tpu.memory_space<semaphore_mem>>) src(%dma_wait3A_158 : memref<40x128xi32, #tpu.memory_space<hbm>>) dst(%arg9 : memref<40x128xi32, #tpu.memory_space<vmem>>)
      tpu.yield
    }) : () -> ()
    %dma_start3A_84 = arith.constant 0 : i32
    %dma_start3A_85 = arith.constant 0 : i32
    %dma_start3A_86 = tpu.memref_slice %arg8[%dma_start3A_84, %dma_start3A_85] : memref<40x128xi32, #tpu.memory_space<vmem>> -> memref<1x128xi32, #tpu.memory_space<vmem>>
    %dma_start3A_87 = tpu.memref_squeeze %dma_start3A_86 : memref<1x128xi32, #tpu.memory_space<vmem>> -> memref<128xi32, #tpu.memory_space<vmem>>
    %dma_start3A_88 = arith.constant 0 : i32
    %dma_start3A_89 = arith.constant 0 : i32
    %dma_start3A_90 = tpu.memref_slice %arg2[%dma_start3A_88, %dma_start3A_89] : memref<10000x128xf32, #tpu.memory_space<hbm>> -> memref<10000x128xf32, #tpu.memory_space<hbm>>
    tpu.enqueue_indirect_dma source(%dma_start3A_90 : memref<10000x128xf32, #tpu.memory_space<hbm>>) target(%arg10 : memref<128x128xf32, #tpu.memory_space<vmem>>) offsets(%dma_start3A_87 : memref<128xi32, #tpu.memory_space<vmem>>) semaphore(%arg12 : memref<!tpu.dma_semaphore, #tpu.memory_space<semaphore_mem>>)
    %dma_wait3A_91 = arith.constant 0 : i32
    %dma_wait3A_92 = arith.constant 0 : i32
    %dma_wait3A_93 = tpu.memref_slice %arg8[%dma_wait3A_91, %dma_wait3A_92] : memref<40x128xi32, #tpu.memory_space<vmem>> -> memref<1x128xi32, #tpu.memory_space<vmem>>
    %dma_wait3A_94 = tpu.memref_squeeze %dma_wait3A_93 : memref<1x128xi32, #tpu.memory_space<vmem>> -> memref<128xi32, #tpu.memory_space<vmem>>
    %dma_wait3A_95 = arith.constant 0 : i32
    %dma_wait3A_96 = arith.constant 0 : i32
    %dma_wait3A_97 = tpu.memref_slice %arg2[%dma_wait3A_95, %dma_wait3A_96] : memref<10000x128xf32, #tpu.memory_space<hbm>> -> memref<10000x128xf32, #tpu.memory_space<hbm>>
    tpu.wait_indirect_dma semaphore(%arg12 : memref<!tpu.dma_semaphore, #tpu.memory_space<semaphore_mem>>) src(%dma_wait3A_97 : memref<10000x128xf32, #tpu.memory_space<hbm>>) dst(%arg10 : memref<128x128xf32, #tpu.memory_space<vmem>>)
    %dma_start3A_98 = arith.constant 1 : i32
    %dma_start3A_99 = arith.constant 0 : i32
    %dma_start3A_100 = tpu.memref_slice %arg8[%dma_start3A_98, %dma_start3A_99] : memref<40x128xi32, #tpu.memory_space<vmem>> -> memref<1x128xi32, #tpu.memory_space<vmem>>
    %dma_start3A_101 = tpu.memref_squeeze %dma_start3A_100 : memref<1x128xi32, #tpu.memory_space<vmem>> -> memref<128xi32, #tpu.memory_space<vmem>>
    %dma_start3A_102 = arith.constant 0 : i32
    %dma_start3A_103 = arith.constant 0 : i32
    %dma_start3A_104 = tpu.memref_slice %arg2[%dma_start3A_102, %dma_start3A_103] : memref<10000x128xf32, #tpu.memory_space<hbm>> -> memref<10000x128xf32, #tpu.memory_space<hbm>>
    tpu.enqueue_indirect_dma source(%dma_start3A_104 : memref<10000x128xf32, #tpu.memory_space<hbm>>) target(%arg11 : memref<128x128xf32, #tpu.memory_space<vmem>>) offsets(%dma_start3A_101 : memref<128xi32, #tpu.memory_space<vmem>>) semaphore(%arg12 : memref<!tpu.dma_semaphore, #tpu.memory_space<semaphore_mem>>)
    %dma_start3A_105 = arith.constant 0 : i32
    %dma_start3A_106 = arith.constant 0 : i32
    %dma_start3A_107 = tpu.memref_slice %arg9[%dma_start3A_105, %dma_start3A_106] : memref<40x128xi32, #tpu.memory_space<vmem>> -> memref<1x128xi32, #tpu.memory_space<vmem>>
    %dma_start3A_108 = tpu.memref_squeeze %dma_start3A_107 : memref<1x128xi32, #tpu.memory_space<vmem>> -> memref<128xi32, #tpu.memory_space<vmem>>
    %dma_start3A_109 = arith.constant 0 : i32
    %dma_start3A_110 = arith.constant 0 : i32
    %dma_start3A_111 = tpu.memref_slice %arg7[%dma_start3A_109, %dma_start3A_110] : memref<10112x128xf32, #tpu.memory_space<vmem_shared>> -> memref<10112x128xf32, #tpu.memory_space<vmem_shared>>
    tpu.enqueue_indirect_dma source(%arg10 : memref<128x128xf32, #tpu.memory_space<vmem>>) target(%dma_start3A_111 : memref<10112x128xf32, #tpu.memory_space<vmem_shared>>) offsets(%dma_start3A_108 : memref<128xi32, #tpu.memory_space<vmem>>) semaphore(%arg13 : memref<!tpu.dma_semaphore, #tpu.memory_space<semaphore_mem>>) {add = true}
    %scan3A_112 = arith.constant 0 : i32
    %scan3A_113 = arith.constant 0 : i32
    %scan3A_114 = arith.constant 19 : i32
    %scan3A_115 = arith.addi %scan3A_113, %scan3A_114 : i32
    %scan3A_116 = arith.constant 1 : i32
    scf.for %scan3A_151 = %scan3A_113 to %scan3A_115 step %scan3A_116  : i32 {
      %mul3A_152 = arith.constant 2 : i32
      %mul3A_153 = arith.muli %mul3A_152, %scan3A_151 : i32
      %add3A_154 = arith.constant 1 : i32
      %add3A_155 = arith.addi %mul3A_153, %add3A_154 : i32
      %add3A_156 = arith.constant 0 : i32
      %add3A_157 = arith.addi %add3A_155, %add3A_156 : i32
      %dma_wait3A_158 = arith.constant 0 : i32
      %dma_wait3A_159 = tpu.memref_slice %arg8[%add3A_157, %dma_wait3A_158] : memref<40x128xi32, #tpu.memory_space<vmem>> -> memref<1x128xi32, #tpu.memory_space<vmem>>
      %dma_wait3A_160 = tpu.memref_squeeze %dma_wait3A_159 : memref<1x128xi32, #tpu.memory_space<vmem>> -> memref<128xi32, #tpu.memory_space<vmem>>
      %dma_wait3A_161 = arith.constant 0 : i32
      %dma_wait3A_162 = arith.constant 0 : i32
      %dma_wait3A_163 = tpu.memref_slice %arg2[%dma_wait3A_161, %dma_wait3A_162] : memref<10000x128xf32, #tpu.memory_space<hbm>> -> memref<10000x128xf32, #tpu.memory_space<hbm>>
      tpu.wait_indirect_dma semaphore(%arg12 : memref<!tpu.dma_semaphore, #tpu.memory_space<semaphore_mem>>) src(%dma_wait3A_163 : memref<10000x128xf32, #tpu.memory_space<hbm>>) dst(%arg11 : memref<128x128xf32, #tpu.memory_space<vmem>>)
      %sub3A = arith.constant 1 : i32
      %sub3A_164 = arith.subi %add3A_157, %sub3A : i32
      %dma_wait3A_165 = arith.constant 0 : i32
      %dma_wait3A_166 = tpu.memref_slice %arg9[%sub3A_164, %dma_wait3A_165] : memref<40x128xi32, #tpu.memory_space<vmem>> -> memref<1x128xi32, #tpu.memory_space<vmem>>
      %dma_wait3A_167 = tpu.memref_squeeze %dma_wait3A_166 : memref<1x128xi32, #tpu.memory_space<vmem>> -> memref<128xi32, #tpu.memory_space<vmem>>
      %dma_wait3A_168 = arith.constant 0 : i32
      %dma_wait3A_169 = arith.constant 0 : i32
      %dma_wait3A_170 = tpu.memref_slice %arg7[%dma_wait3A_168, %dma_wait3A_169] : memref<10112x128xf32, #tpu.memory_space<vmem_shared>> -> memref<10112x128xf32, #tpu.memory_space<vmem_shared>>
      tpu.wait_indirect_dma semaphore(%arg13 : memref<!tpu.dma_semaphore, #tpu.memory_space<semaphore_mem>>) src(%arg10 : memref<128x128xf32, #tpu.memory_space<vmem>>) dst(%dma_wait3A_170 : memref<10112x128xf32, #tpu.memory_space<vmem_shared>>)
      %add3A_171 = arith.constant 1 : i32
      %add3A_172 = arith.addi %add3A_157, %add3A_171 : i32
      %dma_start3A_173 = arith.constant 0 : i32
      %dma_start3A_174 = tpu.memref_slice %arg8[%add3A_172, %dma_start3A_173] : memref<40x128xi32, #tpu.memory_space<vmem>> -> memref<1x128xi32, #tpu.memory_space<vmem>>
      %dma_start3A_175 = tpu.memref_squeeze %dma_start3A_174 : memref<1x128xi32, #tpu.memory_space<vmem>> -> memref<128xi32, #tpu.memory_space<vmem>>
      %dma_start3A_176 = arith.constant 0 : i32
      %dma_start3A_177 = arith.constant 0 : i32
      %dma_start3A_178 = tpu.memref_slice %arg2[%dma_start3A_176, %dma_start3A_177] : memref<10000x128xf32, #tpu.memory_space<hbm>> -> memref<10000x128xf32, #tpu.memory_space<hbm>>
      tpu.enqueue_indirect_dma source(%dma_start3A_178 : memref<10000x128xf32, #tpu.memory_space<hbm>>) target(%arg10 : memref<128x128xf32, #tpu.memory_space<vmem>>) offsets(%dma_start3A_175 : memref<128xi32, #tpu.memory_space<vmem>>) semaphore(%arg12 : memref<!tpu.dma_semaphore, #tpu.memory_space<semaphore_mem>>)
      %dma_start3A_179 = arith.constant 0 : i32
      %dma_start3A_180 = tpu.memref_slice %arg9[%add3A_157, %dma_start3A_179] : memref<40x128xi32, #tpu.memory_space<vmem>> -> memref<1x128xi32, #tpu.memory_space<vmem>>
      %dma_start3A_181 = tpu.memref_squeeze %dma_start3A_180 : memref<1x128xi32, #tpu.memory_space<vmem>> -> memref<128xi32, #tpu.memory_space<vmem>>
      %dma_start3A_182 = arith.constant 0 : i32
      %dma_start3A_183 = arith.constant 0 : i32
      %dma_start3A_184 = tpu.memref_slice %arg7[%dma_start3A_182, %dma_start3A_183] : memref<10112x128xf32, #tpu.memory_space<vmem_shared>> -> memref<10112x128xf32, #tpu.memory_space<vmem_shared>>
      tpu.enqueue_indirect_dma source(%arg11 : memref<128x128xf32, #tpu.memory_space<vmem>>) target(%dma_start3A_184 : memref<10112x128xf32, #tpu.memory_space<vmem_shared>>) offsets(%dma_start3A_181 : memref<128xi32, #tpu.memory_space<vmem>>) semaphore(%arg13 : memref<!tpu.dma_semaphore, #tpu.memory_space<semaphore_mem>>) {add = true}
      %mul3A_185 = arith.constant 2 : i32
      %mul3A_186 = arith.muli %mul3A_185, %scan3A_151 : i32
      %add3A_187 = arith.constant 1 : i32
      %add3A_188 = arith.addi %mul3A_186, %add3A_187 : i32
      %add3A_189 = arith.constant 1 : i32
      %add3A_190 = arith.addi %add3A_188, %add3A_189 : i32
      %dma_wait3A_191 = arith.constant 0 : i32
      %dma_wait3A_192 = tpu.memref_slice %arg8[%add3A_190, %dma_wait3A_191] : memref<40x128xi32, #tpu.memory_space<vmem>> -> memref<1x128xi32, #tpu.memory_space<vmem>>
      %dma_wait3A_193 = tpu.memref_squeeze %dma_wait3A_192 : memref<1x128xi32, #tpu.memory_space<vmem>> -> memref<128xi32, #tpu.memory_space<vmem>>
      %dma_wait3A_194 = arith.constant 0 : i32
      %dma_wait3A_195 = arith.constant 0 : i32
      %dma_wait3A_196 = tpu.memref_slice %arg2[%dma_wait3A_194, %dma_wait3A_195] : memref<10000x128xf32, #tpu.memory_space<hbm>> -> memref<10000x128xf32, #tpu.memory_space<hbm>>
      tpu.wait_indirect_dma semaphore(%arg12 : memref<!tpu.dma_semaphore, #tpu.memory_space<semaphore_mem>>) src(%dma_wait3A_196 : memref<10000x128xf32, #tpu.memory_space<hbm>>) dst(%arg10 : memref<128x128xf32, #tpu.memory_space<vmem>>)
      %sub3A_197 = arith.constant 1 : i32
      %sub3A_198 = arith.subi %add3A_190, %sub3A_197 : i32
      %dma_wait3A_199 = arith.constant 0 : i32
      %dma_wait3A_200 = tpu.memref_slice %arg9[%sub3A_198, %dma_wait3A_199] : memref<40x128xi32, #tpu.memory_space<vmem>> -> memref<1x128xi32, #tpu.memory_space<vmem>>
      %dma_wait3A_201 = tpu.memref_squeeze %dma_wait3A_200 : memref<1x128xi32, #tpu.memory_space<vmem>> -> memref<128xi32, #tpu.memory_space<vmem>>
      %dma_wait3A_202 = arith.constant 0 : i32
      %dma_wait3A_203 = arith.constant 0 : i32
      %dma_wait3A_204 = tpu.memref_slice %arg7[%dma_wait3A_202, %dma_wait3A_203] : memref<10112x128xf32, #tpu.memory_space<vmem_shared>> -> memref<10112x128xf32, #tpu.memory_space<vmem_shared>>
      tpu.wait_indirect_dma semaphore(%arg13 : memref<!tpu.dma_semaphore, #tpu.memory_space<semaphore_mem>>) src(%arg11 : memref<128x128xf32, #tpu.memory_space<vmem>>) dst(%dma_wait3A_204 : memref<10112x128xf32, #tpu.memory_space<vmem_shared>>)
      %add3A_205 = arith.constant 1 : i32
      %add3A_206 = arith.addi %add3A_190, %add3A_205 : i32
      %dma_start3A_207 = arith.constant 0 : i32
      %dma_start3A_208 = tpu.memref_slice %arg8[%add3A_206, %dma_start3A_207] : memref<40x128xi32, #tpu.memory_space<vmem>> -> memref<1x128xi32, #tpu.memory_space<vmem>>
      %dma_start3A_209 = tpu.memref_squeeze %dma_start3A_208 : memref<1x128xi32, #tpu.memory_space<vmem>> -> memref<128xi32, #tpu.memory_space<vmem>>
      %dma_start3A_210 = arith.constant 0 : i32
      %dma_start3A_211 = arith.constant 0 : i32
      %dma_start3A_212 = tpu.memref_slice %arg2[%dma_start3A_210, %dma_start3A_211] : memref<10000x128xf32, #tpu.memory_space<hbm>> -> memref<10000x128xf32, #tpu.memory_space<hbm>>
      tpu.enqueue_indirect_dma source(%dma_start3A_212 : memref<10000x128xf32, #tpu.memory_space<hbm>>) target(%arg11 : memref<128x128xf32, #tpu.memory_space<vmem>>) offsets(%dma_start3A_209 : memref<128xi32, #tpu.memory_space<vmem>>) semaphore(%arg12 : memref<!tpu.dma_semaphore, #tpu.memory_space<semaphore_mem>>)
      %dma_start3A_213 = arith.constant 0 : i32
      %dma_start3A_214 = tpu.memref_slice %arg9[%add3A_190, %dma_start3A_213] : memref<40x128xi32, #tpu.memory_space<vmem>> -> memref<1x128xi32, #tpu.memory_space<vmem>>
      %dma_start3A_215 = tpu.memref_squeeze %dma_start3A_214 : memref<1x128xi32, #tpu.memory_space<vmem>> -> memref<128xi32, #tpu.memory_space<vmem>>
      %dma_start3A_216 = arith.constant 0 : i32
      %dma_start3A_217 = arith.constant 0 : i32
      %dma_start3A_218 = tpu.memref_slice %arg7[%dma_start3A_216, %dma_start3A_217] : memref<10112x128xf32, #tpu.memory_space<vmem_shared>> -> memref<10112x128xf32, #tpu.memory_space<vmem_shared>>
      tpu.enqueue_indirect_dma source(%arg10 : memref<128x128xf32, #tpu.memory_space<vmem>>) target(%dma_start3A_218 : memref<10112x128xf32, #tpu.memory_space<vmem_shared>>) offsets(%dma_start3A_215 : memref<128xi32, #tpu.memory_space<vmem>>) semaphore(%arg13 : memref<!tpu.dma_semaphore, #tpu.memory_space<semaphore_mem>>) {add = true}
    }
    %scan3A_117 = arith.constant 19 : i32
    %dma_wait3A_118 = arith.constant 39 : i32
    %dma_wait3A_119 = arith.constant 0 : i32
    %dma_wait3A_120 = tpu.memref_slice %arg8[%dma_wait3A_118, %dma_wait3A_119] : memref<40x128xi32, #tpu.memory_space<vmem>> -> memref<1x128xi32, #tpu.memory_space<vmem>>
    %dma_wait3A_121 = tpu.memref_squeeze %dma_wait3A_120 : memref<1x128xi32, #tpu.memory_space<vmem>> -> memref<128xi32, #tpu.memory_space<vmem>>
    %dma_wait3A_122 = arith.constant 0 : i32
    %dma_wait3A_123 = arith.constant 0 : i32
    %dma_wait3A_124 = tpu.memref_slice %arg2[%dma_wait3A_122, %dma_wait3A_123] : memref<10000x128xf32, #tpu.memory_space<hbm>> -> memref<10000x128xf32, #tpu.memory_space<hbm>>
    tpu.wait_indirect_dma semaphore(%arg12 : memref<!tpu.dma_semaphore, #tpu.memory_space<semaphore_mem>>) src(%dma_wait3A_124 : memref<10000x128xf32, #tpu.memory_space<hbm>>) dst(%arg11 : memref<128x128xf32, #tpu.memory_space<vmem>>)
    %dma_wait3A_125 = arith.constant 38 : i32
    %dma_wait3A_126 = arith.constant 0 : i32
    %dma_wait3A_127 = tpu.memref_slice %arg9[%dma_wait3A_125, %dma_wait3A_126] : memref<40x128xi32, #tpu.memory_space<vmem>> -> memref<1x128xi32, #tpu.memory_space<vmem>>
    %dma_wait3A_128 = tpu.memref_squeeze %dma_wait3A_127 : memref<1x128xi32, #tpu.memory_space<vmem>> -> memref<128xi32, #tpu.memory_space<vmem>>
    %dma_wait3A_129 = arith.constant 0 : i32
    %dma_wait3A_130 = arith.constant 0 : i32
    %dma_wait3A_131 = tpu.memref_slice %arg7[%dma_wait3A_129, %dma_wait3A_130] : memref<10112x128xf32, #tpu.memory_space<vmem_shared>> -> memref<10112x128xf32, #tpu.memory_space<vmem_shared>>
    tpu.wait_indirect_dma semaphore(%arg13 : memref<!tpu.dma_semaphore, #tpu.memory_space<semaphore_mem>>) src(%arg10 : memref<128x128xf32, #tpu.memory_space<vmem>>) dst(%dma_wait3A_131 : memref<10112x128xf32, #tpu.memory_space<vmem_shared>>)
    %dma_start3A_132 = arith.constant 39 : i32
    %dma_start3A_133 = arith.constant 0 : i32
    %dma_start3A_134 = tpu.memref_slice %arg9[%dma_start3A_132, %dma_start3A_133] : memref<40x128xi32, #tpu.memory_space<vmem>> -> memref<1x128xi32, #tpu.memory_space<vmem>>
    %dma_start3A_135 = tpu.memref_squeeze %dma_start3A_134 : memref<1x128xi32, #tpu.memory_space<vmem>> -> memref<128xi32, #tpu.memory_space<vmem>>
    %dma_start3A_136 = arith.constant 0 : i32
    %dma_start3A_137 = arith.constant 0 : i32
    %dma_start3A_138 = tpu.memref_slice %arg7[%dma_start3A_136, %dma_start3A_137] : memref<10112x128xf32, #tpu.memory_space<vmem_shared>> -> memref<10112x128xf32, #tpu.memory_space<vmem_shared>>
    tpu.enqueue_indirect_dma source(%arg11 : memref<128x128xf32, #tpu.memory_space<vmem>>) target(%dma_start3A_138 : memref<10112x128xf32, #tpu.memory_space<vmem_shared>>) offsets(%dma_start3A_135 : memref<128xi32, #tpu.memory_space<vmem>>) semaphore(%arg13 : memref<!tpu.dma_semaphore, #tpu.memory_space<semaphore_mem>>) {add = true}
    %dma_wait3A_139 = arith.constant 39 : i32
    %dma_wait3A_140 = arith.constant 0 : i32
    %dma_wait3A_141 = tpu.memref_slice %arg9[%dma_wait3A_139, %dma_wait3A_140] : memref<40x128xi32, #tpu.memory_space<vmem>> -> memref<1x128xi32, #tpu.memory_space<vmem>>
    %dma_wait3A_142 = tpu.memref_squeeze %dma_wait3A_141 : memref<1x128xi32, #tpu.memory_space<vmem>> -> memref<128xi32, #tpu.memory_space<vmem>>
    %dma_wait3A_143 = arith.constant 0 : i32
    %dma_wait3A_144 = arith.constant 0 : i32
    %dma_wait3A_145 = tpu.memref_slice %arg7[%dma_wait3A_143, %dma_wait3A_144] : memref<10112x128xf32, #tpu.memory_space<vmem_shared>> -> memref<10112x128xf32, #tpu.memory_space<vmem_shared>>
    tpu.wait_indirect_dma semaphore(%arg13 : memref<!tpu.dma_semaphore, #tpu.memory_space<semaphore_mem>>) src(%arg11 : memref<128x128xf32, #tpu.memory_space<vmem>>) dst(%dma_wait3A_145 : memref<10112x128xf32, #tpu.memory_space<vmem_shared>>)
    %barrier3A_146 = arith.constant 0 : index
    tpu.barrier barrier_id(%barrier3A_146)
    %mul3A_147 = arith.constant 632 : i32
    %mul3A_148 = arith.muli %arg1, %mul3A_147 : i32
    %mul3A_149 = arith.constant 632 : i32
    %mul3A_150 = arith.muli %arg1, %mul3A_149 : i32
    "tpu.region"() ({
      %run_scoped3A = tpu.sem_alloc : memref<!tpu.dma_semaphore, #tpu.memory_space<semaphore_mem>>
      %dma_start3A_151 = arith.constant 0 : i32
      %dma_start3A_152 = arith.constant 0 : i32
      %dma_start3A_153 = tpu.memref_slice %arg6[%arg0, %dma_start3A_151, %dma_start3A_152] : memref<2x10112x128xf32, #tpu.memory_space<hbm>> -> memref<1x10112x128xf32, #tpu.memory_space<hbm>>
      %dma_start3A_154 = tpu.memref_squeeze %dma_start3A_153 : memref<1x10112x128xf32, #tpu.memory_space<hbm>> -> memref<10112x128xf32, #tpu.memory_space<hbm>>
      %dma_start3A_155 = arith.constant 0 : i32
      %dma_start3A_156 = tpu.memref_slice %dma_start3A_154[%mul3A_150, %dma_start3A_155] : memref<10112x128xf32, #tpu.memory_space<hbm>> -> memref<632x128xf32, #tpu.memory_space<hbm>>
      %dma_start3A_157 = arith.constant 0 : i32
      %dma_start3A_158 = tpu.memref_slice %arg7[%mul3A_148, %dma_start3A_157] : memref<10112x128xf32, #tpu.memory_space<vmem_shared>> -> memref<632x128xf32, #tpu.memory_space<vmem_shared>>
      tpu.enqueue_dma source(%dma_start3A_158 : memref<632x128xf32, #tpu.memory_space<vmem_shared>>) target(%dma_start3A_156 : memref<632x128xf32, #tpu.memory_space<hbm>>) target_semaphore(%run_scoped3A : memref<!tpu.dma_semaphore, #tpu.memory_space<semaphore_mem>>)
      %dma_wait3A_159 = arith.constant 0 : i32
      %dma_wait3A_160 = arith.constant 0 : i32
      %dma_wait3A_161 = tpu.memref_slice %arg6[%arg0, %dma_wait3A_159, %dma_wait3A_160] : memref<2x10112x128xf32, #tpu.memory_space<hbm>> -> memref<1x10112x128xf32, #tpu.memory_space<hbm>>
      %dma_wait3A_162 = tpu.memref_squeeze %dma_wait3A_161 : memref<1x10112x128xf32, #tpu.memory_space<hbm>> -> memref<10112x128xf32, #tpu.memory_space<hbm>>
      %dma_wait3A_163 = arith.constant 0 : i32
      %dma_wait3A_164 = tpu.memref_slice %dma_wait3A_162[%mul3A_150, %dma_wait3A_163] : memref<10112x128xf32, #tpu.memory_space<hbm>> -> memref<632x128xf32, #tpu.memory_space<hbm>>
      %dma_wait3A_165 = arith.constant 0 : i32
      %dma_wait3A_166 = tpu.memref_slice %arg7[%mul3A_148, %dma_wait3A_165] : memref<10112x128xf32, #tpu.memory_space<vmem_shared>> -> memref<632x128xf32, #tpu.memory_space<vmem_shared>>
      tpu.wait_dma2 semaphore(%run_scoped3A : memref<!tpu.dma_semaphore, #tpu.memory_space<semaphore_mem>>) src(%dma_wait3A_166 : memref<632x128xf32, #tpu.memory_space<vmem_shared>>) dst(%dma_wait3A_164 : memref<632x128xf32, #tpu.memory_space<hbm>>)
      tpu.yield
    }) : () -> ()
    return
  }
}

module attributes {stable_mosaic.version = 14 : i64} {
  func.func @_dense_body(%arg0: i32, %arg1: memref<1x2000x128xf32, #tpu.memory_space<vmem>>, %arg2: memref<1x2000x128xf32, #tpu.memory_space<vmem>>, %arg3: memref<1x80x128xf32, #tpu.memory_space<vmem>>, %arg4: memref<1x80x128xf32, #tpu.memory_space<vmem>>, %arg5: memref<2000x128xf32, #tpu.memory_space<vmem>>, %arg6: memref<128x128xf32, #tpu.memory_space<vmem>>, %arg7: memref<128x128xf32, #tpu.memory_space<vmem>>, %arg8: memref<1x128xf32, #tpu.memory_space<vmem>>, %arg9: memref<2000x128xf32, #tpu.memory_space<vmem>>) attributes {dimension_semantics = [#tpu.dimension_semantics<arbitrary>], iteration_bounds = array<i64: 5>, scalar_prefetch = 0 : i64, scratch_operands = 0 : i64, tpu.core_type = #tpu.core_type<tc>, window_params = [{transform_indices = @transform_0, window_bounds = array<i64: 1, 2000, 128>}, {transform_indices = @transform_1, window_bounds = array<i64: 1, 2000, 128>}, {transform_indices = @transform_2, window_bounds = array<i64: 1, 80, 128>}, {transform_indices = @transform_3, window_bounds = array<i64: 1, 80, 128>}, {transform_indices = @transform_4, window_bounds = array<i64: 2000, 128>}, {pipeline_mode = #tpu.pipeline_mode<synchronous>, transform_indices = @transform_5, window_bounds = array<i64: 128, 128>}, {pipeline_mode = #tpu.pipeline_mode<synchronous>, transform_indices = @transform_6, window_bounds = array<i64: 128, 128>}, {pipeline_mode = #tpu.pipeline_mode<synchronous>, transform_indices = @transform_7, window_bounds = array<i64: 1, 128>}, {transform_indices = @transform_8, window_bounds = array<i64: 2000, 128>}]} {
    %get3A = arith.constant 0 : index
    %get3A_0 = arith.constant 0 : index
    %get3A_1 = arith.constant 0 : index
    %get3A_2 = vector.load %arg1[%get3A, %get3A_0, %get3A_1] : memref<1x2000x128xf32, #tpu.memory_space<vmem>>, vector<1x2000x128xf32>
    %get3A_3 = vector.shape_cast %get3A_2 : vector<1x2000x128xf32> to vector<2000x128xf32>
    %get3A_4 = arith.constant 0 : index
    %get3A_5 = arith.constant 0 : index
    %get3A_6 = arith.constant 0 : index
    %get3A_7 = vector.load %arg2[%get3A_4, %get3A_5, %get3A_6] : memref<1x2000x128xf32, #tpu.memory_space<vmem>>, vector<1x2000x128xf32>
    %get3A_8 = vector.shape_cast %get3A_7 : vector<1x2000x128xf32> to vector<2000x128xf32>
    %add3A = arith.addf %get3A_3, %get3A_8 : vector<2000x128xf32>
    %get3A_9 = arith.constant 0 : index
    %get3A_10 = arith.constant 0 : index
    %get3A_11 = arith.constant 0 : index
    %get3A_12 = vector.load %arg3[%get3A_9, %get3A_10, %get3A_11] : memref<1x80x128xf32, #tpu.memory_space<vmem>>, vector<1x80x128xf32>
    %get3A_13 = vector.shape_cast %get3A_12 : vector<1x80x128xf32> to vector<80x128xf32>
    %get3A_14 = arith.constant 0 : index
    %get3A_15 = arith.constant 0 : index
    %get3A_16 = arith.constant 0 : index
    %get3A_17 = vector.load %arg4[%get3A_14, %get3A_15, %get3A_16] : memref<1x80x128xf32, #tpu.memory_space<vmem>>, vector<1x80x128xf32>
    %get3A_18 = vector.shape_cast %get3A_17 : vector<1x80x128xf32> to vector<80x128xf32>
    %add3A_19 = arith.addf %get3A_13, %get3A_18 : vector<80x128xf32>
    %max3A = arith.constant 1.000000e+00 : f32
    %max3A_20 = vector.broadcast %max3A : f32 to vector<80x128xf32>
    %max3A_21 = arith.maximumf %add3A_19, %max3A_20 : vector<80x128xf32>
    %div3A = arith.constant 1.000000e+00 : f32
    %div3A_22 = vector.broadcast %div3A : f32 to vector<80x128xf32>
    %div3A_23 = arith.divf %div3A_22, %max3A_21 : vector<80x128xf32>
    %iota3A = tpu.iota {dimensions = array<i32: 0>} : vector<2000x80xi32>
    %mul3A = arith.constant 2000 : i32
    %mul3A_24 = arith.muli %mul3A, %arg0 : i32
    %add3A_25 = vector.broadcast %mul3A_24 : i32 to vector<2000x80xi32>
    %add3A_26 = arith.addi %iota3A, %add3A_25 : vector<2000x80xi32>
    %iota3A_27 = tpu.iota {dimensions = array<i32: 1>} : vector<2000x80xi32>
    %jit3A = arith.constant 128 : i32
    %div3A_28 = vector.broadcast %jit3A : i32 to vector<2000x80xi32>
    %div3A_29 = arith.divsi %add3A_26, %div3A_28 : vector<2000x80xi32>
    %sign3A = arith.constant 0 : i32
    %sign3A_30 = vector.broadcast %sign3A : i32 to vector<2000x80xi32>
    %sign3A_31 = arith.cmpi sgt, %add3A_26, %sign3A_30 : vector<2000x80xi32>
    %sign3A_32 = arith.extui %sign3A_31 : vector<2000x80xi1> to vector<2000x80xi32>
    %sign3A_33 = arith.constant 0 : i32
    %sign3A_34 = vector.broadcast %sign3A_33 : i32 to vector<2000x80xi32>
    %sign3A_35 = arith.cmpi slt, %add3A_26, %sign3A_34 : vector<2000x80xi32>
    %sign3A_36 = arith.extui %sign3A_35 : vector<2000x80xi1> to vector<2000x80xi32>
    %sign3A_37 = arith.subi %sign3A_32, %sign3A_36 : vector<2000x80xi32>
    %sign3A_38 = arith.constant 0 : i32
    %sign3A_39 = arith.cmpi sgt, %jit3A, %sign3A_38 : i32
    %sign3A_40 = arith.extui %sign3A_39 : i1 to i32
    %sign3A_41 = arith.constant 0 : i32
    %sign3A_42 = arith.cmpi slt, %jit3A, %sign3A_41 : i32
    %sign3A_43 = arith.extui %sign3A_42 : i1 to i32
    %sign3A_44 = arith.subi %sign3A_40, %sign3A_43 : i32
    %ne3A = vector.broadcast %sign3A_44 : i32 to vector<2000x80xi32>
    %ne3A_45 = arith.cmpi ne, %sign3A_37, %ne3A : vector<2000x80xi32>
    %rem3A = vector.broadcast %jit3A : i32 to vector<2000x80xi32>
    %rem3A_46 = arith.remsi %add3A_26, %rem3A : vector<2000x80xi32>
    %ne3A_47 = arith.constant 0 : i32
    %ne3A_48 = vector.broadcast %ne3A_47 : i32 to vector<2000x80xi32>
    %ne3A_49 = arith.cmpi ne, %rem3A_46, %ne3A_48 : vector<2000x80xi32>
    %and3A = arith.andi %ne3A_45, %ne3A_49 : vector<2000x80xi1>
    %sub3A = arith.constant 1 : i32
    %sub3A_50 = vector.broadcast %sub3A : i32 to vector<2000x80xi32>
    %sub3A_51 = arith.subi %div3A_29, %sub3A_50 : vector<2000x80xi32>
    %select_n3A = arith.select %and3A, %sub3A_51, %div3A_29 : vector<2000x80xi1>, vector<2000x80xi32>
    %eq3A = arith.cmpi eq, %iota3A_27, %select_n3A : vector<2000x80xi32>
    %convert_element_type3A = arith.extui %eq3A : vector<2000x80xi1> to vector<2000x80xi32>
    %convert_element_type3A_52 = arith.sitofp %convert_element_type3A : vector<2000x80xi32> to vector<2000x80xf32>
    %dot_general3A = arith.constant dense<0.000000e+00> : vector<2000x128xf32>
    %dot_general3A_53 = tpu.matmul %convert_element_type3A_52, %div3A_23, %dot_general3A {dimension_numbers = #tpu.dot_dimension_numbers<[1], [0], [0], [1], [0, 0, 1, 1], [], []>, precision = #tpu.contract_precision<fp32>, transpose_lhs_hint = false} : vector<2000x80xf32>, vector<80x128xf32>, vector<2000x128xf32> -> vector<2000x128xf32>
    %iota3A_54 = tpu.iota {dimensions = array<i32: 0>} : vector<2000x128xi32>
    %mul3A_55 = arith.constant 2000 : i32
    %mul3A_56 = arith.muli %mul3A_55, %arg0 : i32
    %add3A_57 = vector.broadcast %mul3A_56 : i32 to vector<2000x128xi32>
    %add3A_58 = arith.addi %iota3A_54, %add3A_57 : vector<2000x128xi32>
    %iota3A_59 = tpu.iota {dimensions = array<i32: 1>} : vector<2000x128xi32>
    %jit3A_60 = arith.constant 128 : i32
    %eq3A_61 = arith.constant 0 : i32
    %eq3A_62 = arith.cmpi eq, %jit3A_60, %eq3A_61 : i32
    %jit3A_63 = arith.constant 1 : i32
    %select_n3A_64 = arith.select %eq3A_62, %jit3A_63, %jit3A_60 : i32
    %rem3A_65 = vector.broadcast %select_n3A_64 : i32 to vector<2000x128xi32>
    %rem3A_66 = arith.remsi %add3A_58, %rem3A_65 : vector<2000x128xi32>
    %ne3A_67 = arith.constant 0 : i32
    %ne3A_68 = vector.broadcast %ne3A_67 : i32 to vector<2000x128xi32>
    %ne3A_69 = arith.cmpi ne, %rem3A_66, %ne3A_68 : vector<2000x128xi32>
    %lt3A = arith.constant 0 : i32
    %lt3A_70 = vector.broadcast %lt3A : i32 to vector<2000x128xi32>
    %lt3A_71 = arith.cmpi slt, %rem3A_66, %lt3A_70 : vector<2000x128xi32>
    %lt3A_72 = arith.constant 0 : i32
    %lt3A_73 = arith.cmpi slt, %select_n3A_64, %lt3A_72 : i32
    %ne3A_74 = vector.broadcast %lt3A_73 : i1 to vector<2000x128xi1>
    %ne3A_75 = vector.broadcast %ne3A_74 : vector<2000x128xi1> to vector<2000x128xi1>
    %ne3A_76 = arith.xori %lt3A_71, %ne3A_75 : vector<2000x128xi1>
    %and3A_77 = arith.andi %ne3A_76, %ne3A_69 : vector<2000x128xi1>
    %add3A_78 = vector.broadcast %select_n3A_64 : i32 to vector<2000x128xi32>
    %add3A_79 = arith.addi %rem3A_66, %add3A_78 : vector<2000x128xi32>
    %select_n3A_80 = arith.select %and3A_77, %add3A_79, %rem3A_66 : vector<2000x128xi1>, vector<2000x128xi32>
    %eq3A_81 = arith.cmpi eq, %iota3A_59, %select_n3A_80 : vector<2000x128xi32>
    %jit3A_82 = arith.constant 0.000000e+00 : f32
    %broadcast_in_dim3A = vector.broadcast %jit3A_82 : f32 to vector<2000x128xf32>
    %select_n3A_83 = arith.select %eq3A_81, %dot_general3A_53, %broadcast_in_dim3A : vector<2000x128xi1>, vector<2000x128xf32>
    %reduce_sum3A = arith.constant dense<0.000000e+00> : vector<2000xf32>
    %reduce_sum3A_84 = vector.multi_reduction <add>, %select_n3A_83, %reduce_sum3A [1] : vector<2000x128xf32> to vector<2000xf32>
    %broadcast_in_dim3A_85 = vector.shape_cast %reduce_sum3A_84 : vector<2000xf32> to vector<2000x1xf32>
    %mul3A_86 = vector.broadcast %broadcast_in_dim3A_85 : vector<2000x1xf32> to vector<2000x128xf32>
    %mul3A_87 = arith.mulf %add3A, %mul3A_86 : vector<2000x128xf32>
    %get3A_88 = arith.constant 0 : index
    %get3A_89 = arith.constant 0 : index
    %get3A_90 = vector.load %arg6[%get3A_88, %get3A_89] : memref<128x128xf32, #tpu.memory_space<vmem>>, vector<128x128xf32>
    %dot_general3A_91 = arith.constant dense<0.000000e+00> : vector<2000x128xf32>
    %dot_general3A_92 = tpu.matmul %mul3A_87, %get3A_90, %dot_general3A_91 {dimension_numbers = #tpu.dot_dimension_numbers<[1], [0], [0], [1], [0, 0, 1, 1], [], []>, transpose_lhs_hint = false} : vector<2000x128xf32>, vector<128x128xf32>, vector<2000x128xf32> -> vector<2000x128xf32>
    %get3A_93 = arith.constant 0 : index
    %get3A_94 = arith.constant 0 : index
    %get3A_95 = vector.load %arg5[%get3A_93, %get3A_94] : memref<2000x128xf32, #tpu.memory_space<vmem>>, vector<2000x128xf32>
    %get3A_96 = arith.constant 0 : index
    %get3A_97 = arith.constant 0 : index
    %get3A_98 = vector.load %arg7[%get3A_96, %get3A_97] : memref<128x128xf32, #tpu.memory_space<vmem>>, vector<128x128xf32>
    %dot_general3A_99 = arith.constant dense<0.000000e+00> : vector<2000x128xf32>
    %dot_general3A_100 = tpu.matmul %get3A_95, %get3A_98, %dot_general3A_99 {dimension_numbers = #tpu.dot_dimension_numbers<[1], [0], [0], [1], [0, 0, 1, 1], [], []>, transpose_lhs_hint = false} : vector<2000x128xf32>, vector<128x128xf32>, vector<2000x128xf32> -> vector<2000x128xf32>
    %add3A_101 = arith.addf %dot_general3A_92, %dot_general3A_100 : vector<2000x128xf32>
    %get3A_102 = arith.constant 0 : index
    %get3A_103 = arith.constant 0 : index
    %get3A_104 = vector.load %arg8[%get3A_102, %get3A_103] : memref<1x128xf32, #tpu.memory_space<vmem>>, vector<1x128xf32>
    %add3A_105 = vector.broadcast %get3A_104 : vector<1x128xf32> to vector<2000x128xf32>
    %add3A_106 = arith.addf %add3A_101, %add3A_105 : vector<2000x128xf32>
    %max3A_107 = arith.constant 0.000000e+00 : f32
    %max3A_108 = vector.broadcast %max3A_107 : f32 to vector<2000x128xf32>
    %max3A_109 = arith.maximumf %add3A_106, %max3A_108 : vector<2000x128xf32>
    %swap3A = arith.constant 0 : index
    %swap3A_110 = arith.constant 0 : index
    %swap3A_111 = vector.load %arg9[%swap3A, %swap3A_110] : memref<2000x128xf32, #tpu.memory_space<vmem>>, vector<2000x128xf32>
    tpu.vector_store %arg9[%swap3A, %swap3A_110], %max3A_109 {strides = array<i32>} : memref<2000x128xf32, #tpu.memory_space<vmem>>, vector<2000x128xf32>,
    return
  }
  func.func @transform_0(%arg0: i32) -> (i32, i32, i32) {
    %c0_i32 = arith.constant 0 : i32
    %c0_i32_0 = arith.constant 0 : i32
    %c0_i32_1 = arith.constant 0 : i32
    return %c0_i32, %arg0, %c0_i32_0 : i32, i32, i32
  }
  func.func @transform_1(%arg0: i32) -> (i32, i32, i32) {
    %c1_i32 = arith.constant 1 : i32
    %c0_i32 = arith.constant 0 : i32
    %c0_i32_0 = arith.constant 0 : i32
    return %c1_i32, %arg0, %c0_i32 : i32, i32, i32
  }
  func.func @transform_2(%arg0: i32) -> (i32, i32, i32) {
    %c0_i32 = arith.constant 0 : i32
    %c0_i32_0 = arith.constant 0 : i32
    %c0_i32_1 = arith.constant 0 : i32
    %c0_i32_2 = arith.constant 0 : i32
    return %c0_i32, %c0_i32_0, %c0_i32_1 : i32, i32, i32
  }
  func.func @transform_3(%arg0: i32) -> (i32, i32, i32) {
    %c1_i32 = arith.constant 1 : i32
    %c0_i32 = arith.constant 0 : i32
    %c0_i32_0 = arith.constant 0 : i32
    %c0_i32_1 = arith.constant 0 : i32
    return %c1_i32, %c0_i32, %c0_i32_0 : i32, i32, i32
  }
  func.func @transform_4(%arg0: i32) -> (i32, i32) {
    %c0_i32 = arith.constant 0 : i32
    %c0_i32_0 = arith.constant 0 : i32
    return %arg0, %c0_i32 : i32, i32
  }
  func.func @transform_5(%arg0: i32) -> (i32, i32) {
    %c0_i32 = arith.constant 0 : i32
    %c0_i32_0 = arith.constant 0 : i32
    %c0_i32_1 = arith.constant 0 : i32
    return %c0_i32, %c0_i32_0 : i32, i32
  }
  func.func @transform_6(%arg0: i32) -> (i32, i32) {
    %c0_i32 = arith.constant 0 : i32
    %c0_i32_0 = arith.constant 0 : i32
    %c0_i32_1 = arith.constant 0 : i32
    return %c0_i32, %c0_i32_0 : i32, i32
  }
  func.func @transform_7(%arg0: i32) -> (i32, i32) {
    %c0_i32 = arith.constant 0 : i32
    %c0_i32_0 = arith.constant 0 : i32
    %c0_i32_1 = arith.constant 0 : i32
    return %c0_i32, %c0_i32_0 : i32, i32
  }
  func.func @transform_8(%arg0: i32) -> (i32, i32) {
    %c0_i32 = arith.constant 0 : i32
    %c0_i32_0 = arith.constant 0 : i32
    return %arg0, %c0_i32 : i32, i32
  }
}

module attributes {stable_mosaic.version = 14 : i64} {
  func.func @_dense_final_body(%arg0: i32, %arg1: memref<1x2000x128xf32, #tpu.memory_space<vmem>>, %arg2: memref<1x2000x128xf32, #tpu.memory_space<vmem>>, %arg3: memref<1x80x128xf32, #tpu.memory_space<vmem>>, %arg4: memref<1x80x128xf32, #tpu.memory_space<vmem>>, %arg5: memref<2000x128xf32, #tpu.memory_space<vmem>>, %arg6: memref<128x128xf32, #tpu.memory_space<vmem>>, %arg7: memref<128x128xf32, #tpu.memory_space<vmem>>, %arg8: memref<1x128xf32, #tpu.memory_space<vmem>>, %arg9: memref<128x64xf32, #tpu.memory_space<vmem>>, %arg10: memref<1x64xf32, #tpu.memory_space<vmem>>, %arg11: memref<2000x64xf32, #tpu.memory_space<vmem>>) attributes {dimension_semantics = [#tpu.dimension_semantics<arbitrary>], iteration_bounds = array<i64: 5>, scalar_prefetch = 0 : i64, scratch_operands = 0 : i64, tpu.core_type = #tpu.core_type<tc>, window_params = [{transform_indices = @transform_0, window_bounds = array<i64: 1, 2000, 128>}, {transform_indices = @transform_1, window_bounds = array<i64: 1, 2000, 128>}, {transform_indices = @transform_2, window_bounds = array<i64: 1, 80, 128>}, {transform_indices = @transform_3, window_bounds = array<i64: 1, 80, 128>}, {transform_indices = @transform_4, window_bounds = array<i64: 2000, 128>}, {pipeline_mode = #tpu.pipeline_mode<synchronous>, transform_indices = @transform_5, window_bounds = array<i64: 128, 128>}, {pipeline_mode = #tpu.pipeline_mode<synchronous>, transform_indices = @transform_6, window_bounds = array<i64: 128, 128>}, {pipeline_mode = #tpu.pipeline_mode<synchronous>, transform_indices = @transform_7, window_bounds = array<i64: 1, 128>}, {pipeline_mode = #tpu.pipeline_mode<synchronous>, transform_indices = @transform_8, window_bounds = array<i64: 128, 64>}, {pipeline_mode = #tpu.pipeline_mode<synchronous>, transform_indices = @transform_9, window_bounds = array<i64: 1, 64>}, {transform_indices = @transform_10, window_bounds = array<i64: 2000, 64>}]} {
    %get3A = arith.constant 0 : index
    %get3A_0 = arith.constant 0 : index
    %get3A_1 = arith.constant 0 : index
    %get3A_2 = vector.load %arg1[%get3A, %get3A_0, %get3A_1] : memref<1x2000x128xf32, #tpu.memory_space<vmem>>, vector<1x2000x128xf32>
    %get3A_3 = vector.shape_cast %get3A_2 : vector<1x2000x128xf32> to vector<2000x128xf32>
    %get3A_4 = arith.constant 0 : index
    %get3A_5 = arith.constant 0 : index
    %get3A_6 = arith.constant 0 : index
    %get3A_7 = vector.load %arg2[%get3A_4, %get3A_5, %get3A_6] : memref<1x2000x128xf32, #tpu.memory_space<vmem>>, vector<1x2000x128xf32>
    %get3A_8 = vector.shape_cast %get3A_7 : vector<1x2000x128xf32> to vector<2000x128xf32>
    %add3A = arith.addf %get3A_3, %get3A_8 : vector<2000x128xf32>
    %get3A_9 = arith.constant 0 : index
    %get3A_10 = arith.constant 0 : index
    %get3A_11 = arith.constant 0 : index
    %get3A_12 = vector.load %arg3[%get3A_9, %get3A_10, %get3A_11] : memref<1x80x128xf32, #tpu.memory_space<vmem>>, vector<1x80x128xf32>
    %get3A_13 = vector.shape_cast %get3A_12 : vector<1x80x128xf32> to vector<80x128xf32>
    %get3A_14 = arith.constant 0 : index
    %get3A_15 = arith.constant 0 : index
    %get3A_16 = arith.constant 0 : index
    %get3A_17 = vector.load %arg4[%get3A_14, %get3A_15, %get3A_16] : memref<1x80x128xf32, #tpu.memory_space<vmem>>, vector<1x80x128xf32>
    %get3A_18 = vector.shape_cast %get3A_17 : vector<1x80x128xf32> to vector<80x128xf32>
    %add3A_19 = arith.addf %get3A_13, %get3A_18 : vector<80x128xf32>
    %max3A = arith.constant 1.000000e+00 : f32
    %max3A_20 = vector.broadcast %max3A : f32 to vector<80x128xf32>
    %max3A_21 = arith.maximumf %add3A_19, %max3A_20 : vector<80x128xf32>
    %div3A = arith.constant 1.000000e+00 : f32
    %div3A_22 = vector.broadcast %div3A : f32 to vector<80x128xf32>
    %div3A_23 = arith.divf %div3A_22, %max3A_21 : vector<80x128xf32>
    %iota3A = tpu.iota {dimensions = array<i32: 0>} : vector<2000x80xi32>
    %mul3A = arith.constant 2000 : i32
    %mul3A_24 = arith.muli %mul3A, %arg0 : i32
    %add3A_25 = vector.broadcast %mul3A_24 : i32 to vector<2000x80xi32>
    %add3A_26 = arith.addi %iota3A, %add3A_25 : vector<2000x80xi32>
    %iota3A_27 = tpu.iota {dimensions = array<i32: 1>} : vector<2000x80xi32>
    %jit3A = arith.constant 128 : i32
    %div3A_28 = vector.broadcast %jit3A : i32 to vector<2000x80xi32>
    %div3A_29 = arith.divsi %add3A_26, %div3A_28 : vector<2000x80xi32>
    %sign3A = arith.constant 0 : i32
    %sign3A_30 = vector.broadcast %sign3A : i32 to vector<2000x80xi32>
    %sign3A_31 = arith.cmpi sgt, %add3A_26, %sign3A_30 : vector<2000x80xi32>
    %sign3A_32 = arith.extui %sign3A_31 : vector<2000x80xi1> to vector<2000x80xi32>
    %sign3A_33 = arith.constant 0 : i32
    %sign3A_34 = vector.broadcast %sign3A_33 : i32 to vector<2000x80xi32>
    %sign3A_35 = arith.cmpi slt, %add3A_26, %sign3A_34 : vector<2000x80xi32>
    %sign3A_36 = arith.extui %sign3A_35 : vector<2000x80xi1> to vector<2000x80xi32>
    %sign3A_37 = arith.subi %sign3A_32, %sign3A_36 : vector<2000x80xi32>
    %sign3A_38 = arith.constant 0 : i32
    %sign3A_39 = arith.cmpi sgt, %jit3A, %sign3A_38 : i32
    %sign3A_40 = arith.extui %sign3A_39 : i1 to i32
    %sign3A_41 = arith.constant 0 : i32
    %sign3A_42 = arith.cmpi slt, %jit3A, %sign3A_41 : i32
    %sign3A_43 = arith.extui %sign3A_42 : i1 to i32
    %sign3A_44 = arith.subi %sign3A_40, %sign3A_43 : i32
    %ne3A = vector.broadcast %sign3A_44 : i32 to vector<2000x80xi32>
    %ne3A_45 = arith.cmpi ne, %sign3A_37, %ne3A : vector<2000x80xi32>
    %rem3A = vector.broadcast %jit3A : i32 to vector<2000x80xi32>
    %rem3A_46 = arith.remsi %add3A_26, %rem3A : vector<2000x80xi32>
    %ne3A_47 = arith.constant 0 : i32
    %ne3A_48 = vector.broadcast %ne3A_47 : i32 to vector<2000x80xi32>
    %ne3A_49 = arith.cmpi ne, %rem3A_46, %ne3A_48 : vector<2000x80xi32>
    %and3A = arith.andi %ne3A_45, %ne3A_49 : vector<2000x80xi1>
    %sub3A = arith.constant 1 : i32
    %sub3A_50 = vector.broadcast %sub3A : i32 to vector<2000x80xi32>
    %sub3A_51 = arith.subi %div3A_29, %sub3A_50 : vector<2000x80xi32>
    %select_n3A = arith.select %and3A, %sub3A_51, %div3A_29 : vector<2000x80xi1>, vector<2000x80xi32>
    %eq3A = arith.cmpi eq, %iota3A_27, %select_n3A : vector<2000x80xi32>
    %convert_element_type3A = arith.extui %eq3A : vector<2000x80xi1> to vector<2000x80xi32>
    %convert_element_type3A_52 = arith.sitofp %convert_element_type3A : vector<2000x80xi32> to vector<2000x80xf32>
    %dot_general3A = arith.constant dense<0.000000e+00> : vector<2000x128xf32>
    %dot_general3A_53 = tpu.matmul %convert_element_type3A_52, %div3A_23, %dot_general3A {dimension_numbers = #tpu.dot_dimension_numbers<[1], [0], [0], [1], [0, 0, 1, 1], [], []>, precision = #tpu.contract_precision<fp32>, transpose_lhs_hint = false} : vector<2000x80xf32>, vector<80x128xf32>, vector<2000x128xf32> -> vector<2000x128xf32>
    %iota3A_54 = tpu.iota {dimensions = array<i32: 0>} : vector<2000x128xi32>
    %mul3A_55 = arith.constant 2000 : i32
    %mul3A_56 = arith.muli %mul3A_55, %arg0 : i32
    %add3A_57 = vector.broadcast %mul3A_56 : i32 to vector<2000x128xi32>
    %add3A_58 = arith.addi %iota3A_54, %add3A_57 : vector<2000x128xi32>
    %iota3A_59 = tpu.iota {dimensions = array<i32: 1>} : vector<2000x128xi32>
    %jit3A_60 = arith.constant 128 : i32
    %eq3A_61 = arith.constant 0 : i32
    %eq3A_62 = arith.cmpi eq, %jit3A_60, %eq3A_61 : i32
    %jit3A_63 = arith.constant 1 : i32
    %select_n3A_64 = arith.select %eq3A_62, %jit3A_63, %jit3A_60 : i32
    %rem3A_65 = vector.broadcast %select_n3A_64 : i32 to vector<2000x128xi32>
    %rem3A_66 = arith.remsi %add3A_58, %rem3A_65 : vector<2000x128xi32>
    %ne3A_67 = arith.constant 0 : i32
    %ne3A_68 = vector.broadcast %ne3A_67 : i32 to vector<2000x128xi32>
    %ne3A_69 = arith.cmpi ne, %rem3A_66, %ne3A_68 : vector<2000x128xi32>
    %lt3A = arith.constant 0 : i32
    %lt3A_70 = vector.broadcast %lt3A : i32 to vector<2000x128xi32>
    %lt3A_71 = arith.cmpi slt, %rem3A_66, %lt3A_70 : vector<2000x128xi32>
    %lt3A_72 = arith.constant 0 : i32
    %lt3A_73 = arith.cmpi slt, %select_n3A_64, %lt3A_72 : i32
    %ne3A_74 = vector.broadcast %lt3A_73 : i1 to vector<2000x128xi1>
    %ne3A_75 = vector.broadcast %ne3A_74 : vector<2000x128xi1> to vector<2000x128xi1>
    %ne3A_76 = arith.xori %lt3A_71, %ne3A_75 : vector<2000x128xi1>
    %and3A_77 = arith.andi %ne3A_76, %ne3A_69 : vector<2000x128xi1>
    %add3A_78 = vector.broadcast %select_n3A_64 : i32 to vector<2000x128xi32>
    %add3A_79 = arith.addi %rem3A_66, %add3A_78 : vector<2000x128xi32>
    %select_n3A_80 = arith.select %and3A_77, %add3A_79, %rem3A_66 : vector<2000x128xi1>, vector<2000x128xi32>
    %eq3A_81 = arith.cmpi eq, %iota3A_59, %select_n3A_80 : vector<2000x128xi32>
    %jit3A_82 = arith.constant 0.000000e+00 : f32
    %broadcast_in_dim3A = vector.broadcast %jit3A_82 : f32 to vector<2000x128xf32>
    %select_n3A_83 = arith.select %eq3A_81, %dot_general3A_53, %broadcast_in_dim3A : vector<2000x128xi1>, vector<2000x128xf32>
    %reduce_sum3A = arith.constant dense<0.000000e+00> : vector<2000xf32>
    %reduce_sum3A_84 = vector.multi_reduction <add>, %select_n3A_83, %reduce_sum3A [1] : vector<2000x128xf32> to vector<2000xf32>
    %broadcast_in_dim3A_85 = vector.shape_cast %reduce_sum3A_84 : vector<2000xf32> to vector<2000x1xf32>
    %mul3A_86 = vector.broadcast %broadcast_in_dim3A_85 : vector<2000x1xf32> to vector<2000x128xf32>
    %mul3A_87 = arith.mulf %add3A, %mul3A_86 : vector<2000x128xf32>
    %get3A_88 = arith.constant 0 : index
    %get3A_89 = arith.constant 0 : index
    %get3A_90 = vector.load %arg6[%get3A_88, %get3A_89] : memref<128x128xf32, #tpu.memory_space<vmem>>, vector<128x128xf32>
    %dot_general3A_91 = arith.constant dense<0.000000e+00> : vector<2000x128xf32>
    %dot_general3A_92 = tpu.matmul %mul3A_87, %get3A_90, %dot_general3A_91 {dimension_numbers = #tpu.dot_dimension_numbers<[1], [0], [0], [1], [0, 0, 1, 1], [], []>, transpose_lhs_hint = false} : vector<2000x128xf32>, vector<128x128xf32>, vector<2000x128xf32> -> vector<2000x128xf32>
    %get3A_93 = arith.constant 0 : index
    %get3A_94 = arith.constant 0 : index
    %get3A_95 = vector.load %arg5[%get3A_93, %get3A_94] : memref<2000x128xf32, #tpu.memory_space<vmem>>, vector<2000x128xf32>
    %get3A_96 = arith.constant 0 : index
    %get3A_97 = arith.constant 0 : index
    %get3A_98 = vector.load %arg7[%get3A_96, %get3A_97] : memref<128x128xf32, #tpu.memory_space<vmem>>, vector<128x128xf32>
    %dot_general3A_99 = arith.constant dense<0.000000e+00> : vector<2000x128xf32>
    %dot_general3A_100 = tpu.matmul %get3A_95, %get3A_98, %dot_general3A_99 {dimension_numbers = #tpu.dot_dimension_numbers<[1], [0], [0], [1], [0, 0, 1, 1], [], []>, transpose_lhs_hint = false} : vector<2000x128xf32>, vector<128x128xf32>, vector<2000x128xf32> -> vector<2000x128xf32>
    %add3A_101 = arith.addf %dot_general3A_92, %dot_general3A_100 : vector<2000x128xf32>
    %get3A_102 = arith.constant 0 : index
    %get3A_103 = arith.constant 0 : index
    %get3A_104 = vector.load %arg8[%get3A_102, %get3A_103] : memref<1x128xf32, #tpu.memory_space<vmem>>, vector<1x128xf32>
    %add3A_105 = vector.broadcast %get3A_104 : vector<1x128xf32> to vector<2000x128xf32>
    %add3A_106 = arith.addf %add3A_101, %add3A_105 : vector<2000x128xf32>
    %max3A_107 = arith.constant 0.000000e+00 : f32
    %max3A_108 = vector.broadcast %max3A_107 : f32 to vector<2000x128xf32>
    %max3A_109 = arith.maximumf %add3A_106, %max3A_108 : vector<2000x128xf32>
    %get3A_110 = arith.constant 0 : index
    %get3A_111 = arith.constant 0 : index
    %get3A_112 = vector.load %arg9[%get3A_110, %get3A_111] : memref<128x64xf32, #tpu.memory_space<vmem>>, vector<128x64xf32>
    %dot_general3A_113 = arith.constant dense<0.000000e+00> : vector<2000x64xf32>
    %dot_general3A_114 = tpu.matmul %max3A_109, %get3A_112, %dot_general3A_113 {dimension_numbers = #tpu.dot_dimension_numbers<[1], [0], [0], [1], [0, 0, 1, 1], [], []>, transpose_lhs_hint = false} : vector<2000x128xf32>, vector<128x64xf32>, vector<2000x64xf32> -> vector<2000x64xf32>
    %get3A_115 = arith.constant 0 : index
    %get3A_116 = arith.constant 0 : index
    %get3A_117 = vector.load %arg10[%get3A_115, %get3A_116] : memref<1x64xf32, #tpu.memory_space<vmem>>, vector<1x64xf32>
    %add3A_118 = vector.broadcast %get3A_117 : vector<1x64xf32> to vector<2000x64xf32>
    %add3A_119 = arith.addf %dot_general3A_114, %add3A_118 : vector<2000x64xf32>
    %swap3A = arith.constant 0 : index
    %swap3A_120 = arith.constant 0 : index
    %swap3A_121 = vector.load %arg11[%swap3A, %swap3A_120] : memref<2000x64xf32, #tpu.memory_space<vmem>>, vector<2000x64xf32>
    tpu.vector_store %arg11[%swap3A, %swap3A_120], %add3A_119 {strides = array<i32>} : memref<2000x64xf32, #tpu.memory_space<vmem>>, vector<2000x64xf32>,
    return
  }
  func.func @transform_0(%arg0: i32) -> (i32, i32, i32) {
    %c0_i32 = arith.constant 0 : i32
    %c0_i32_0 = arith.constant 0 : i32
    %c0_i32_1 = arith.constant 0 : i32
    return %c0_i32, %arg0, %c0_i32_0 : i32, i32, i32
  }
  func.func @transform_1(%arg0: i32) -> (i32, i32, i32) {
    %c1_i32 = arith.constant 1 : i32
    %c0_i32 = arith.constant 0 : i32
    %c0_i32_0 = arith.constant 0 : i32
    return %c1_i32, %arg0, %c0_i32 : i32, i32, i32
  }
  func.func @transform_2(%arg0: i32) -> (i32, i32, i32) {
    %c0_i32 = arith.constant 0 : i32
    %c0_i32_0 = arith.constant 0 : i32
    %c0_i32_1 = arith.constant 0 : i32
    %c0_i32_2 = arith.constant 0 : i32
    return %c0_i32, %c0_i32_0, %c0_i32_1 : i32, i32, i32
  }
  func.func @transform_3(%arg0: i32) -> (i32, i32, i32) {
    %c1_i32 = arith.constant 1 : i32
    %c0_i32 = arith.constant 0 : i32
    %c0_i32_0 = arith.constant 0 : i32
    %c0_i32_1 = arith.constant 0 : i32
    return %c1_i32, %c0_i32, %c0_i32_0 : i32, i32, i32
  }
  func.func @transform_4(%arg0: i32) -> (i32, i32) {
    %c0_i32 = arith.constant 0 : i32
    %c0_i32_0 = arith.constant 0 : i32
    return %arg0, %c0_i32 : i32, i32
  }
  func.func @transform_5(%arg0: i32) -> (i32, i32) {
    %c0_i32 = arith.constant 0 : i32
    %c0_i32_0 = arith.constant 0 : i32
    %c0_i32_1 = arith.constant 0 : i32
    return %c0_i32, %c0_i32_0 : i32, i32
  }
  func.func @transform_6(%arg0: i32) -> (i32, i32) {
    %c0_i32 = arith.constant 0 : i32
    %c0_i32_0 = arith.constant 0 : i32
    %c0_i32_1 = arith.constant 0 : i32
    return %c0_i32, %c0_i32_0 : i32, i32
  }
  func.func @transform_7(%arg0: i32) -> (i32, i32) {
    %c0_i32 = arith.constant 0 : i32
    %c0_i32_0 = arith.constant 0 : i32
    %c0_i32_1 = arith.constant 0 : i32
    return %c0_i32, %c0_i32_0 : i32, i32
  }
  func.func @transform_8(%arg0: i32) -> (i32, i32) {
    %c0_i32 = arith.constant 0 : i32
    %c0_i32_0 = arith.constant 0 : i32
    %c0_i32_1 = arith.constant 0 : i32
    return %c0_i32, %c0_i32_0 : i32, i32
  }
  func.func @transform_9(%arg0: i32) -> (i32, i32) {
    %c0_i32 = arith.constant 0 : i32
    %c0_i32_0 = arith.constant 0 : i32
    %c0_i32_1 = arith.constant 0 : i32
    return %c0_i32, %c0_i32_0 : i32, i32
  }
  func.func @transform_10(%arg0: i32) -> (i32, i32) {
    %c0_i32 = arith.constant 0 : i32
    %c0_i32_0 = arith.constant 0 : i32
    return %arg0, %c0_i32 : i32, i32
  }
}

</mosaic_0001>

<sc_bundles>
// kernel: kernel.11.cloned.1.call-start
scs
__scs_entry_jumppad:
0x0: {  	(pc) =	sbr.rel $0x88, $3  }
0x1: {  	(tag) =	ssettag $0x0;
	lr =	simm.s32 $0x1  }
0x2: {  	[smem:$0x3F94] =	sst lr;
	_ =	strace $0xD0000000  }
0x3: {  	_ = 	snop  }
0x4: {  	_ = 	snop  }
0x5: {  	_ = 	snop  }
0x6: {  	_ = 	snop  }
0x7: {  	_ = 	snop  }
__scs_overlays_trampoline_lowered:
0x8: {  	[smem:$0x3FA3] =	sst s0  }
0x9: {  	[smem:$0x3FA4] =	sst s1  }
0xa: {  	[smem:$0x3FA5] =	sst s2  }
0xb: {  	[smem:$0x3FA6] =	sst s3  }
0xc: {  	[smem:$0x3FA7] =	sst s4  }
0xd: {  	[smem:$0x3FA8] =	sst s5  }
0xe: {  	[smem:$0x3FA9] =	sst s6  }
0xf: {  	[smem:$0x3FAA] =	sst s7  }
0x10: {  	[smem:$0x3FAB] =	sst s8  }
0x11: {  	[smem:$0x3FAC] =	sst s9;
	s0 =	simm.s32 @!p0 $0x0  }
0x12: {  	s1 =	sld [smem:$0x3F92];
	s0 =	simm.s32 @p0 $0x1  }
0x13: {  	[smem:$0x3FAD] =	sst s0;
	s0 =	simm.s32 @!p1 $0x0  }
0x14: {  	s2 =	sld [smem:$0x3F91];
	s0 =	simm.s32 @p1 $0x1  }
0x15: {  	[smem:$0x3FAE] =	sst s0;
	s0 =	simm.s32 @!p2 $0x0  }
0x16: {  	s3 =	sld [smem:$0x3FDB];
	s0 =	simm.s32 @p2 $0x1  }
0x17: {  	s4 =	simm.s32 $0x1BF5;
	[smem:$0x3FB0] =	sst s0  }
0x18: {  	s0 =	sld [smem:$0x3F93];
	_ =	swait.ge [sflag:s4], $0x0  }
0x19: {  	s7 =	sld [smem:$0x3F94]  }
0x1a: {  	s8 =	sadd.s32 $0xFFFFE003, lr  }
0x1b: {  	s9 =	sadd.s32 $0xFFFFFEF7, lr;
	s5 =	simm.s32 $0xFFFFFFFF;
	p2 =	slt.u32 s8, $0xFFFFF086  }
0x1c: {  	p1 =	slt.u32 s9, $0xF7A;
	s5 =	simm.s32 @!p2 $0x0  }
0x1d: {  	s5 =	simm.s32 @p1 $0x1;
	p0 =	seq.s32 s7, s2  }
0x1e: {  	s7 =	smul.u32 @!p0 $0xF7A, s2;
	p2 =	seq.s32 @!p0 s5, $0x0  }
0x1f: {  	s9 =	smul.u32 $0xF7A, s1;
	s8 =	simm.s32 @!p0 $0x1BF5;
	p2 =	por !p2, p0  }
0x20: {  	[sflag:s8] =	ssyncset.s32 @!p0 $0xFFFFF086;
	s6 =	sadd.s32 @!p0 s3, s7;
	s7 =	simm.s32 @!p0 $0x108  }
0x21: {  	s3 =	sadd.s32 s3, s9;
	s6 =	sadd.s32 @!p0 $0x88, s6;
	s7 =	simm.s32 @p2 $0x1082  }
0x22: {  	[simem:s7], [sflag:s8] =	dma.local @!p0 [hbm:s6], $0xF7A  }
0x23: {  	s9 =	sor.u32 $0xD0000000, s2;
	s6 =	simm.s32 $0x108;
	_ =	swait.ge @!p0 [sflag:s8], $0x0  }
0x24: {  	s3 =	sadd.s32 $0x88, s3;
	s6 =	simm.s32 @!p1 $0x1082;
	[sflag:s4] =	ssyncset.s32 $0xFFFFF086  }
0x25: {  	[simem:s6], [sflag:s4] =	dma.local [hbm:s3], $0xF7A  }
0x26: {  	[smem:$0x3F94] =	sst s1;
	(tag) =	ssettag s2;
	_ =	strace s9  }
0x27: {  	s1 =	sld [smem:$0x3FA4]  }
0x28: {  	s2 =	sld [smem:$0x3FA5]  }
0x29: {  	s4 =	sld [smem:$0x3FA7]  }
0x2a: {  	p0 =	seq.s32 s5, $0x0;
	s5 =	sld [smem:$0x3FA8]  }
0x2b: {  	s6 =	sld [smem:$0x3FA9]  }
0x2c: {  	s7 =	sld [smem:$0x3FAA]  }
0x2d: {  	s3 =	simm.s32 $0x108;
	s8 =	sld [smem:$0x3FAB]  }
0x2e: {  	s3 =	simm.s32 @!p0 $0x1082;
	s9 =	sld [smem:$0x3FAC]  }
0x2f: {  	lr =	sadd.s32 s0, s3;
	s0 =	sld [smem:$0x3FA3]  }
0x30: {  	s3 =	sld [smem:$0x3FA6]  }
0x31: {  	[smem:$0x3FAF] =	sst s10  }
0x32: {  	s10 =	sld [smem:$0x3FAD];
	_ =	sdelay $0x3  }
0x33: {  	p0 =	seq.s32 s10, $0x1;
	s10 =	sld [smem:$0x3FAF];
	_ =	sdelay $0x3  }
0x34: {  	[smem:$0x3FAF] =	sst s10  }
0x35: {  	s10 =	sld [smem:$0x3FAE];
	_ =	sdelay $0x3  }
0x36: {  	p1 =	seq.s32 s10, $0x1;
	s10 =	sld [smem:$0x3FAF];
	_ =	sdelay $0x3  }
0x37: {  	[smem:$0x3FAF] =	sst s10  }
0x38: {  	s10 =	sld [smem:$0x3FB0]  }
0x39: {  	_ = 	snop;
	(pc) =	sbr.ind lr, $3  }
0x3a: {  	_ = 	snop  }
0x3b: {  	_ = 	snop  }
0x3c: {  	p2 =	seq.s32 s10, $0x1;
	s10 =	sld [smem:$0x3FAF]  }
0x3d: {  	_ =	shalt  }
0x3e: {  	_ =	shalt  }
0x3f: {  	_ =	shalt  }
0x40: {  	_ =	shalt  }
0x41: {  	_ =	shalt  }
0x42: {  	_ =	shalt  }
0x43: {  	_ =	shalt  }
0x44: {  	_ =	shalt  }
0x45: {  	_ =	shalt  }
0x46: {  	_ =	shalt  }
0x47: {  	_ =	shalt  }
0x48: {  	_ =	shalt  }
0x49: {  	_ =	shalt  }
0x4a: {  	_ =	shalt  }
0x4b: {  	_ =	shalt  }
0x4c: {  	_ =	shalt  }
0x4d: {  	_ =	shalt  }
0x4e: {  	_ =	shalt  }
0x4f: {  	_ =	shalt  }
0x50: {  	_ =	shalt  }
0x51: {  	_ =	shalt  }
0x52: {  	_ =	shalt  }
0x53: {  	_ =	shalt  }
0x54: {  	_ =	shalt  }
0x55: {  	_ =	shalt  }
0x56: {  	_ =	shalt  }
0x57: {  	_ =	shalt  }
0x58: {  	_ =	shalt  }
0x59: {  	_ =	shalt  }
0x5a: {  	_ =	shalt  }
0x5b: {  	_ =	shalt  }
0x5c: {  	_ =	shalt  }
0x5d: {  	_ =	shalt  }
0x5e: {  	_ =	shalt  }
0x5f: {  	_ =	shalt  }
0x60: {  	_ =	shalt  }
0x61: {  	_ =	shalt  }
0x62: {  	_ =	shalt  }
0x63: {  	_ =	shalt  }
0x64: {  	_ =	shalt  }
0x65: {  	_ =	shalt  }
0x66: {  	_ =	shalt  }
0x67: {  	_ =	shalt  }
0x68: {  	_ =	shalt  }
0x69: {  	_ =	shalt  }
0x6a: {  	_ =	shalt  }
0x6b: {  	_ =	shalt  }
0x6c: {  	_ =	shalt  }
0x6d: {  	_ =	shalt  }
0x6e: {  	_ =	shalt  }
0x6f: {  	_ =	shalt  }
0x70: {  	_ =	shalt  }
0x71: {  	_ =	shalt  }
0x72: {  	_ =	shalt  }
0x73: {  	_ =	shalt  }
0x74: {  	_ =	shalt  }
0x75: {  	_ =	shalt  }
0x76: {  	_ =	shalt  }
0x77: {  	_ =	shalt  }
0x78: {  	_ =	shalt  }
0x79: {  	_ =	shalt  }
0x7a: {  	_ =	shalt  }
0x7b: {  	_ =	shalt  }
0x7c: {  	_ =	shalt  }
0x7d: {  	_ =	shalt  }
0x7e: {  	_ =	shalt  }
0x7f: {  	_ =	shalt  }
0x80: {  	_ =	shalt  }
0x81: {  	_ =	shalt  }
0x82: {  	_ =	shalt  }
0x83: {  	_ =	shalt  }
0x84: {  	_ =	shalt  }
0x85: {  	_ =	shalt  }
0x86: {  	_ =	shalt  }
0x87: {  	_ =	shalt  }
.Lfunc_end0:
.L_simem_size_0:
called_computation.1_lowered:
.L_overlay_start_0:
0x88: {  	s2 =	sld [smem:$0x3FD9]  }
0x89: {  	s3 =	sld [smem:$0x3FFE];
	_ =	sdelay $0x1  }
0x8a: {  	s1 =	srdreg.scid  }
0x8b: {  	s0 =	sand.u32 $0x1, s1  }
0x8c: {  	s17 =	sshll.u32 s0, $0xA;
	s2 =	sadd.s32 s3, s2  }
0x8d: {  	s2 =	sadd.s32 s2, s17  }
0x8e: {  	[smem:$0x3FBB] =	sst s2  }
0x8f: {  	_ = 	snop  }
0x90: {  	s2 =	sld [smem:$0x3FD0];
	(tm) =	ssettm $0x1  }
0x91: {  	s18 =	sld [smem:$0x3FFB];
	_ =	sdelay $0x3  }
0x92: {  	_ =	strace s18  }
0x93: {  	s3 =	sld [smem:$0x3FFC];
	_ =	sdelay $0x3  }
0x94: {  	_ =	strace s3  }
0x95: {  	s3 =	sld [smem:$0x3FFD];
	_ =	sdelay $0x3  }
0x96: {  	_ =	strace s3  }
0x97: {  	_ =	strace $0x8FFFFFFF  }
0x98: {  	s19 =	sld [smem:$0x3FDB];
	_ =	sdelay $0x1  }
0x99: {  	s4 =	simm.s32 $_scs_section_size  }
0x9a: {  	s5 =	simm.s32 $_size__tile_overlayer_lowered;
	s6 =	simm.s32 $_tile_overlayer_lowered  }
0x9b: {  	s22 =	simm.s32 $0x1BFF;
	s21 =	sshll.u32 s6, $0x1;
	s3 =	sadd.s32 s4, s19  }
0x9c: {  	s7 =	simm.s32 $0x0;
	s20 =	sshll.u32 s5, $0x1;
	s5 =	sadd.s32 s21, s3  }
0x9d: {  	[timem:s7], [sflag:s22] =	dma.local [hbm:s5], s20  }
0x9e: {  	_ =	swait.ge [sflag:s22], s20  }
0x9f: {  	s4 =	ssub.s32 $0x0, s20;
	[sflag:s22] =	ssyncset.done $0x0  }
0xa0: {  	[sflag:s22] =	ssyncadd.s32 s4;
	_ =	sdelay $0x1  }
0xa1: {  	s23 =	simm.s32 $0x1B8B  }
0xa2: {  	_ =	swait.ge [sflag:s23], $0x1  }
0xa3: {  	[sflag:s23] =	ssyncset.done $0x0  }
0xa4: {  	s25 =	simm.s32 $0x1B8E;
	s24 =	sld [smem:$0x3FFE];
	[sflag:s23] =	ssyncadd.s32 $0xFFFFFFFF  }
0xa5: {  	s26 =	simm.s32 $execute0_lowered;
	[smem:$0x3FD2] =	sst s25  }
0xa6: {  	s5 =	sshll.u32 s26, $0x1;
	_ =	strace $0x80000049;
	[dreg:$0x1] =	wrdreg $0xFFFFFFFF  }
0xa7: {  	s28 =	simm.s32 $_size_execute0_lowered;
	s3 =	sadd.s32 s3, s5;
	[dreg:$0x0] =	wrdreg $0x0  }
0xa8: {  	s5 =	sshll.u32 s28, $0x1;
	[dreg:$0x2] =	wrdreg s3  }
0xa9: {  	[dreg:$0x3] =	wrdreg s5  }
0xaa: {  	[dreg:$0x4] =	wrdreg $0xC0  }
0xab: {  	_ =	task [dreg:s7], $0x5FFFF  }
0xac: {  	[dreg:$0x1] =	wrdreg $0xFFFFFFFF  }
0xad: {  	[dreg:$0x0] =	wrdreg $0x60  }
0xae: {  	[dreg:$0x2] =	wrdreg s24  }
0xaf: {  	[dreg:$0x3] =	wrdreg s2  }
0xb0: {  	[dreg:$0x4] =	wrdreg $0x0  }
0xb1: {  	[dreg:$0x5] =	wrdreg $0x9  }
0xb2: {  	_ =	task.clear_ibuf [dreg:s7], $0x6FFFF;
	_ =	strace $0x90000049  }
0xb3: {  	s29 =	simm.s32 $0x9;
	_ =	strace $0x8000004B  }
0xb4: {  	_ =	swait.ge [sflag:s29], $0x1  }
0xb5: {  	[sflag:s29] =	ssyncadd.s32 $0xFFFFFFFF  }
0xb6: {  	_ =	strace $0x9000004B  }
0xb7: {  	_ =	sfence  }
0xb8: {  	s30 =	sld [smem:$0x0];
	_ =	sdelay $0x2  }
0xb9: {  	s31 =	sshll.u32 s1, $0xD;
	s1 =	sshrl.u32 s1, $0x2  }
0xba: {  	s3 =	sand.u32 $0x4000, s31;
	s1 =	sadd.s32 s1, s30  }
0xbb: {  	s0 =	sor.u32 s3, s0;
	s1 =	sshll.u32 s1, $0x11  }
0xbc: {  	s0 =	sor.u32 s1, s0  }
0xbd: {  	s0 =	sadd.s32 $0x8F2B, s0  }
0xbe: {  	[sflag:s0] =	ssyncadd.remote.s32 $0x1  }
0xbf: {  	_ =	sfence.sel $0xFFFF  }
0xc0: {  	[dreg:$0x0] =	wrdreg $0xFFFFFFFF;
	(pc) =	sbr.abs _section_cstart, $3  }
0xc1: {  	[dreg:$0x1] =	wrdreg $0xFFFFFFFF  }
0xc2: {  	_ =	task.clear_ibuf [dreg:s7], $0x2FFFF;
	_ =	strace $0x9FFFFFFF  }
0xc3: {  	(tm) =	ssettm $0x7FFFFFFF  }
tec
execute0_lowered:
.L_overlay_start_1:
0x0: {  	(tag) =	ssettag $0x1  }
0x1: {  	s5 =	rddreg [dreg:$0x0]  }
0x2: {  	s10 =	rddreg [dreg:$0x1]  }
0x3: {  	s2 =	rddreg [dreg:$0x2]  }
0x4: {  	s0 =	rddreg [dreg:$0x3];
	s3 =	simm.s32 $0x0;
	s1 =	stileid.u32  }
0x5: {  	s6 =	srdreg.scid;
	s16 =	simm.s32 $0x15000;
	s17 =	simm.s32 $0x80  }
0x6: {  	s18 =	simm.s32 $0x16400;
	s19 =	simm.s32 $0x1;
	s20 =	simm.s32 $0x13C80  }
0x7: {  	s21 =	simm.s32 $0x1A400;
	s22 =	simm.s32 $0x3;
	s23 =	simm.s32 $0x2  }
0x8: {  	[smem:$0x7FF] =	sst s3;
	s24 =	smul.u32 $0x2780, s1;
	s4 =	sadd.s32 $0x35200, s5  }
0x9: {  	s6 =	sand.u32 $0x1, s6;
	s11 =	sadd.s32 $0x3A00, s5;
	s12 =	smul.u32 $0x4F000, s1  }
0xa: {  	_ =	strace $0x8000004A;
	s8 =	smul.u32 $0x27800, s6;
	s9 =	ssub.s32 $0x2, s6  }
0xb: {  	s6 =	sshll.u32 s6, $0x4;
	s7 =	sadd.s32 s24, s5;
	s26 =	sshrl.u32 s9, $0x1  }
0xc: {  	s6 =	sor.u32 s1, s6;
	s28 =	sshrl.u32 s12, $0x2;
	s13 =	sadd.s32 s8, s5  }
0xd: {  	s14 =	ssub.s32 s9, s26;
	s29 =	smul.u32 $0x2800, s6;
	s15 =	sadd.s32 s28, s2  }
0xe: {  	s5 =	sshll.u32 s1, $0x6;
	s30 =	smul.u32 $0x500, s6;
	s6 =	sadd.s32 $0xDA00, s7  }
0xf: {  	s26 =	simm.s32 $0x0;
	s7 =	sor.u32 $0x1C03, s5;
	s25 =	sadd.s32 $0x85200, s13  }
0x10: {  	s13 =	sshrl.u32 s15, $0x3;
	s15 =	simm.s32 $0x4;
	s31 =	sshrl.u32 s29, $0x3  }
0x11: {  	s8 =	sadd.s32 s10, s30;
	s9 =	sadd.s32 s11, s30;
	s12 =	sadd.s32 $0x280, s31  }
0x12: {  	s24 =	sadd.s32 s24, s25;
	s25 =	simm.s32 $0x16380;
	s10 =	sadd.s32 s10, s12  }
0x13: {  	s11 =	sadd.s32 s11, s12;
	s12 =	smax.u32 s14, $0x1;
	s14 =	simm.s32 $0x13C00  }
.LBB2_1:
0x14: {  	[spmem:s13], [sflag:s7] =	dma.local [hbm:s6], $0x2780  }
0x15: {  	[tilespmem:s14], [sflag:$0x4] =	stream.linear.gather [hbm4b:s8+s3], $0x1400, $0x38;
	[tilespmem:$0x1E400] =	vst v63  }
0x16: {  	_ =	swait.ge [sflag:s15], $0x1400  }
0x17: {  	[sflag:s15] =	ssyncset.done $0x0  }
0x18: {  	[sflag:s15] =	ssyncadd.s32 $0xFFFFEC00  }
0x19: {  	[tilespmem:s16], [sflag:$0x4] =	stream.linear.gather [hbm4b:s9+s3], $0x1400, $0x38;
	[tilespmem:$0x1E400] =	vst v63  }
0x1a: {  	_ =	swait.ge [sflag:s15], $0x1400  }
0x1b: {  	[sflag:s15] =	ssyncset.done $0x0  }
0x1c: {  	[sflag:s15] =	ssyncadd.s32 $0xFFFFEC00  }
0x1d: {  	[tilespmem:s18], [sflag:$0x1] =	stream.indirect.gather [hbm4b:s4+s17], $0x80, s14, s17, $0xb8;
	[tilespmem:$0x1E400] =	vst v63  }
0x1e: {  	_ =	swait.ge [sflag:s19], $0x4000  }
0x1f: {  	[sflag:s19] =	ssyncset.done $0x0  }
0x20: {  	[sflag:s19] =	ssyncadd.s32 $0xFFFFC000  }
0x21: {  	[tilespmem:s21], [sflag:$0x1] =	stream.indirect.gather [hbm4b:s4+s17], $0x80, s20, s17, $0xb8;
	[tilespmem:$0x1E400] =	vst v63  }
0x22: {  	_ =	swait.ge [sflag:s22], $0x2780  }
0x23: {  	[sflag:s22] =	ssyncset.done $0x0  }
0x24: {  	[sflag:s22] =	ssyncadd.s32 $0xFFFFD880  }
0x25: {  	[bflag:$0x0] =	sbarrier.arrive $0xFFFF  }
0x26: {  	[spmem:s2] =	stream.indirect.scatter.add.f32 [tilespmem:s18], [sflag:$0x2], $0x80, s16, s17, $0xb8;
	[tilespmem:$0x1E400] =	vst v63  }
0x27: {  	_ =	swait.ge [sflag:s19], $0x4000  }
0x28: {  	[sflag:s19] =	ssyncset.done $0x0  }
0x29: {  	[sflag:s19] =	ssyncadd.s32 $0xFFFFC000  }
0x2a: {  	_ =	swait.ge [sflag:s23], $0x4000  }
0x2b: {  	[sflag:s23] =	ssyncset.done $0x0  }
0x2c: {  	s28 =	simm.s32 $0x13D00;
	[sflag:s23] =	ssyncadd.s32 $0xFFFFC000  }
0x2d: {  	[tilespmem:s18], [sflag:$0x1] =	stream.indirect.gather [hbm4b:s4+s17], $0x80, s28, s17, $0xb8;
	[tilespmem:$0x1E400] =	vst v63  }
0x2e: {  	s28 =	simm.s32 $0x15080  }
0x2f: {  	[spmem:s2] =	stream.indirect.scatter.add.f32 [tilespmem:s21], [sflag:$0x2], $0x80, s28, s17, $0xb8;
	[tilespmem:$0x1E400] =	vst v63  }
0x30: {  	_ =	swait.ge [sflag:s19], $0x4000  }
0x31: {  	[sflag:s19] =	ssyncset.done $0x0  }
0x32: {  	[sflag:s19] =	ssyncadd.s32 $0xFFFFC000  }
0x33: {  	_ =	swait.ge [sflag:s23], $0x4000  }
0x34: {  	[sflag:s23] =	ssyncset.done $0x0  }
0x35: {  	s28 =	simm.s32 $0x13D80;
	[sflag:s23] =	ssyncadd.s32 $0xFFFFC000  }
0x36: {  	[tilespmem:s21], [sflag:$0x1] =	stream.indirect.gather [hbm4b:s4+s17], $0x80, s28, s17, $0xb8;
	[tilespmem:$0x1E400] =	vst v63  }
0x37: {  	s29 =	simm.s32 $0x15100;
	s28 =	simm.s32 $0xFFFFB800  }
.LBB2_2:
0x38: {  	[spmem:s2] =	stream.indirect.scatter.add.f32 [tilespmem:s18], [sflag:$0x2], $0x80, s29, s17, $0xb8;
	[tilespmem:$0x1E400] =	vst v63  }
0x39: {  	s29 =	smov.u32 s28  }
0x3a: {  	p0 =	sne.s32 s28, $0xFFFFFC00;
	s28 =	sadd.s32 $0x400, s28;
	_ =	swait.ge [sflag:s19], $0x4000  }
0x3b: {  	[sflag:s19] =	ssyncset.done $0x0  }
0x3c: {  	[sflag:s19] =	ssyncadd.s32 $0xFFFFC000  }
0x3d: {  	_ =	swait.ge [sflag:s23], $0x4000  }
0x3e: {  	s29 =	sshra.s32 s29, $0x2;
	[sflag:s23] =	ssyncset.done $0x0  }
0x3f: {  	s30 =	sadd.s32 $0x15000, s29;
	[sflag:s23] =	ssyncadd.s32 $0xFFFFC000  }
0x40: {  	[tilespmem:s18], [sflag:$0x1] =	stream.indirect.gather [hbm4b:s4+s17], $0x80, s30, s17, $0xb8;
	[tilespmem:$0x1E400] =	vst v63  }
0x41: {  	s30 =	sadd.s32 $0x16380, s29  }
0x42: {  	[spmem:s2] =	stream.indirect.scatter.add.f32 [tilespmem:s21], [sflag:$0x2], $0x80, s30, s17, $0xb8;
	[tilespmem:$0x1E400] =	vst v63  }
0x43: {  	_ =	swait.ge [sflag:s19], $0x4000  }
0x44: {  	[sflag:s19] =	ssyncset.done $0x0  }
0x45: {  	[sflag:s19] =	ssyncadd.s32 $0xFFFFC000  }
.Ltmp0:
0x46: {  	_ =	swait.ge [sflag:s23], $0x4000;
	(pc) =	sbr.rel @p0 .LBB2_2-.Ltmp0, $4  }
0x47: {  	[sflag:s23] =	ssyncset.done $0x0  }
0x48: {  	s30 =	sadd.s32 $0x15080, s29;
	[sflag:s23] =	ssyncadd.s32 $0xFFFFC000  }
0x49: {  	[tilespmem:s21], [sflag:$0x1] =	stream.indirect.gather [hbm4b:s4+s17], $0x80, s30, s17, $0xb8;
	[tilespmem:$0x1E400] =	vst v63  }
0x4a: {  	s29 =	sadd.s32 $0x16400, s29  }
0x4b: {  	[spmem:s2] =	stream.indirect.scatter.add.f32 [tilespmem:s18], [sflag:$0x2], $0x80, s29, s17, $0xb8;
	[tilespmem:$0x1E400] =	vst v63  }
0x4c: {  	_ =	swait.ge [sflag:s19], $0x4000  }
0x4d: {  	[sflag:s19] =	ssyncset.done $0x0  }
0x4e: {  	[sflag:s19] =	ssyncadd.s32 $0xFFFFC000  }
0x4f: {  	_ =	swait.ge [sflag:s23], $0x4000  }
0x50: {  	[sflag:s23] =	ssyncset.done $0x0  }
0x51: {  	[sflag:s23] =	ssyncadd.s32 $0xFFFFC000  }
0x52: {  	[spmem:s2] =	stream.indirect.scatter.add.f32 [tilespmem:s21], [sflag:$0x2], $0x80, s25, s17, $0xb8;
	[tilespmem:$0x1E400] =	vst v63  }
0x53: {  	_ =	swait.ge [sflag:s23], $0x4000  }
0x54: {  	[sflag:s23] =	ssyncset.done $0x0  }
0x55: {  	[sflag:s23] =	ssyncadd.s32 $0xFFFFC000  }
0x56: {  	[tilespmem:s14], [sflag:$0x4] =	stream.linear.gather [hbm4b:s10+s3], $0x1400, $0x38;
	[tilespmem:$0x1E400] =	vst v63  }
0x57: {  	_ =	swait.ge [sflag:s15], $0x1400  }
0x58: {  	[sflag:s15] =	ssyncset.done $0x0  }
0x59: {  	[sflag:s15] =	ssyncadd.s32 $0xFFFFEC00  }
0x5a: {  	[tilespmem:s16], [sflag:$0x4] =	stream.linear.gather [hbm4b:s11+s3], $0x1400, $0x38;
	[tilespmem:$0x1E400] =	vst v63  }
0x5b: {  	_ =	swait.ge [sflag:s15], $0x1400  }
0x5c: {  	[sflag:s15] =	ssyncset.done $0x0  }
0x5d: {  	[sflag:s15] =	ssyncadd.s32 $0xFFFFEC00  }
0x5e: {  	[tilespmem:s18], [sflag:$0x1] =	stream.indirect.gather [hbm4b:s4+s17], $0x80, s14, s17, $0xb8;
	[tilespmem:$0x1E400] =	vst v63  }
0x5f: {  	_ =	swait.ge [sflag:s19], $0x4000  }
0x60: {  	[sflag:s19] =	ssyncset.done $0x0  }
0x61: {  	[sflag:s19] =	ssyncadd.s32 $0xFFFFC000  }
0x62: {  	[tilespmem:s21], [sflag:$0x1] =	stream.indirect.gather [hbm4b:s4+s17], $0x80, s20, s17, $0xb8;
	[tilespmem:$0x1E400] =	vst v63  }
0x63: {  	_ = 	snop  }
0x64: {  	[spmem:s2] =	stream.indirect.scatter.add.f32 [tilespmem:s18], [sflag:$0x2], $0x80, s16, s17, $0xb8;
	[tilespmem:$0x1E400] =	vst v63  }
0x65: {  	_ =	swait.ge [sflag:s19], $0x4000  }
0x66: {  	[sflag:s19] =	ssyncset.done $0x0  }
0x67: {  	[sflag:s19] =	ssyncadd.s32 $0xFFFFC000  }
0x68: {  	_ =	swait.ge [sflag:s23], $0x4000  }
0x69: {  	[sflag:s23] =	ssyncset.done $0x0  }
0x6a: {  	s28 =	simm.s32 $0x13D00;
	[sflag:s23] =	ssyncadd.s32 $0xFFFFC000  }
0x6b: {  	[tilespmem:s18], [sflag:$0x1] =	stream.indirect.gather [hbm4b:s4+s17], $0x80, s28, s17, $0xb8;
	[tilespmem:$0x1E400] =	vst v63  }
0x6c: {  	s28 =	simm.s32 $0x15080  }
0x6d: {  	[spmem:s2] =	stream.indirect.scatter.add.f32 [tilespmem:s21], [sflag:$0x2], $0x80, s28, s17, $0xb8;
	[tilespmem:$0x1E400] =	vst v63  }
0x6e: {  	_ =	swait.ge [sflag:s19], $0x4000  }
0x6f: {  	[sflag:s19] =	ssyncset.done $0x0  }
0x70: {  	[sflag:s19] =	ssyncadd.s32 $0xFFFFC000  }
0x71: {  	_ =	swait.ge [sflag:s23], $0x4000  }
0x72: {  	[sflag:s23] =	ssyncset.done $0x0  }
0x73: {  	s28 =	simm.s32 $0x13D80;
	[sflag:s23] =	ssyncadd.s32 $0xFFFFC000  }
0x74: {  	[tilespmem:s21], [sflag:$0x1] =	stream.indirect.gather [hbm4b:s4+s17], $0x80, s28, s17, $0xb8;
	[tilespmem:$0x1E400] =	vst v63  }
0x75: {  	s29 =	simm.s32 $0x15100;
	s28 =	simm.s32 $0xFFFFB800  }
.LBB2_4:
0x76: {  	[spmem:s2] =	stream.indirect.scatter.add.f32 [tilespmem:s18], [sflag:$0x2], $0x80, s29, s17, $0xb8;
	[tilespmem:$0x1E400] =	vst v63  }
0x77: {  	s29 =	smov.u32 s28  }
0x78: {  	p0 =	sne.s32 s28, $0xFFFFFC00;
	s28 =	sadd.s32 $0x400, s28;
	_ =	swait.ge [sflag:s19], $0x4000  }
0x79: {  	[sflag:s19] =	ssyncset.done $0x0  }
0x7a: {  	[sflag:s19] =	ssyncadd.s32 $0xFFFFC000  }
0x7b: {  	_ =	swait.ge [sflag:s23], $0x4000  }
0x7c: {  	s29 =	sshra.s32 s29, $0x2;
	[sflag:s23] =	ssyncset.done $0x0  }
0x7d: {  	s30 =	sadd.s32 $0x15000, s29;
	[sflag:s23] =	ssyncadd.s32 $0xFFFFC000  }
0x7e: {  	[tilespmem:s18], [sflag:$0x1] =	stream.indirect.gather [hbm4b:s4+s17], $0x80, s30, s17, $0xb8;
	[tilespmem:$0x1E400] =	vst v63  }
0x7f: {  	s30 =	sadd.s32 $0x16380, s29  }
0x80: {  	[spmem:s2] =	stream.indirect.scatter.add.f32 [tilespmem:s21], [sflag:$0x2], $0x80, s30, s17, $0xb8;
	[tilespmem:$0x1E400] =	vst v63  }
0x81: {  	_ =	swait.ge [sflag:s19], $0x4000  }
0x82: {  	[sflag:s19] =	ssyncset.done $0x0  }
0x83: {  	[sflag:s19] =	ssyncadd.s32 $0xFFFFC000  }
.Ltmp1:
0x84: {  	_ =	swait.ge [sflag:s23], $0x4000;
	(pc) =	sbr.rel @p0 .LBB2_4-.Ltmp1, $4  }
0x85: {  	[sflag:s23] =	ssyncset.done $0x0  }
0x86: {  	s30 =	sadd.s32 $0x15080, s29;
	[sflag:s23] =	ssyncadd.s32 $0xFFFFC000  }
0x87: {  	[tilespmem:s21], [sflag:$0x1] =	stream.indirect.gather [hbm4b:s4+s17], $0x80, s30, s17, $0xb8;
	[tilespmem:$0x1E400] =	vst v63  }
0x88: {  	s29 =	sadd.s32 $0x16400, s29  }
0x89: {  	[spmem:s2] =	stream.indirect.scatter.add.f32 [tilespmem:s18], [sflag:$0x2], $0x80, s29, s17, $0xb8;
	[tilespmem:$0x1E400] =	vst v63  }
0x8a: {  	_ =	swait.ge [sflag:s19], $0x4000  }
0x8b: {  	[sflag:s19] =	ssyncset.done $0x0  }
0x8c: {  	[sflag:s19] =	ssyncadd.s32 $0xFFFFC000  }
0x8d: {  	_ =	swait.ge [sflag:s23], $0x4000  }
0x8e: {  	[sflag:s23] =	ssyncset.done $0x0  }
0x8f: {  	[sflag:s23] =	ssyncadd.s32 $0xFFFFC000  }
0x90: {  	[spmem:s2] =	stream.indirect.scatter.add.f32 [tilespmem:s21], [sflag:$0x2], $0x80, s25, s17, $0xb8;
	[tilespmem:$0x1E400] =	vst v63  }
0x91: {  	_ =	swait.ge [sflag:s23], $0x4000  }
0x92: {  	s26 =	sadd.s32 $0x1, s26;
	[sflag:s23] =	ssyncset.done $0x0  }
0x93: {  	p0 =	sne.s32 s26, s12;
	[sflag:s23] =	ssyncadd.s32 $0xFFFFC000  }
.Ltmp2:
0x94: {  	s28 =	sor.u32 $0x1C04, s5;
	[bflag:$0x0] =	sbarrier.arrive $0xFFFF;
	(pc) =	sbr.rel @p0 .LBB2_1-.Ltmp2, $4  }
0x95: {  	[hbm:s24], [sflag:s28] =	dma.local [spmem:s13], $0x2780  }
0x96: {  	_ =	swait.ge [sflag:s15], $0x2780  }
0x97: {  	[sflag:s15] =	ssyncset.done $0x0  }
0x98: {  	[sflag:s15] =	ssyncadd.s32 $0xFFFFD880  }
0x99: {  	_ =	sfence.sel $0x180000  }
0x9a: {  	[bflag:$0x0] =	sbarrier.arrive $0xFFFF  }
0x9b: {  	p0 =	sne.s32 s1, $0x0;
	_ =	strace $0x9000004A  }
0x9c: {  	s0 =	sadd.s32 @!p0 $0x100000, s0;
	[bflag:$0x2] =	sbarrier.arrive $0xFFFF  }
0x9d: {  	[sflag:s0] =	ssyncadd.tile.s32 @!p0 $0x1;
	_ =	shalt  }
.Lfunc_end2:
_tile_overlayer_lowered:
.L_overlay_start_2:
0x9e: {  	(tag) =	ssettag $0x2  }
0x9f: {  	s0 =	rddreg [dreg:$0x0];
	s2 =	stileid.u32  }
0xa0: {  	s1 =	rddreg [dreg:$0x1];
	p0 =	sne.s32 s2, $0x0  }
0xa1: {  	s3 =	rddreg [dreg:$0x2];
	[bflag:$0x3] =	sbarrier.arrive $0xFFFF;
	s2 =	simm.s32 @!p0 $0x1C04  }
0xa2: {  	[timem:s3], [sflag:s2] =	dma.local @!p0 [hbm:s0], s1  }
0xa3: {  	s0 =	simm.s32 @!p0 $0x4  }
0xa4: {  	_ =	swait.ge @!p0 [sflag:s0], s1  }
0xa5: {  	s1 =	ssub.s32 @!p0 $0x0, s1;
	[sflag:s0] =	ssyncset.done @!p0 $0x0  }
0xa6: {  	[sflag:s0] =	ssyncadd.s32 @!p0 s1  }
0xa7: {  	[bflag:$0x3] =	sbarrier.arrive $0xFFFF  }
0xa8: {  	_ =	shalt  }

// kernel: kernel.14.cloned.1.call-start
scs
__scs_entry_jumppad:
0x0: {  	(pc) =	sbr.rel $0x88, $3  }
0x1: {  	(tag) =	ssettag $0x0;
	lr =	simm.s32 $0x1  }
0x2: {  	[smem:$0x3F94] =	sst lr;
	_ =	strace $0xD0000000  }
0x3: {  	_ = 	snop  }
0x4: {  	_ = 	snop  }
0x5: {  	_ = 	snop  }
0x6: {  	_ = 	snop  }
0x7: {  	_ = 	snop  }
__scs_overlays_trampoline_lowered:
0x8: {  	[smem:$0x3FA3] =	sst s0  }
0x9: {  	[smem:$0x3FA4] =	sst s1  }
0xa: {  	[smem:$0x3FA5] =	sst s2  }
0xb: {  	[smem:$0x3FA6] =	sst s3  }
0xc: {  	[smem:$0x3FA7] =	sst s4  }
0xd: {  	[smem:$0x3FA8] =	sst s5  }
0xe: {  	[smem:$0x3FA9] =	sst s6  }
0xf: {  	[smem:$0x3FAA] =	sst s7  }
0x10: {  	[smem:$0x3FAB] =	sst s8  }
0x11: {  	[smem:$0x3FAC] =	sst s9;
	s0 =	simm.s32 @!p0 $0x0  }
0x12: {  	s1 =	sld [smem:$0x3F92];
	s0 =	simm.s32 @p0 $0x1  }
0x13: {  	[smem:$0x3FAD] =	sst s0;
	s0 =	simm.s32 @!p1 $0x0  }
0x14: {  	s2 =	sld [smem:$0x3F91];
	s0 =	simm.s32 @p1 $0x1  }
0x15: {  	[smem:$0x3FAE] =	sst s0;
	s0 =	simm.s32 @!p2 $0x0  }
0x16: {  	s3 =	sld [smem:$0x3FDB];
	s0 =	simm.s32 @p2 $0x1  }
0x17: {  	s4 =	simm.s32 $0x1BF5;
	[smem:$0x3FB0] =	sst s0  }
0x18: {  	s0 =	sld [smem:$0x3F93];
	_ =	swait.ge [sflag:s4], $0x0  }
0x19: {  	s7 =	sld [smem:$0x3F94]  }
0x1a: {  	s8 =	sadd.s32 $0xFFFFE003, lr  }
0x1b: {  	s9 =	sadd.s32 $0xFFFFFEF7, lr;
	s5 =	simm.s32 $0xFFFFFFFF;
	p2 =	slt.u32 s8, $0xFFFFF086  }
0x1c: {  	p1 =	slt.u32 s9, $0xF7A;
	s5 =	simm.s32 @!p2 $0x0  }
0x1d: {  	s5 =	simm.s32 @p1 $0x1;
	p0 =	seq.s32 s7, s2  }
0x1e: {  	s7 =	smul.u32 @!p0 $0xF7A, s2;
	p2 =	seq.s32 @!p0 s5, $0x0  }
0x1f: {  	s9 =	smul.u32 $0xF7A, s1;
	s8 =	simm.s32 @!p0 $0x1BF5;
	p2 =	por !p2, p0  }
0x20: {  	[sflag:s8] =	ssyncset.s32 @!p0 $0xFFFFF086;
	s6 =	sadd.s32 @!p0 s3, s7;
	s7 =	simm.s32 @!p0 $0x108  }
0x21: {  	s3 =	sadd.s32 s3, s9;
	s6 =	sadd.s32 @!p0 $0x88, s6;
	s7 =	simm.s32 @p2 $0x1082  }
0x22: {  	[simem:s7], [sflag:s8] =	dma.local @!p0 [hbm:s6], $0xF7A  }
0x23: {  	s9 =	sor.u32 $0xD0000000, s2;
	s6 =	simm.s32 $0x108;
	_ =	swait.ge @!p0 [sflag:s8], $0x0  }
0x24: {  	s3 =	sadd.s32 $0x88, s3;
	s6 =	simm.s32 @!p1 $0x1082;
	[sflag:s4] =	ssyncset.s32 $0xFFFFF086  }
0x25: {  	[simem:s6], [sflag:s4] =	dma.local [hbm:s3], $0xF7A  }
0x26: {  	[smem:$0x3F94] =	sst s1;
	(tag) =	ssettag s2;
	_ =	strace s9  }
0x27: {  	s1 =	sld [smem:$0x3FA4]  }
0x28: {  	s2 =	sld [smem:$0x3FA5]  }
0x29: {  	s4 =	sld [smem:$0x3FA7]  }
0x2a: {  	p0 =	seq.s32 s5, $0x0;
	s5 =	sld [smem:$0x3FA8]  }
0x2b: {  	s6 =	sld [smem:$0x3FA9]  }
0x2c: {  	s7 =	sld [smem:$0x3FAA]  }
0x2d: {  	s3 =	simm.s32 $0x108;
	s8 =	sld [smem:$0x3FAB]  }
0x2e: {  	s3 =	simm.s32 @!p0 $0x1082;
	s9 =	sld [smem:$0x3FAC]  }
0x2f: {  	lr =	sadd.s32 s0, s3;
	s0 =	sld [smem:$0x3FA3]  }
0x30: {  	s3 =	sld [smem:$0x3FA6]  }
0x31: {  	[smem:$0x3FAF] =	sst s10  }
0x32: {  	s10 =	sld [smem:$0x3FAD];
	_ =	sdelay $0x3  }
0x33: {  	p0 =	seq.s32 s10, $0x1;
	s10 =	sld [smem:$0x3FAF];
	_ =	sdelay $0x3  }
0x34: {  	[smem:$0x3FAF] =	sst s10  }
0x35: {  	s10 =	sld [smem:$0x3FAE];
	_ =	sdelay $0x3  }
0x36: {  	p1 =	seq.s32 s10, $0x1;
	s10 =	sld [smem:$0x3FAF];
	_ =	sdelay $0x3  }
0x37: {  	[smem:$0x3FAF] =	sst s10  }
0x38: {  	s10 =	sld [smem:$0x3FB0]  }
0x39: {  	_ = 	snop;
	(pc) =	sbr.ind lr, $3  }
0x3a: {  	_ = 	snop  }
0x3b: {  	_ = 	snop  }
0x3c: {  	p2 =	seq.s32 s10, $0x1;
	s10 =	sld [smem:$0x3FAF]  }
0x3d: {  	_ =	shalt  }
0x3e: {  	_ =	shalt  }
0x3f: {  	_ =	shalt  }
0x40: {  	_ =	shalt  }
0x41: {  	_ =	shalt  }
0x42: {  	_ =	shalt  }
0x43: {  	_ =	shalt  }
0x44: {  	_ =	shalt  }
0x45: {  	_ =	shalt  }
0x46: {  	_ =	shalt  }
0x47: {  	_ =	shalt  }
0x48: {  	_ =	shalt  }
0x49: {  	_ =	shalt  }
0x4a: {  	_ =	shalt  }
0x4b: {  	_ =	shalt  }
0x4c: {  	_ =	shalt  }
0x4d: {  	_ =	shalt  }
0x4e: {  	_ =	shalt  }
0x4f: {  	_ =	shalt  }
0x50: {  	_ =	shalt  }
0x51: {  	_ =	shalt  }
0x52: {  	_ =	shalt  }
0x53: {  	_ =	shalt  }
0x54: {  	_ =	shalt  }
0x55: {  	_ =	shalt  }
0x56: {  	_ =	shalt  }
0x57: {  	_ =	shalt  }
0x58: {  	_ =	shalt  }
0x59: {  	_ =	shalt  }
0x5a: {  	_ =	shalt  }
0x5b: {  	_ =	shalt  }
0x5c: {  	_ =	shalt  }
0x5d: {  	_ =	shalt  }
0x5e: {  	_ =	shalt  }
0x5f: {  	_ =	shalt  }
0x60: {  	_ =	shalt  }
0x61: {  	_ =	shalt  }
0x62: {  	_ =	shalt  }
0x63: {  	_ =	shalt  }
0x64: {  	_ =	shalt  }
0x65: {  	_ =	shalt  }
0x66: {  	_ =	shalt  }
0x67: {  	_ =	shalt  }
0x68: {  	_ =	shalt  }
0x69: {  	_ =	shalt  }
0x6a: {  	_ =	shalt  }
0x6b: {  	_ =	shalt  }
0x6c: {  	_ =	shalt  }
0x6d: {  	_ =	shalt  }
0x6e: {  	_ =	shalt  }
0x6f: {  	_ =	shalt  }
0x70: {  	_ =	shalt  }
0x71: {  	_ =	shalt  }
0x72: {  	_ =	shalt  }
0x73: {  	_ =	shalt  }
0x74: {  	_ =	shalt  }
0x75: {  	_ =	shalt  }
0x76: {  	_ =	shalt  }
0x77: {  	_ =	shalt  }
0x78: {  	_ =	shalt  }
0x79: {  	_ =	shalt  }
0x7a: {  	_ =	shalt  }
0x7b: {  	_ =	shalt  }
0x7c: {  	_ =	shalt  }
0x7d: {  	_ =	shalt  }
0x7e: {  	_ =	shalt  }
0x7f: {  	_ =	shalt  }
0x80: {  	_ =	shalt  }
0x81: {  	_ =	shalt  }
0x82: {  	_ =	shalt  }
0x83: {  	_ =	shalt  }
0x84: {  	_ =	shalt  }
0x85: {  	_ =	shalt  }
0x86: {  	_ =	shalt  }
0x87: {  	_ =	shalt  }
.Lfunc_end0:
.L_simem_size_0:
called_computation.2_lowered:
.L_overlay_start_0:
0x88: {  	s2 =	sld [smem:$0x3FD9]  }
0x89: {  	s3 =	sld [smem:$0x3FFE];
	_ =	sdelay $0x1  }
0x8a: {  	s1 =	srdreg.scid  }
0x8b: {  	s0 =	sand.u32 $0x1, s1  }
0x8c: {  	s17 =	sshll.u32 s0, $0xA;
	s2 =	sadd.s32 s3, s2  }
0x8d: {  	s2 =	sadd.s32 s2, s17  }
0x8e: {  	[smem:$0x3FBB] =	sst s2  }
0x8f: {  	_ = 	snop  }
0x90: {  	s2 =	sld [smem:$0x3FD0];
	(tm) =	ssettm $0x1  }
0x91: {  	s18 =	sld [smem:$0x3FFB];
	_ =	sdelay $0x3  }
0x92: {  	_ =	strace s18  }
0x93: {  	s3 =	sld [smem:$0x3FFC];
	_ =	sdelay $0x3  }
0x94: {  	_ =	strace s3  }
0x95: {  	s3 =	sld [smem:$0x3FFD];
	_ =	sdelay $0x3  }
0x96: {  	_ =	strace s3  }
0x97: {  	_ =	strace $0x8FFFFFFF  }
0x98: {  	s19 =	sld [smem:$0x3FDB];
	_ =	sdelay $0x1  }
0x99: {  	s4 =	simm.s32 $_scs_section_size  }
0x9a: {  	s5 =	simm.s32 $_size__tile_overlayer_lowered;
	s6 =	simm.s32 $_tile_overlayer_lowered  }
0x9b: {  	s22 =	simm.s32 $0x1BFF;
	s21 =	sshll.u32 s6, $0x1;
	s3 =	sadd.s32 s4, s19  }
0x9c: {  	s7 =	simm.s32 $0x0;
	s20 =	sshll.u32 s5, $0x1;
	s5 =	sadd.s32 s21, s3  }
0x9d: {  	[timem:s7], [sflag:s22] =	dma.local [hbm:s5], s20  }
0x9e: {  	_ =	swait.ge [sflag:s22], s20  }
0x9f: {  	s4 =	ssub.s32 $0x0, s20;
	[sflag:s22] =	ssyncset.done $0x0  }
0xa0: {  	[sflag:s22] =	ssyncadd.s32 s4;
	_ =	sdelay $0x1  }
0xa1: {  	s23 =	simm.s32 $0x1B8B  }
0xa2: {  	_ =	swait.ge [sflag:s23], $0x1  }
0xa3: {  	[sflag:s23] =	ssyncset.done $0x0  }
0xa4: {  	s25 =	simm.s32 $0x1B8E;
	s24 =	sld [smem:$0x3FFE];
	[sflag:s23] =	ssyncadd.s32 $0xFFFFFFFF  }
0xa5: {  	s26 =	simm.s32 $execute0_lowered;
	[smem:$0x3FD2] =	sst s25  }
0xa6: {  	s5 =	sshll.u32 s26, $0x1;
	_ =	strace $0x8000004C;
	[dreg:$0x1] =	wrdreg $0xFFFFFFFF  }
0xa7: {  	s28 =	simm.s32 $_size_execute0_lowered;
	s3 =	sadd.s32 s3, s5;
	[dreg:$0x0] =	wrdreg $0x0  }
0xa8: {  	s5 =	sshll.u32 s28, $0x1;
	[dreg:$0x2] =	wrdreg s3  }
0xa9: {  	[dreg:$0x3] =	wrdreg s5  }
0xaa: {  	[dreg:$0x4] =	wrdreg $0xC0  }
0xab: {  	_ =	task [dreg:s7], $0x5FFFF  }
0xac: {  	[dreg:$0x1] =	wrdreg $0xFFFFFFFF  }
0xad: {  	[dreg:$0x0] =	wrdreg $0x60  }
0xae: {  	[dreg:$0x2] =	wrdreg s24  }
0xaf: {  	[dreg:$0x3] =	wrdreg s2  }
0xb0: {  	[dreg:$0x4] =	wrdreg $0x0  }
0xb1: {  	[dreg:$0x5] =	wrdreg $0x9  }
0xb2: {  	_ =	task.clear_ibuf [dreg:s7], $0x6FFFF;
	_ =	strace $0x9000004C  }
0xb3: {  	s29 =	simm.s32 $0x9;
	_ =	strace $0x8000004E  }
0xb4: {  	_ =	swait.ge [sflag:s29], $0x1  }
0xb5: {  	[sflag:s29] =	ssyncadd.s32 $0xFFFFFFFF  }
0xb6: {  	_ =	strace $0x9000004E  }
0xb7: {  	_ =	sfence  }
0xb8: {  	s30 =	sld [smem:$0x0];
	_ =	sdelay $0x2  }
0xb9: {  	s31 =	sshll.u32 s1, $0xD;
	s1 =	sshrl.u32 s1, $0x2  }
0xba: {  	s3 =	sand.u32 $0x4000, s31;
	s1 =	sadd.s32 s1, s30  }
0xbb: {  	s0 =	sor.u32 s3, s0;
	s1 =	sshll.u32 s1, $0x11  }
0xbc: {  	s0 =	sor.u32 s1, s0  }
0xbd: {  	s0 =	sadd.s32 $0x8F2B, s0  }
0xbe: {  	[sflag:s0] =	ssyncadd.remote.s32 $0x1  }
0xbf: {  	_ =	sfence.sel $0xFFFF  }
0xc0: {  	[dreg:$0x0] =	wrdreg $0xFFFFFFFF;
	(pc) =	sbr.abs _section_cstart, $3  }
0xc1: {  	[dreg:$0x1] =	wrdreg $0xFFFFFFFF  }
0xc2: {  	_ =	task.clear_ibuf [dreg:s7], $0x2FFFF;
	_ =	strace $0x9FFFFFFF  }
0xc3: {  	(tm) =	ssettm $0x7FFFFFFF  }
tec
execute0_lowered:
.L_overlay_start_1:
0x0: {  	(tag) =	ssettag $0x1  }
0x1: {  	s5 =	rddreg [dreg:$0x0]  }
0x2: {  	s10 =	rddreg [dreg:$0x1]  }
0x3: {  	s2 =	rddreg [dreg:$0x2]  }
0x4: {  	s0 =	rddreg [dreg:$0x3];
	s3 =	simm.s32 $0x0;
	s1 =	stileid.u32  }
0x5: {  	s6 =	srdreg.scid;
	s16 =	simm.s32 $0x15000;
	s17 =	simm.s32 $0x80  }
0x6: {  	s18 =	simm.s32 $0x16400;
	s19 =	simm.s32 $0x1;
	s20 =	simm.s32 $0x13C80  }
0x7: {  	s21 =	simm.s32 $0x1A400;
	s22 =	simm.s32 $0x3;
	s23 =	simm.s32 $0x2  }
0x8: {  	[smem:$0x7FF] =	sst s3;
	s24 =	smul.u32 $0x2780, s1;
	s4 =	sadd.s32 $0x35200, s5  }
0x9: {  	s6 =	sand.u32 $0x1, s6;
	s11 =	sadd.s32 $0x3A00, s5;
	s12 =	smul.u32 $0x4F000, s1  }
0xa: {  	_ =	strace $0x8000004D;
	s8 =	smul.u32 $0x27800, s6;
	s9 =	ssub.s32 $0x2, s6  }
0xb: {  	s6 =	sshll.u32 s6, $0x4;
	s7 =	sadd.s32 s24, s5;
	s26 =	sshrl.u32 s9, $0x1  }
0xc: {  	s6 =	sor.u32 s1, s6;
	s28 =	sshrl.u32 s12, $0x2;
	s13 =	sadd.s32 s8, s5  }
0xd: {  	s14 =	ssub.s32 s9, s26;
	s29 =	smul.u32 $0x2800, s6;
	s15 =	sadd.s32 s28, s2  }
0xe: {  	s5 =	sshll.u32 s1, $0x6;
	s30 =	smul.u32 $0x500, s6;
	s6 =	sadd.s32 $0xDA00, s7  }
0xf: {  	s26 =	simm.s32 $0x0;
	s7 =	sor.u32 $0x1C03, s5;
	s25 =	sadd.s32 $0x5C400, s13  }
0x10: {  	s13 =	sshrl.u32 s15, $0x3;
	s15 =	simm.s32 $0x4;
	s31 =	sshrl.u32 s29, $0x3  }
0x11: {  	s8 =	sadd.s32 s10, s30;
	s9 =	sadd.s32 s11, s30;
	s12 =	sadd.s32 $0x280, s31  }
0x12: {  	s24 =	sadd.s32 s24, s25;
	s25 =	simm.s32 $0x16380;
	s10 =	sadd.s32 s10, s12  }
0x13: {  	s11 =	sadd.s32 s11, s12;
	s12 =	smax.u32 s14, $0x1;
	s14 =	simm.s32 $0x13C00  }
.LBB2_1:
0x14: {  	[spmem:s13], [sflag:s7] =	dma.local [hbm:s6], $0x2780  }
0x15: {  	[tilespmem:s14], [sflag:$0x4] =	stream.linear.gather [hbm4b:s8+s3], $0x1400, $0x38;
	[tilespmem:$0x1E400] =	vst v63  }
0x16: {  	_ =	swait.ge [sflag:s15], $0x1400  }
0x17: {  	[sflag:s15] =	ssyncset.done $0x0  }
0x18: {  	[sflag:s15] =	ssyncadd.s32 $0xFFFFEC00  }
0x19: {  	[tilespmem:s16], [sflag:$0x4] =	stream.linear.gather [hbm4b:s9+s3], $0x1400, $0x38;
	[tilespmem:$0x1E400] =	vst v63  }
0x1a: {  	_ =	swait.ge [sflag:s15], $0x1400  }
0x1b: {  	[sflag:s15] =	ssyncset.done $0x0  }
0x1c: {  	[sflag:s15] =	ssyncadd.s32 $0xFFFFEC00  }
0x1d: {  	[tilespmem:s18], [sflag:$0x1] =	stream.indirect.gather [hbm4b:s4+s17], $0x80, s14, s17, $0xb8;
	[tilespmem:$0x1E400] =	vst v63  }
0x1e: {  	_ =	swait.ge [sflag:s19], $0x4000  }
0x1f: {  	[sflag:s19] =	ssyncset.done $0x0  }
0x20: {  	[sflag:s19] =	ssyncadd.s32 $0xFFFFC000  }
0x21: {  	[tilespmem:s21], [sflag:$0x1] =	stream.indirect.gather [hbm4b:s4+s17], $0x80, s20, s17, $0xb8;
	[tilespmem:$0x1E400] =	vst v63  }
0x22: {  	_ =	swait.ge [sflag:s22], $0x2780  }
0x23: {  	[sflag:s22] =	ssyncset.done $0x0  }
0x24: {  	[sflag:s22] =	ssyncadd.s32 $0xFFFFD880  }
0x25: {  	[bflag:$0x0] =	sbarrier.arrive $0xFFFF  }
0x26: {  	[spmem:s2] =	stream.indirect.scatter.add.f32 [tilespmem:s18], [sflag:$0x2], $0x80, s16, s17, $0xb8;
	[tilespmem:$0x1E400] =	vst v63  }
0x27: {  	_ =	swait.ge [sflag:s19], $0x4000  }
0x28: {  	[sflag:s19] =	ssyncset.done $0x0  }
0x29: {  	[sflag:s19] =	ssyncadd.s32 $0xFFFFC000  }
0x2a: {  	_ =	swait.ge [sflag:s23], $0x4000  }
0x2b: {  	[sflag:s23] =	ssyncset.done $0x0  }
0x2c: {  	s28 =	simm.s32 $0x13D00;
	[sflag:s23] =	ssyncadd.s32 $0xFFFFC000  }
0x2d: {  	[tilespmem:s18], [sflag:$0x1] =	stream.indirect.gather [hbm4b:s4+s17], $0x80, s28, s17, $0xb8;
	[tilespmem:$0x1E400] =	vst v63  }
0x2e: {  	s28 =	simm.s32 $0x15080  }
0x2f: {  	[spmem:s2] =	stream.indirect.scatter.add.f32 [tilespmem:s21], [sflag:$0x2], $0x80, s28, s17, $0xb8;
	[tilespmem:$0x1E400] =	vst v63  }
0x30: {  	_ =	swait.ge [sflag:s19], $0x4000  }
0x31: {  	[sflag:s19] =	ssyncset.done $0x0  }
0x32: {  	[sflag:s19] =	ssyncadd.s32 $0xFFFFC000  }
0x33: {  	_ =	swait.ge [sflag:s23], $0x4000  }
0x34: {  	[sflag:s23] =	ssyncset.done $0x0  }
0x35: {  	s28 =	simm.s32 $0x13D80;
	[sflag:s23] =	ssyncadd.s32 $0xFFFFC000  }
0x36: {  	[tilespmem:s21], [sflag:$0x1] =	stream.indirect.gather [hbm4b:s4+s17], $0x80, s28, s17, $0xb8;
	[tilespmem:$0x1E400] =	vst v63  }
0x37: {  	s29 =	simm.s32 $0x15100;
	s28 =	simm.s32 $0xFFFFB800  }
.LBB2_2:
0x38: {  	[spmem:s2] =	stream.indirect.scatter.add.f32 [tilespmem:s18], [sflag:$0x2], $0x80, s29, s17, $0xb8;
	[tilespmem:$0x1E400] =	vst v63  }
0x39: {  	s29 =	smov.u32 s28  }
0x3a: {  	p0 =	sne.s32 s28, $0xFFFFFC00;
	s28 =	sadd.s32 $0x400, s28;
	_ =	swait.ge [sflag:s19], $0x4000  }
0x3b: {  	[sflag:s19] =	ssyncset.done $0x0  }
0x3c: {  	[sflag:s19] =	ssyncadd.s32 $0xFFFFC000  }
0x3d: {  	_ =	swait.ge [sflag:s23], $0x4000  }
0x3e: {  	s29 =	sshra.s32 s29, $0x2;
	[sflag:s23] =	ssyncset.done $0x0  }
0x3f: {  	s30 =	sadd.s32 $0x15000, s29;
	[sflag:s23] =	ssyncadd.s32 $0xFFFFC000  }
0x40: {  	[tilespmem:s18], [sflag:$0x1] =	stream.indirect.gather [hbm4b:s4+s17], $0x80, s30, s17, $0xb8;
	[tilespmem:$0x1E400] =	vst v63  }
0x41: {  	s30 =	sadd.s32 $0x16380, s29  }
0x42: {  	[spmem:s2] =	stream.indirect.scatter.add.f32 [tilespmem:s21], [sflag:$0x2], $0x80, s30, s17, $0xb8;
	[tilespmem:$0x1E400] =	vst v63  }
0x43: {  	_ =	swait.ge [sflag:s19], $0x4000  }
0x44: {  	[sflag:s19] =	ssyncset.done $0x0  }
0x45: {  	[sflag:s19] =	ssyncadd.s32 $0xFFFFC000  }
.Ltmp0:
0x46: {  	_ =	swait.ge [sflag:s23], $0x4000;
	(pc) =	sbr.rel @p0 .LBB2_2-.Ltmp0, $4  }
0x47: {  	[sflag:s23] =	ssyncset.done $0x0  }
0x48: {  	s30 =	sadd.s32 $0x15080, s29;
	[sflag:s23] =	ssyncadd.s32 $0xFFFFC000  }
0x49: {  	[tilespmem:s21], [sflag:$0x1] =	stream.indirect.gather [hbm4b:s4+s17], $0x80, s30, s17, $0xb8;
	[tilespmem:$0x1E400] =	vst v63  }
0x4a: {  	s29 =	sadd.s32 $0x16400, s29  }
0x4b: {  	[spmem:s2] =	stream.indirect.scatter.add.f32 [tilespmem:s18], [sflag:$0x2], $0x80, s29, s17, $0xb8;
	[tilespmem:$0x1E400] =	vst v63  }
0x4c: {  	_ =	swait.ge [sflag:s19], $0x4000  }
0x4d: {  	[sflag:s19] =	ssyncset.done $0x0  }
0x4e: {  	[sflag:s19] =	ssyncadd.s32 $0xFFFFC000  }
0x4f: {  	_ =	swait.ge [sflag:s23], $0x4000  }
0x50: {  	[sflag:s23] =	ssyncset.done $0x0  }
0x51: {  	[sflag:s23] =	ssyncadd.s32 $0xFFFFC000  }
0x52: {  	[spmem:s2] =	stream.indirect.scatter.add.f32 [tilespmem:s21], [sflag:$0x2], $0x80, s25, s17, $0xb8;
	[tilespmem:$0x1E400] =	vst v63  }
0x53: {  	_ =	swait.ge [sflag:s23], $0x4000  }
0x54: {  	[sflag:s23] =	ssyncset.done $0x0  }
0x55: {  	[sflag:s23] =	ssyncadd.s32 $0xFFFFC000  }
0x56: {  	[tilespmem:s14], [sflag:$0x4] =	stream.linear.gather [hbm4b:s10+s3], $0x1400, $0x38;
	[tilespmem:$0x1E400] =	vst v63  }
0x57: {  	_ =	swait.ge [sflag:s15], $0x1400  }
0x58: {  	[sflag:s15] =	ssyncset.done $0x0  }
0x59: {  	[sflag:s15] =	ssyncadd.s32 $0xFFFFEC00  }
0x5a: {  	[tilespmem:s16], [sflag:$0x4] =	stream.linear.gather [hbm4b:s11+s3], $0x1400, $0x38;
	[tilespmem:$0x1E400] =	vst v63  }
0x5b: {  	_ =	swait.ge [sflag:s15], $0x1400  }
0x5c: {  	[sflag:s15] =	ssyncset.done $0x0  }
0x5d: {  	[sflag:s15] =	ssyncadd.s32 $0xFFFFEC00  }
0x5e: {  	[tilespmem:s18], [sflag:$0x1] =	stream.indirect.gather [hbm4b:s4+s17], $0x80, s14, s17, $0xb8;
	[tilespmem:$0x1E400] =	vst v63  }
0x5f: {  	_ =	swait.ge [sflag:s19], $0x4000  }
0x60: {  	[sflag:s19] =	ssyncset.done $0x0  }
0x61: {  	[sflag:s19] =	ssyncadd.s32 $0xFFFFC000  }
0x62: {  	[tilespmem:s21], [sflag:$0x1] =	stream.indirect.gather [hbm4b:s4+s17], $0x80, s20, s17, $0xb8;
	[tilespmem:$0x1E400] =	vst v63  }
0x63: {  	_ = 	snop  }
0x64: {  	[spmem:s2] =	stream.indirect.scatter.add.f32 [tilespmem:s18], [sflag:$0x2], $0x80, s16, s17, $0xb8;
	[tilespmem:$0x1E400] =	vst v63  }
0x65: {  	_ =	swait.ge [sflag:s19], $0x4000  }
0x66: {  	[sflag:s19] =	ssyncset.done $0x0  }
0x67: {  	[sflag:s19] =	ssyncadd.s32 $0xFFFFC000  }
0x68: {  	_ =	swait.ge [sflag:s23], $0x4000  }
0x69: {  	[sflag:s23] =	ssyncset.done $0x0  }
0x6a: {  	s28 =	simm.s32 $0x13D00;
	[sflag:s23] =	ssyncadd.s32 $0xFFFFC000  }
0x6b: {  	[tilespmem:s18], [sflag:$0x1] =	stream.indirect.gather [hbm4b:s4+s17], $0x80, s28, s17, $0xb8;
	[tilespmem:$0x1E400] =	vst v63  }
0x6c: {  	s28 =	simm.s32 $0x15080  }
0x6d: {  	[spmem:s2] =	stream.indirect.scatter.add.f32 [tilespmem:s21], [sflag:$0x2], $0x80, s28, s17, $0xb8;
	[tilespmem:$0x1E400] =	vst v63  }
0x6e: {  	_ =	swait.ge [sflag:s19], $0x4000  }
0x6f: {  	[sflag:s19] =	ssyncset.done $0x0  }
0x70: {  	[sflag:s19] =	ssyncadd.s32 $0xFFFFC000  }
0x71: {  	_ =	swait.ge [sflag:s23], $0x4000  }
0x72: {  	[sflag:s23] =	ssyncset.done $0x0  }
0x73: {  	s28 =	simm.s32 $0x13D80;
	[sflag:s23] =	ssyncadd.s32 $0xFFFFC000  }
0x74: {  	[tilespmem:s21], [sflag:$0x1] =	stream.indirect.gather [hbm4b:s4+s17], $0x80, s28, s17, $0xb8;
	[tilespmem:$0x1E400] =	vst v63  }
0x75: {  	s29 =	simm.s32 $0x15100;
	s28 =	simm.s32 $0xFFFFB800  }
.LBB2_4:
0x76: {  	[spmem:s2] =	stream.indirect.scatter.add.f32 [tilespmem:s18], [sflag:$0x2], $0x80, s29, s17, $0xb8;
	[tilespmem:$0x1E400] =	vst v63  }
0x77: {  	s29 =	smov.u32 s28  }
0x78: {  	p0 =	sne.s32 s28, $0xFFFFFC00;
	s28 =	sadd.s32 $0x400, s28;
	_ =	swait.ge [sflag:s19], $0x4000  }
0x79: {  	[sflag:s19] =	ssyncset.done $0x0  }
0x7a: {  	[sflag:s19] =	ssyncadd.s32 $0xFFFFC000  }
0x7b: {  	_ =	swait.ge [sflag:s23], $0x4000  }
0x7c: {  	s29 =	sshra.s32 s29, $0x2;
	[sflag:s23] =	ssyncset.done $0x0  }
0x7d: {  	s30 =	sadd.s32 $0x15000, s29;
	[sflag:s23] =	ssyncadd.s32 $0xFFFFC000  }
0x7e: {  	[tilespmem:s18], [sflag:$0x1] =	stream.indirect.gather [hbm4b:s4+s17], $0x80, s30, s17, $0xb8;
	[tilespmem:$0x1E400] =	vst v63  }
0x7f: {  	s30 =	sadd.s32 $0x16380, s29  }
0x80: {  	[spmem:s2] =	stream.indirect.scatter.add.f32 [tilespmem:s21], [sflag:$0x2], $0x80, s30, s17, $0xb8;
	[tilespmem:$0x1E400] =	vst v63  }
0x81: {  	_ =	swait.ge [sflag:s19], $0x4000  }
0x82: {  	[sflag:s19] =	ssyncset.done $0x0  }
0x83: {  	[sflag:s19] =	ssyncadd.s32 $0xFFFFC000  }
.Ltmp1:
0x84: {  	_ =	swait.ge [sflag:s23], $0x4000;
	(pc) =	sbr.rel @p0 .LBB2_4-.Ltmp1, $4  }
0x85: {  	[sflag:s23] =	ssyncset.done $0x0  }
0x86: {  	s30 =	sadd.s32 $0x15080, s29;
	[sflag:s23] =	ssyncadd.s32 $0xFFFFC000  }
0x87: {  	[tilespmem:s21], [sflag:$0x1] =	stream.indirect.gather [hbm4b:s4+s17], $0x80, s30, s17, $0xb8;
	[tilespmem:$0x1E400] =	vst v63  }
0x88: {  	s29 =	sadd.s32 $0x16400, s29  }
0x89: {  	[spmem:s2] =	stream.indirect.scatter.add.f32 [tilespmem:s18], [sflag:$0x2], $0x80, s29, s17, $0xb8;
	[tilespmem:$0x1E400] =	vst v63  }
0x8a: {  	_ =	swait.ge [sflag:s19], $0x4000  }
0x8b: {  	[sflag:s19] =	ssyncset.done $0x0  }
0x8c: {  	[sflag:s19] =	ssyncadd.s32 $0xFFFFC000  }
0x8d: {  	_ =	swait.ge [sflag:s23], $0x4000  }
0x8e: {  	[sflag:s23] =	ssyncset.done $0x0  }
0x8f: {  	[sflag:s23] =	ssyncadd.s32 $0xFFFFC000  }
0x90: {  	[spmem:s2] =	stream.indirect.scatter.add.f32 [tilespmem:s21], [sflag:$0x2], $0x80, s25, s17, $0xb8;
	[tilespmem:$0x1E400] =	vst v63  }
0x91: {  	_ =	swait.ge [sflag:s23], $0x4000  }
0x92: {  	s26 =	sadd.s32 $0x1, s26;
	[sflag:s23] =	ssyncset.done $0x0  }
0x93: {  	p0 =	sne.s32 s26, s12;
	[sflag:s23] =	ssyncadd.s32 $0xFFFFC000  }
.Ltmp2:
0x94: {  	s28 =	sor.u32 $0x1C04, s5;
	[bflag:$0x0] =	sbarrier.arrive $0xFFFF;
	(pc) =	sbr.rel @p0 .LBB2_1-.Ltmp2, $4  }
0x95: {  	[hbm:s24], [sflag:s28] =	dma.local [spmem:s13], $0x2780  }
0x96: {  	_ =	swait.ge [sflag:s15], $0x2780  }
0x97: {  	[sflag:s15] =	ssyncset.done $0x0  }
0x98: {  	[sflag:s15] =	ssyncadd.s32 $0xFFFFD880  }
0x99: {  	_ =	sfence.sel $0x180000  }
0x9a: {  	[bflag:$0x0] =	sbarrier.arrive $0xFFFF  }
0x9b: {  	p0 =	sne.s32 s1, $0x0;
	_ =	strace $0x9000004D  }
0x9c: {  	s0 =	sadd.s32 @!p0 $0x100000, s0;
	[bflag:$0x2] =	sbarrier.arrive $0xFFFF  }
0x9d: {  	[sflag:s0] =	ssyncadd.tile.s32 @!p0 $0x1;
	_ =	shalt  }
.Lfunc_end2:
_tile_overlayer_lowered:
.L_overlay_start_2:
0x9e: {  	(tag) =	ssettag $0x2  }
0x9f: {  	s0 =	rddreg [dreg:$0x0];
	s2 =	stileid.u32  }
0xa0: {  	s1 =	rddreg [dreg:$0x1];
	p0 =	sne.s32 s2, $0x0  }
0xa1: {  	s3 =	rddreg [dreg:$0x2];
	[bflag:$0x3] =	sbarrier.arrive $0xFFFF;
	s2 =	simm.s32 @!p0 $0x1C04  }
0xa2: {  	[timem:s3], [sflag:s2] =	dma.local @!p0 [hbm:s0], s1  }
0xa3: {  	s0 =	simm.s32 @!p0 $0x4  }
0xa4: {  	_ =	swait.ge @!p0 [sflag:s0], s1  }
0xa5: {  	s1 =	ssub.s32 @!p0 $0x0, s1;
	[sflag:s0] =	ssyncset.done @!p0 $0x0  }
0xa6: {  	[sflag:s0] =	ssyncadd.s32 @!p0 s1  }
0xa7: {  	[bflag:$0x3] =	sbarrier.arrive $0xFFFF  }
0xa8: {  	_ =	shalt  }

// kernel: kernel.8.cloned.1.call-start
scs
__scs_entry_jumppad:
0x0: {  	(pc) =	sbr.rel $0x88, $3  }
0x1: {  	(tag) =	ssettag $0x0;
	lr =	simm.s32 $0x1  }
0x2: {  	[smem:$0x3F94] =	sst lr;
	_ =	strace $0xD0000000  }
0x3: {  	_ = 	snop  }
0x4: {  	_ = 	snop  }
0x5: {  	_ = 	snop  }
0x6: {  	_ = 	snop  }
0x7: {  	_ = 	snop  }
__scs_overlays_trampoline_lowered:
0x8: {  	[smem:$0x3FA3] =	sst s0  }
0x9: {  	[smem:$0x3FA4] =	sst s1  }
0xa: {  	[smem:$0x3FA5] =	sst s2  }
0xb: {  	[smem:$0x3FA6] =	sst s3  }
0xc: {  	[smem:$0x3FA7] =	sst s4  }
0xd: {  	[smem:$0x3FA8] =	sst s5  }
0xe: {  	[smem:$0x3FA9] =	sst s6  }
0xf: {  	[smem:$0x3FAA] =	sst s7  }
0x10: {  	[smem:$0x3FAB] =	sst s8  }
0x11: {  	[smem:$0x3FAC] =	sst s9;
	s0 =	simm.s32 @!p0 $0x0  }
0x12: {  	s1 =	sld [smem:$0x3F92];
	s0 =	simm.s32 @p0 $0x1  }
0x13: {  	[smem:$0x3FAD] =	sst s0;
	s0 =	simm.s32 @!p1 $0x0  }
0x14: {  	s2 =	sld [smem:$0x3F91];
	s0 =	simm.s32 @p1 $0x1  }
0x15: {  	[smem:$0x3FAE] =	sst s0;
	s0 =	simm.s32 @!p2 $0x0  }
0x16: {  	s3 =	sld [smem:$0x3FDB];
	s0 =	simm.s32 @p2 $0x1  }
0x17: {  	s4 =	simm.s32 $0x1BF5;
	[smem:$0x3FB0] =	sst s0  }
0x18: {  	s0 =	sld [smem:$0x3F93];
	_ =	swait.ge [sflag:s4], $0x0  }
0x19: {  	s7 =	sld [smem:$0x3F94]  }
0x1a: {  	s8 =	sadd.s32 $0xFFFFE003, lr  }
0x1b: {  	s9 =	sadd.s32 $0xFFFFFEF7, lr;
	s5 =	simm.s32 $0xFFFFFFFF;
	p2 =	slt.u32 s8, $0xFFFFF086  }
0x1c: {  	p1 =	slt.u32 s9, $0xF7A;
	s5 =	simm.s32 @!p2 $0x0  }
0x1d: {  	s5 =	simm.s32 @p1 $0x1;
	p0 =	seq.s32 s7, s2  }
0x1e: {  	s7 =	smul.u32 @!p0 $0xF7A, s2;
	p2 =	seq.s32 @!p0 s5, $0x0  }
0x1f: {  	s9 =	smul.u32 $0xF7A, s1;
	s8 =	simm.s32 @!p0 $0x1BF5;
	p2 =	por !p2, p0  }
0x20: {  	[sflag:s8] =	ssyncset.s32 @!p0 $0xFFFFF086;
	s6 =	sadd.s32 @!p0 s3, s7;
	s7 =	simm.s32 @!p0 $0x108  }
0x21: {  	s3 =	sadd.s32 s3, s9;
	s6 =	sadd.s32 @!p0 $0x88, s6;
	s7 =	simm.s32 @p2 $0x1082  }
0x22: {  	[simem:s7], [sflag:s8] =	dma.local @!p0 [hbm:s6], $0xF7A  }
0x23: {  	s9 =	sor.u32 $0xD0000000, s2;
	s6 =	simm.s32 $0x108;
	_ =	swait.ge @!p0 [sflag:s8], $0x0  }
0x24: {  	s3 =	sadd.s32 $0x88, s3;
	s6 =	simm.s32 @!p1 $0x1082;
	[sflag:s4] =	ssyncset.s32 $0xFFFFF086  }
0x25: {  	[simem:s6], [sflag:s4] =	dma.local [hbm:s3], $0xF7A  }
0x26: {  	[smem:$0x3F94] =	sst s1;
	(tag) =	ssettag s2;
	_ =	strace s9  }
0x27: {  	s1 =	sld [smem:$0x3FA4]  }
0x28: {  	s2 =	sld [smem:$0x3FA5]  }
0x29: {  	s4 =	sld [smem:$0x3FA7]  }
0x2a: {  	p0 =	seq.s32 s5, $0x0;
	s5 =	sld [smem:$0x3FA8]  }
0x2b: {  	s6 =	sld [smem:$0x3FA9]  }
0x2c: {  	s7 =	sld [smem:$0x3FAA]  }
0x2d: {  	s3 =	simm.s32 $0x108;
	s8 =	sld [smem:$0x3FAB]  }
0x2e: {  	s3 =	simm.s32 @!p0 $0x1082;
	s9 =	sld [smem:$0x3FAC]  }
0x2f: {  	lr =	sadd.s32 s0, s3;
	s0 =	sld [smem:$0x3FA3]  }
0x30: {  	s3 =	sld [smem:$0x3FA6]  }
0x31: {  	[smem:$0x3FAF] =	sst s10  }
0x32: {  	s10 =	sld [smem:$0x3FAD];
	_ =	sdelay $0x3  }
0x33: {  	p0 =	seq.s32 s10, $0x1;
	s10 =	sld [smem:$0x3FAF];
	_ =	sdelay $0x3  }
0x34: {  	[smem:$0x3FAF] =	sst s10  }
0x35: {  	s10 =	sld [smem:$0x3FAE];
	_ =	sdelay $0x3  }
0x36: {  	p1 =	seq.s32 s10, $0x1;
	s10 =	sld [smem:$0x3FAF];
	_ =	sdelay $0x3  }
0x37: {  	[smem:$0x3FAF] =	sst s10  }
0x38: {  	s10 =	sld [smem:$0x3FB0]  }
0x39: {  	_ = 	snop;
	(pc) =	sbr.ind lr, $3  }
0x3a: {  	_ = 	snop  }
0x3b: {  	_ = 	snop  }
0x3c: {  	p2 =	seq.s32 s10, $0x1;
	s10 =	sld [smem:$0x3FAF]  }
0x3d: {  	_ =	shalt  }
0x3e: {  	_ =	shalt  }
0x3f: {  	_ =	shalt  }
0x40: {  	_ =	shalt  }
0x41: {  	_ =	shalt  }
0x42: {  	_ =	shalt  }
0x43: {  	_ =	shalt  }
0x44: {  	_ =	shalt  }
0x45: {  	_ =	shalt  }
0x46: {  	_ =	shalt  }
0x47: {  	_ =	shalt  }
0x48: {  	_ =	shalt  }
0x49: {  	_ =	shalt  }
0x4a: {  	_ =	shalt  }
0x4b: {  	_ =	shalt  }
0x4c: {  	_ =	shalt  }
0x4d: {  	_ =	shalt  }
0x4e: {  	_ =	shalt  }
0x4f: {  	_ =	shalt  }
0x50: {  	_ =	shalt  }
0x51: {  	_ =	shalt  }
0x52: {  	_ =	shalt  }
0x53: {  	_ =	shalt  }
0x54: {  	_ =	shalt  }
0x55: {  	_ =	shalt  }
0x56: {  	_ =	shalt  }
0x57: {  	_ =	shalt  }
0x58: {  	_ =	shalt  }
0x59: {  	_ =	shalt  }
0x5a: {  	_ =	shalt  }
0x5b: {  	_ =	shalt  }
0x5c: {  	_ =	shalt  }
0x5d: {  	_ =	shalt  }
0x5e: {  	_ =	shalt  }
0x5f: {  	_ =	shalt  }
0x60: {  	_ =	shalt  }
0x61: {  	_ =	shalt  }
0x62: {  	_ =	shalt  }
0x63: {  	_ =	shalt  }
0x64: {  	_ =	shalt  }
0x65: {  	_ =	shalt  }
0x66: {  	_ =	shalt  }
0x67: {  	_ =	shalt  }
0x68: {  	_ =	shalt  }
0x69: {  	_ =	shalt  }
0x6a: {  	_ =	shalt  }
0x6b: {  	_ =	shalt  }
0x6c: {  	_ =	shalt  }
0x6d: {  	_ =	shalt  }
0x6e: {  	_ =	shalt  }
0x6f: {  	_ =	shalt  }
0x70: {  	_ =	shalt  }
0x71: {  	_ =	shalt  }
0x72: {  	_ =	shalt  }
0x73: {  	_ =	shalt  }
0x74: {  	_ =	shalt  }
0x75: {  	_ =	shalt  }
0x76: {  	_ =	shalt  }
0x77: {  	_ =	shalt  }
0x78: {  	_ =	shalt  }
0x79: {  	_ =	shalt  }
0x7a: {  	_ =	shalt  }
0x7b: {  	_ =	shalt  }
0x7c: {  	_ =	shalt  }
0x7d: {  	_ =	shalt  }
0x7e: {  	_ =	shalt  }
0x7f: {  	_ =	shalt  }
0x80: {  	_ =	shalt  }
0x81: {  	_ =	shalt  }
0x82: {  	_ =	shalt  }
0x83: {  	_ =	shalt  }
0x84: {  	_ =	shalt  }
0x85: {  	_ =	shalt  }
0x86: {  	_ =	shalt  }
0x87: {  	_ =	shalt  }
.Lfunc_end0:
.L_simem_size_0:
called_computation_lowered:
.L_overlay_start_0:
0x88: {  	s2 =	sld [smem:$0x3FD9]  }
0x89: {  	s3 =	sld [smem:$0x3FFE];
	_ =	sdelay $0x1  }
0x8a: {  	s1 =	srdreg.scid  }
0x8b: {  	s0 =	sand.u32 $0x1, s1  }
0x8c: {  	s17 =	sshll.u32 s0, $0xA;
	s2 =	sadd.s32 s3, s2  }
0x8d: {  	s2 =	sadd.s32 s2, s17  }
0x8e: {  	[smem:$0x3FBB] =	sst s2  }
0x8f: {  	_ = 	snop  }
0x90: {  	s2 =	sld [smem:$0x3FC9]  }
0x91: {  	s18 =	sld [smem:$0x3FD0];
	(tm) =	ssettm $0x1  }
0x92: {  	s4 =	sld [smem:$0x3FFB];
	_ =	sdelay $0x3  }
0x93: {  	_ =	strace s4  }
0x94: {  	s4 =	sld [smem:$0x3FFC];
	_ =	sdelay $0x3  }
0x95: {  	_ =	strace s4  }
0x96: {  	s4 =	sld [smem:$0x3FFD];
	_ =	sdelay $0x3  }
0x97: {  	_ =	strace s4  }
0x98: {  	_ =	strace $0x8FFFFFFF  }
0x99: {  	s19 =	sld [smem:$0x3FDB];
	_ =	sdelay $0x1  }
0x9a: {  	s5 =	simm.s32 $_scs_section_size  }
0x9b: {  	s6 =	simm.s32 $_size__tile_overlayer_lowered;
	s7 =	simm.s32 $_tile_overlayer_lowered  }
0x9c: {  	s22 =	simm.s32 $0x1BFF;
	s21 =	sshll.u32 s7, $0x1;
	s4 =	sadd.s32 s5, s19  }
0x9d: {  	s8 =	simm.s32 $0x0;
	s20 =	sshll.u32 s6, $0x1;
	s6 =	sadd.s32 s21, s4  }
0x9e: {  	[timem:s8], [sflag:s22] =	dma.local [hbm:s6], s20  }
0x9f: {  	_ =	swait.ge [sflag:s22], s20  }
0xa0: {  	s5 =	ssub.s32 $0x0, s20;
	[sflag:s22] =	ssyncset.done $0x0  }
0xa1: {  	[sflag:s22] =	ssyncadd.s32 s5;
	_ =	sdelay $0x1  }
0xa2: {  	s23 =	simm.s32 $0x1B8B  }
0xa3: {  	_ =	swait.ge [sflag:s23], $0x1  }
0xa4: {  	[sflag:s23] =	ssyncset.done $0x0  }
0xa5: {  	s25 =	simm.s32 $0x1B8E;
	s24 =	sld [smem:$0x3FFE];
	[sflag:s23] =	ssyncadd.s32 $0xFFFFFFFF  }
0xa6: {  	s26 =	simm.s32 $execute0_lowered;
	[smem:$0x3FD2] =	sst s25  }
0xa7: {  	s6 =	sshll.u32 s26, $0x1;
	_ =	strace $0x80000046;
	[dreg:$0x1] =	wrdreg $0xFFFFFFFF  }
0xa8: {  	s28 =	simm.s32 $_size_execute0_lowered;
	s4 =	sadd.s32 s4, s6;
	[dreg:$0x0] =	wrdreg $0x0  }
0xa9: {  	s6 =	sshll.u32 s28, $0x1;
	[dreg:$0x2] =	wrdreg s4  }
0xaa: {  	[dreg:$0x3] =	wrdreg s6  }
0xab: {  	[dreg:$0x4] =	wrdreg $0xC0  }
0xac: {  	_ =	task [dreg:s8], $0x5FFFF  }
0xad: {  	[dreg:$0x1] =	wrdreg $0xFFFFFFFF  }
0xae: {  	[dreg:$0x0] =	wrdreg $0x60  }
0xaf: {  	[dreg:$0x2] =	wrdreg s2  }
0xb0: {  	[dreg:$0x3] =	wrdreg s18  }
0xb1: {  	[dreg:$0x4] =	wrdreg s24  }
0xb2: {  	[dreg:$0x5] =	wrdreg $0x0  }
0xb3: {  	[dreg:$0x6] =	wrdreg $0x13C000  }
0xb4: {  	[dreg:$0x7] =	wrdreg $0x9  }
0xb5: {  	_ =	task.clear_ibuf [dreg:s8], $0x8FFFF;
	_ =	strace $0x90000046  }
0xb6: {  	s29 =	simm.s32 $0x9;
	_ =	strace $0x80000048  }
0xb7: {  	_ =	swait.ge [sflag:s29], $0x1  }
0xb8: {  	[sflag:s29] =	ssyncadd.s32 $0xFFFFFFFF  }
0xb9: {  	_ =	strace $0x90000048  }
0xba: {  	_ =	sfence  }
0xbb: {  	s30 =	sld [smem:$0x0];
	_ =	sdelay $0x2  }
0xbc: {  	s31 =	sshll.u32 s1, $0xD;
	s1 =	sshrl.u32 s1, $0x2  }
0xbd: {  	s3 =	sand.u32 $0x4000, s31;
	s1 =	sadd.s32 s1, s30  }
0xbe: {  	s0 =	sor.u32 s3, s0;
	s1 =	sshll.u32 s1, $0x11  }
0xbf: {  	s0 =	sor.u32 s1, s0  }
0xc0: {  	s0 =	sadd.s32 $0x8F2B, s0  }
0xc1: {  	[sflag:s0] =	ssyncadd.remote.s32 $0x1  }
0xc2: {  	_ =	sfence.sel $0xFFFF  }
0xc3: {  	[dreg:$0x0] =	wrdreg $0xFFFFFFFF;
	(pc) =	sbr.abs _section_cstart, $3  }
0xc4: {  	[dreg:$0x1] =	wrdreg $0xFFFFFFFF  }
0xc5: {  	_ =	task.clear_ibuf [dreg:s8], $0x2FFFF;
	_ =	strace $0x9FFFFFFF  }
0xc6: {  	(tm) =	ssettm $0x7FFFFFFF  }
0xc7: {  	_ =	shalt  }
tec
execute0_lowered:
.L_overlay_start_1:
0x0: {  	(tag) =	ssettag $0x1  }
0x1: {  	s1 =	rddreg [dreg:$0x0]  }
0x2: {  	s0 =	rddreg [dreg:$0x1]  }
0x3: {  	s2 =	rddreg [dreg:$0x2]  }
0x4: {  	s3 =	rddreg [dreg:$0x3]  }
0x5: {  	s4 =	rddreg [dreg:$0x4]  }
0x6: {  	s19 =	stileid.u32;
	s7 =	srdreg.scid  }
0x7: {  	s5 =	simm.s32 $0x0;
	s28 =	simm.s32 $0x3;
	s6 =	smul.u32 $0x2780, s19  }
0x8: {  	s29 =	simm.s32 $0x1E680;
	s30 =	simm.s32 $0x2;
	s9 =	smul.u32 $0x280, s19  }
0x9: {  	s31 =	simm.s32 $0x4;
	s7 =	sand.u32 $0x1, s7;
	s15 =	smul.u32 $0x4F000, s19  }
0xa: {  	[smem:$0x7FF] =	sst s5;
	s13 =	sadd.s32 $0x3A00, s2;
	s8 =	smul.u32 $0x2800, s7  }
0xb: {  	_ =	strace $0x80000047;
	s10 =	smul.u32 $0x27800, s7;
	s17 =	ssub.s32 $0x2, s7  }
0xc: {  	s7 =	sshll.u32 s7, $0x4;
	s11 =	sadd.s32 s6, s2;
	s12 =	sshrl.u32 s9, $0x3  }
0xd: {  	s18 =	sshrl.u32 s17, $0x1;
	s16 =	sor.u32 s19, s7;
	s20 =	sshrl.u32 s15, $0x2  }
0xe: {  	s7 =	sshll.u32 s19, $0x6;
	s19 =	simm.s32 $0x5;
	s8 =	sadd.s32 s9, s8  }
0xf: {  	s12 =	sadd.s32 s12, s2;
	s14 =	sadd.s32 s10, s2;
	s17 =	ssub.s32 s17, s18  }
0x10: {  	s21 =	smul.u32 $0x2800, s16;
	s18 =	sadd.s32 s20, s3;
	s22 =	sadd.s32 $0xDA00, s11  }
0x11: {  	s23 =	smul.u32 $0x500, s16;
	s9 =	sadd.s32 s9, s4;
	s20 =	simm.s32 $0x15280  }
0x12: {  	s8 =	sshrl.u32 s8, $0x3;
	[dreg:$0x6] =	wrdreg s22;
	s12 =	sadd.s32 $0x35200, s12  }
0x13: {  	s26 =	sadd.s32 $0x35800, s14;
	s15 =	smax.u32 s17, $0x1;
	s16 =	sshrl.u32 s18, $0x3  }
0x14: {  	s17 =	sshrl.u32 s9, $0x3;
	s18 =	simm.s32 $0x13E80;
	s22 =	simm.s32 $0x16680  }
0x15: {  	s2 =	sadd.s32 s8, s2;
	s8 =	sor.u32 $0x1C03, s7;
	s10 =	sshrl.u32 s21, $0x3  }
0x16: {  	[dreg:$0x7] =	wrdreg s12;
	s25 =	sadd.s32 s0, s23;
	s11 =	sadd.s32 s13, s23  }
0x17: {  	s21 =	simm.s32 $0x80;
	s23 =	simm.s32 $0x1;
	s24 =	sadd.s32 $0x280, s10  }
0x18: {  	[dreg:$0x8] =	wrdreg s25;
	s14 =	sadd.s32 $0x84800, s2;
	s25 =	simm.s32 $0x13F00  }
0x19: {  	s2 =	simm.s32 $0x0;
	s12 =	sadd.s32 s0, s24;
	s13 =	sadd.s32 s13, s24  }
0x1a: {  	v0 =	vimm.f32 $1.000000000e+00;
	s24 =	sadd.s32 s6, s26;
	s26 =	simm.s32 $0x1A680;
	s0 =	simm.s32 $0x16600  }
.LBB2_1:
0x1b: {  	s6 =	rddreg [dreg:$0x6]  }
0x1c: {  	[spmem:s16], [sflag:s8] =	dma.local [hbm:s6], $0x2780  }
0x1d: {  	s6 =	rddreg [dreg:$0x7]  }
0x1e: {  	[spmem:s17], [sflag:s8] =	dma.local [hbm:s6], $0x50;
	[tilespmem:$0x1E680] =	vst v0  }
0x1f: {  	[tilespmem:$0x1E690] =	vst v0  }
0x20: {  	[tilespmem:$0x1E6A0] =	vst v0  }
0x21: {  	[tilespmem:$0x1E6B0] =	vst v0  }
0x22: {  	[tilespmem:$0x1E6C0] =	vst v0  }
0x23: {  	[tilespmem:$0x1E6D0] =	vst v0  }
0x24: {  	[tilespmem:$0x1E6E0] =	vst v0  }
0x25: {  	[tilespmem:$0x1E6F0] =	vst v0;
	s6 =	rddreg [dreg:$0x8]  }
0x26: {  	[tilespmem:s18], [sflag:$0x5] =	stream.linear.gather [hbm4b:s6+s5], $0x1400, $0x38;
	[tilespmem:$0x1E700] =	vst v63  }
0x27: {  	_ =	swait.ge [sflag:s19], $0x1400  }
0x28: {  	[sflag:s19] =	ssyncset.done $0x0  }
0x29: {  	[sflag:s19] =	ssyncadd.s32 $0xFFFFEC00  }
0x2a: {  	[tilespmem:s20], [sflag:$0x5] =	stream.linear.gather [hbm4b:s11+s5], $0x1400, $0x38;
	[tilespmem:$0x1E700] =	vst v63  }
0x2b: {  	_ =	swait.ge [sflag:s19], $0x1400  }
0x2c: {  	[sflag:s19] =	ssyncset.done $0x0  }
0x2d: {  	[sflag:s19] =	ssyncadd.s32 $0xFFFFEC00  }
0x2e: {  	[tilespmem:s22], [sflag:$0x1] =	stream.indirect.gather [hbm4b:s1+s21], $0x80, s18, s21, $0xb8;
	[tilespmem:$0x1E700] =	vst v63  }
0x2f: {  	_ =	swait.ge [sflag:s23], $0x4000  }
0x30: {  	[sflag:s23] =	ssyncset.done $0x0  }
0x31: {  	[sflag:s23] =	ssyncadd.s32 $0xFFFFC000  }
0x32: {  	[tilespmem:s26], [sflag:$0x1] =	stream.indirect.gather [hbm4b:s1+s21], $0x80, s25, s21, $0xb8;
	[tilespmem:$0x1E700] =	vst v63  }
0x33: {  	_ =	swait.ge [sflag:s28], $0x2780  }
0x34: {  	[sflag:s28] =	ssyncset.done $0x0  }
0x35: {  	[sflag:s28] =	ssyncadd.s32 $0xFFFFD880  }
0x36: {  	_ =	swait.ge [sflag:s28], $0x50  }
0x37: {  	[sflag:s28] =	ssyncset.done $0x0  }
0x38: {  	[sflag:s28] =	ssyncadd.s32 $0xFFFFFFB0  }
0x39: {  	[bflag:$0x0] =	sbarrier.arrive $0xFFFF  }
0x3a: {  	[spmem:s3] =	stream.indirect.scatter.add.f32 [tilespmem:s22], [sflag:$0x2], $0x80, s20, s21, $0xb8;
	[tilespmem:$0x1E700] =	vst v63  }
0x3b: {  	_ = 	snop  }
0x3c: {  	[spmem:s4] =	stream.indirect.scatter.add.f32 [tilespmem:s29], [sflag:$0x4], $0x1, s20, s21, $0xb8;
	[tilespmem:$0x1E700] =	vst v63  }
0x3d: {  	_ =	swait.ge [sflag:s23], $0x4000  }
0x3e: {  	[sflag:s23] =	ssyncset.done $0x0  }
0x3f: {  	[sflag:s23] =	ssyncadd.s32 $0xFFFFC000  }
0x40: {  	_ =	swait.ge [sflag:s30], $0x4000  }
0x41: {  	[sflag:s30] =	ssyncset.done $0x0  }
0x42: {  	[sflag:s30] =	ssyncadd.s32 $0xFFFFC000  }
0x43: {  	_ =	swait.ge [sflag:s31], $0x80  }
0x44: {  	[sflag:s31] =	ssyncset.done $0x0  }
0x45: {  	s10 =	simm.s32 $0x13F80;
	[sflag:s31] =	ssyncadd.s32 $0xFFFFFF80  }
0x46: {  	[tilespmem:s22], [sflag:$0x1] =	stream.indirect.gather [hbm4b:s1+s21], $0x80, s10, s21, $0xb8;
	[tilespmem:$0x1E700] =	vst v63  }
0x47: {  	s9 =	simm.s32 $0x15300  }
0x48: {  	[spmem:s3] =	stream.indirect.scatter.add.f32 [tilespmem:s26], [sflag:$0x2], $0x80, s9, s21, $0xb8;
	[tilespmem:$0x1E700] =	vst v63  }
0x49: {  	_ = 	snop  }
0x4a: {  	[spmem:s4] =	stream.indirect.scatter.add.f32 [tilespmem:s29], [sflag:$0x4], $0x1, s9, s21, $0xb8;
	[tilespmem:$0x1E700] =	vst v63  }
0x4b: {  	_ =	swait.ge [sflag:s23], $0x4000  }
0x4c: {  	[sflag:s23] =	ssyncset.done $0x0  }
0x4d: {  	[sflag:s23] =	ssyncadd.s32 $0xFFFFC000  }
0x4e: {  	_ =	swait.ge [sflag:s30], $0x4000  }
0x4f: {  	[sflag:s30] =	ssyncset.done $0x0  }
0x50: {  	[sflag:s30] =	ssyncadd.s32 $0xFFFFC000  }
0x51: {  	_ =	swait.ge [sflag:s31], $0x80  }
0x52: {  	[sflag:s31] =	ssyncset.done $0x0  }
0x53: {  	s10 =	simm.s32 $0x14000;
	[sflag:s31] =	ssyncadd.s32 $0xFFFFFF80  }
0x54: {  	[tilespmem:s26], [sflag:$0x1] =	stream.indirect.gather [hbm4b:s1+s21], $0x80, s10, s21, $0xb8;
	[tilespmem:$0x1E700] =	vst v63  }
0x55: {  	s6 =	simm.s32 $0xFFFFB800;
	s9 =	simm.s32 $0x15380  }
0x56: {  	[spmem:s3] =	stream.indirect.scatter.add.f32 [tilespmem:s22], [sflag:$0x2], $0x80, s9, s21, $0xb8;
	[tilespmem:$0x1E700] =	vst v63  }
.LBB2_2:
0x57: {  	[spmem:s4] =	stream.indirect.scatter.add.f32 [tilespmem:s29], [sflag:$0x4], $0x1, s9, s21, $0xb8;
	[tilespmem:$0x1E700] =	vst v63  }
0x58: {  	s9 =	smov.u32 s6  }
0x59: {  	p0 =	sne.s32 s6, $0xFFFFFC00;
	s6 =	sadd.s32 $0x400, s6;
	_ =	swait.ge [sflag:s23], $0x4000  }
0x5a: {  	[sflag:s23] =	ssyncset.done $0x0  }
0x5b: {  	[sflag:s23] =	ssyncadd.s32 $0xFFFFC000  }
0x5c: {  	_ =	swait.ge [sflag:s30], $0x4000  }
0x5d: {  	[sflag:s30] =	ssyncset.done $0x0  }
0x5e: {  	[sflag:s30] =	ssyncadd.s32 $0xFFFFC000  }
0x5f: {  	_ =	swait.ge [sflag:s31], $0x80  }
0x60: {  	s9 =	sshra.s32 s9, $0x2;
	[sflag:s31] =	ssyncset.done $0x0  }
0x61: {  	s10 =	sadd.s32 $0x15280, s9;
	[sflag:s31] =	ssyncadd.s32 $0xFFFFFF80  }
0x62: {  	[tilespmem:s22], [sflag:$0x1] =	stream.indirect.gather [hbm4b:s1+s21], $0x80, s10, s21, $0xb8;
	[tilespmem:$0x1E700] =	vst v63  }
0x63: {  	s10 =	sadd.s32 $0x16600, s9  }
0x64: {  	[spmem:s3] =	stream.indirect.scatter.add.f32 [tilespmem:s26], [sflag:$0x2], $0x80, s10, s21, $0xb8;
	[tilespmem:$0x1E700] =	vst v63  }
0x65: {  	_ = 	snop  }
0x66: {  	[spmem:s4] =	stream.indirect.scatter.add.f32 [tilespmem:s29], [sflag:$0x4], $0x1, s10, s21, $0xb8;
	[tilespmem:$0x1E700] =	vst v63  }
0x67: {  	_ =	swait.ge [sflag:s23], $0x4000  }
0x68: {  	[sflag:s23] =	ssyncset.done $0x0  }
0x69: {  	[sflag:s23] =	ssyncadd.s32 $0xFFFFC000  }
0x6a: {  	_ =	swait.ge [sflag:s30], $0x4000  }
0x6b: {  	[sflag:s30] =	ssyncset.done $0x0  }
0x6c: {  	[sflag:s30] =	ssyncadd.s32 $0xFFFFC000  }
0x6d: {  	_ =	swait.ge [sflag:s31], $0x80  }
.Ltmp0:
0x6e: {  	[sflag:s31] =	ssyncset.done $0x0;
	(pc) =	sbr.rel @p0 .LBB2_2-.Ltmp0, $4  }
0x6f: {  	s10 =	sadd.s32 $0x15300, s9;
	[sflag:s31] =	ssyncadd.s32 $0xFFFFFF80  }
0x70: {  	[tilespmem:s26], [sflag:$0x1] =	stream.indirect.gather [hbm4b:s1+s21], $0x80, s10, s21, $0xb8;
	[tilespmem:$0x1E700] =	vst v63  }
0x71: {  	s9 =	sadd.s32 $0x16680, s9  }
0x72: {  	[spmem:s3] =	stream.indirect.scatter.add.f32 [tilespmem:s22], [sflag:$0x2], $0x80, s9, s21, $0xb8;
	[tilespmem:$0x1E700] =	vst v63  }
0x73: {  	[spmem:s4] =	stream.indirect.scatter.add.f32 [tilespmem:s29], [sflag:$0x4], $0x1, s9, s21, $0xb8;
	[tilespmem:$0x1E700] =	vst v63  }
0x74: {  	_ =	swait.ge [sflag:s23], $0x4000  }
0x75: {  	[sflag:s23] =	ssyncset.done $0x0  }
0x76: {  	[sflag:s23] =	ssyncadd.s32 $0xFFFFC000  }
0x77: {  	_ =	swait.ge [sflag:s30], $0x4000  }
0x78: {  	[sflag:s30] =	ssyncset.done $0x0  }
0x79: {  	[sflag:s30] =	ssyncadd.s32 $0xFFFFC000  }
0x7a: {  	_ =	swait.ge [sflag:s31], $0x80  }
0x7b: {  	[sflag:s31] =	ssyncset.done $0x0  }
0x7c: {  	[sflag:s31] =	ssyncadd.s32 $0xFFFFFF80  }
0x7d: {  	[spmem:s3] =	stream.indirect.scatter.add.f32 [tilespmem:s26], [sflag:$0x2], $0x80, s0, s21, $0xb8;
	[tilespmem:$0x1E700] =	vst v63  }
0x7e: {  	_ = 	snop  }
0x7f: {  	[spmem:s4] =	stream.indirect.scatter.add.f32 [tilespmem:s29], [sflag:$0x4], $0x1, s0, s21, $0xb8;
	[tilespmem:$0x1E700] =	vst v63  }
0x80: {  	_ =	swait.ge [sflag:s30], $0x4000  }
0x81: {  	[sflag:s30] =	ssyncset.done $0x0  }
0x82: {  	[sflag:s30] =	ssyncadd.s32 $0xFFFFC000  }
0x83: {  	_ =	swait.ge [sflag:s31], $0x80  }
0x84: {  	[sflag:s31] =	ssyncset.done $0x0  }
0x85: {  	[sflag:s31] =	ssyncadd.s32 $0xFFFFFF80  }
0x86: {  	[tilespmem:s18], [sflag:$0x5] =	stream.linear.gather [hbm4b:s12+s5], $0x1400, $0x38;
	[tilespmem:$0x1E700] =	vst v63  }
0x87: {  	_ =	swait.ge [sflag:s19], $0x1400  }
0x88: {  	[sflag:s19] =	ssyncset.done $0x0  }
0x89: {  	[sflag:s19] =	ssyncadd.s32 $0xFFFFEC00  }
0x8a: {  	[tilespmem:s20], [sflag:$0x5] =	stream.linear.gather [hbm4b:s13+s5], $0x1400, $0x38;
	[tilespmem:$0x1E700] =	vst v63  }
0x8b: {  	_ =	swait.ge [sflag:s19], $0x1400  }
0x8c: {  	[sflag:s19] =	ssyncset.done $0x0  }
0x8d: {  	[sflag:s19] =	ssyncadd.s32 $0xFFFFEC00  }
0x8e: {  	[tilespmem:s22], [sflag:$0x1] =	stream.indirect.gather [hbm4b:s1+s21], $0x80, s18, s21, $0xb8;
	[tilespmem:$0x1E700] =	vst v63  }
0x8f: {  	_ =	swait.ge [sflag:s23], $0x4000  }
0x90: {  	[sflag:s23] =	ssyncset.done $0x0  }
0x91: {  	[sflag:s23] =	ssyncadd.s32 $0xFFFFC000  }
0x92: {  	[tilespmem:s26], [sflag:$0x1] =	stream.indirect.gather [hbm4b:s1+s21], $0x80, s25, s21, $0xb8;
	[tilespmem:$0x1E700] =	vst v63  }
0x93: {  	_ = 	snop  }
0x94: {  	[spmem:s3] =	stream.indirect.scatter.add.f32 [tilespmem:s22], [sflag:$0x2], $0x80, s20, s21, $0xb8;
	[tilespmem:$0x1E700] =	vst v63  }
0x95: {  	_ = 	snop  }
0x96: {  	[spmem:s4] =	stream.indirect.scatter.add.f32 [tilespmem:s29], [sflag:$0x4], $0x1, s20, s21, $0xb8;
	[tilespmem:$0x1E700] =	vst v63  }
0x97: {  	_ =	swait.ge [sflag:s23], $0x4000  }
0x98: {  	[sflag:s23] =	ssyncset.done $0x0  }
0x99: {  	[sflag:s23] =	ssyncadd.s32 $0xFFFFC000  }
0x9a: {  	_ =	swait.ge [sflag:s30], $0x4000  }
0x9b: {  	[sflag:s30] =	ssyncset.done $0x0  }
0x9c: {  	[sflag:s30] =	ssyncadd.s32 $0xFFFFC000  }
0x9d: {  	_ =	swait.ge [sflag:s31], $0x80  }
0x9e: {  	[sflag:s31] =	ssyncset.done $0x0  }
0x9f: {  	s6 =	simm.s32 $0x13F80;
	[sflag:s31] =	ssyncadd.s32 $0xFFFFFF80  }
0xa0: {  	[tilespmem:s22], [sflag:$0x1] =	stream.indirect.gather [hbm4b:s1+s21], $0x80, s6, s21, $0xb8;
	[tilespmem:$0x1E700] =	vst v63  }
0xa1: {  	s9 =	simm.s32 $0x15300  }
0xa2: {  	[spmem:s3] =	stream.indirect.scatter.add.f32 [tilespmem:s26], [sflag:$0x2], $0x80, s9, s21, $0xb8;
	[tilespmem:$0x1E700] =	vst v63  }
0xa3: {  	_ = 	snop  }
0xa4: {  	[spmem:s4] =	stream.indirect.scatter.add.f32 [tilespmem:s29], [sflag:$0x4], $0x1, s9, s21, $0xb8;
	[tilespmem:$0x1E700] =	vst v63  }
0xa5: {  	_ =	swait.ge [sflag:s23], $0x4000  }
0xa6: {  	[sflag:s23] =	ssyncset.done $0x0  }
0xa7: {  	[sflag:s23] =	ssyncadd.s32 $0xFFFFC000  }
0xa8: {  	_ =	swait.ge [sflag:s30], $0x4000  }
0xa9: {  	[sflag:s30] =	ssyncset.done $0x0  }
0xaa: {  	[sflag:s30] =	ssyncadd.s32 $0xFFFFC000  }
0xab: {  	_ =	swait.ge [sflag:s31], $0x80  }
0xac: {  	[sflag:s31] =	ssyncset.done $0x0  }
0xad: {  	s10 =	simm.s32 $0x14000;
	[sflag:s31] =	ssyncadd.s32 $0xFFFFFF80  }
0xae: {  	[tilespmem:s26], [sflag:$0x1] =	stream.indirect.gather [hbm4b:s1+s21], $0x80, s10, s21, $0xb8;
	[tilespmem:$0x1E700] =	vst v63  }
0xaf: {  	s6 =	simm.s32 $0xFFFFB800;
	s9 =	simm.s32 $0x15380  }
0xb0: {  	[spmem:s3] =	stream.indirect.scatter.add.f32 [tilespmem:s22], [sflag:$0x2], $0x80, s9, s21, $0xb8;
	[tilespmem:$0x1E700] =	vst v63  }
.LBB2_4:
0xb1: {  	[spmem:s4] =	stream.indirect.scatter.add.f32 [tilespmem:s29], [sflag:$0x4], $0x1, s9, s21, $0xb8;
	[tilespmem:$0x1E700] =	vst v63  }
0xb2: {  	s9 =	smov.u32 s6  }
0xb3: {  	p0 =	sne.s32 s6, $0xFFFFFC00;
	s6 =	sadd.s32 $0x400, s6;
	_ =	swait.ge [sflag:s23], $0x4000  }
0xb4: {  	[sflag:s23] =	ssyncset.done $0x0  }
0xb5: {  	[sflag:s23] =	ssyncadd.s32 $0xFFFFC000  }
0xb6: {  	_ =	swait.ge [sflag:s30], $0x4000  }
0xb7: {  	[sflag:s30] =	ssyncset.done $0x0  }
0xb8: {  	[sflag:s30] =	ssyncadd.s32 $0xFFFFC000  }
0xb9: {  	_ =	swait.ge [sflag:s31], $0x80  }
0xba: {  	s9 =	sshra.s32 s9, $0x2;
	[sflag:s31] =	ssyncset.done $0x0  }
0xbb: {  	s10 =	sadd.s32 $0x15280, s9;
	[sflag:s31] =	ssyncadd.s32 $0xFFFFFF80  }
0xbc: {  	[tilespmem:s22], [sflag:$0x1] =	stream.indirect.gather [hbm4b:s1+s21], $0x80, s10, s21, $0xb8;
	[tilespmem:$0x1E700] =	vst v63  }
0xbd: {  	s10 =	sadd.s32 $0x16600, s9  }
0xbe: {  	[spmem:s3] =	stream.indirect.scatter.add.f32 [tilespmem:s26], [sflag:$0x2], $0x80, s10, s21, $0xb8;
	[tilespmem:$0x1E700] =	vst v63  }
0xbf: {  	_ = 	snop  }
0xc0: {  	[spmem:s4] =	stream.indirect.scatter.add.f32 [tilespmem:s29], [sflag:$0x4], $0x1, s10, s21, $0xb8;
	[tilespmem:$0x1E700] =	vst v63  }
0xc1: {  	_ =	swait.ge [sflag:s23], $0x4000  }
0xc2: {  	[sflag:s23] =	ssyncset.done $0x0  }
0xc3: {  	[sflag:s23] =	ssyncadd.s32 $0xFFFFC000  }
0xc4: {  	_ =	swait.ge [sflag:s30], $0x4000  }
0xc5: {  	[sflag:s30] =	ssyncset.done $0x0  }
0xc6: {  	[sflag:s30] =	ssyncadd.s32 $0xFFFFC000  }
0xc7: {  	_ =	swait.ge [sflag:s31], $0x80  }
.Ltmp1:
0xc8: {  	[sflag:s31] =	ssyncset.done $0x0;
	(pc) =	sbr.rel @p0 .LBB2_4-.Ltmp1, $4  }
0xc9: {  	s10 =	sadd.s32 $0x15300, s9;
	[sflag:s31] =	ssyncadd.s32 $0xFFFFFF80  }
0xca: {  	[tilespmem:s26], [sflag:$0x1] =	stream.indirect.gather [hbm4b:s1+s21], $0x80, s10, s21, $0xb8;
	[tilespmem:$0x1E700] =	vst v63  }
0xcb: {  	s9 =	sadd.s32 $0x16680, s9  }
0xcc: {  	[spmem:s3] =	stream.indirect.scatter.add.f32 [tilespmem:s22], [sflag:$0x2], $0x80, s9, s21, $0xb8;
	[tilespmem:$0x1E700] =	vst v63  }
0xcd: {  	[spmem:s4] =	stream.indirect.scatter.add.f32 [tilespmem:s29], [sflag:$0x4], $0x1, s9, s21, $0xb8;
	[tilespmem:$0x1E700] =	vst v63  }
0xce: {  	_ =	swait.ge [sflag:s23], $0x4000  }
0xcf: {  	[sflag:s23] =	ssyncset.done $0x0  }
0xd0: {  	[sflag:s23] =	ssyncadd.s32 $0xFFFFC000  }
0xd1: {  	_ =	swait.ge [sflag:s30], $0x4000  }
0xd2: {  	[sflag:s30] =	ssyncset.done $0x0  }
0xd3: {  	[sflag:s30] =	ssyncadd.s32 $0xFFFFC000  }
0xd4: {  	_ =	swait.ge [sflag:s31], $0x80  }
0xd5: {  	[sflag:s31] =	ssyncset.done $0x0  }
0xd6: {  	[sflag:s31] =	ssyncadd.s32 $0xFFFFFF80  }
0xd7: {  	[spmem:s3] =	stream.indirect.scatter.add.f32 [tilespmem:s26], [sflag:$0x2], $0x80, s0, s21, $0xb8;
	[tilespmem:$0x1E700] =	vst v63  }
0xd8: {  	_ = 	snop  }
0xd9: {  	[spmem:s4] =	stream.indirect.scatter.add.f32 [tilespmem:s29], [sflag:$0x4], $0x1, s0, s21, $0xb8;
	[tilespmem:$0x1E700] =	vst v63  }
0xda: {  	_ =	swait.ge [sflag:s30], $0x4000  }
0xdb: {  	[sflag:s30] =	ssyncset.done $0x0  }
0xdc: {  	[sflag:s30] =	ssyncadd.s32 $0xFFFFC000  }
0xdd: {  	_ =	swait.ge [sflag:s31], $0x80  }
0xde: {  	[sflag:s31] =	ssyncset.done $0x0  }
0xdf: {  	[sflag:s31] =	ssyncadd.s32 $0xFFFFFF80  }
0xe0: {  	s6 =	sor.u32 $0x1C05, s7;
	[bflag:$0x0] =	sbarrier.arrive $0xFFFF  }
0xe1: {  	[hbm:s24], [sflag:s6] =	dma.local [spmem:s16], $0x2780  }
0xe2: {  	s2 =	sadd.s32 $0x1, s2;
	_ =	swait.ge [sflag:s19], $0x2780  }
0xe3: {  	p0 =	sne.s32 s2, s15;
	[sflag:s19] =	ssyncset.done $0x0  }
.Ltmp2:
0xe4: {  	[sflag:s19] =	ssyncadd.s32 $0xFFFFD880;
	(pc) =	sbr.rel @p0 .LBB2_1-.Ltmp2, $4  }
0xe5: {  	[hbm:s14], [sflag:s6] =	dma.local [spmem:s17], $0x50  }
0xe6: {  	_ =	swait.ge [sflag:s19], $0x50  }
0xe7: {  	[sflag:s19] =	ssyncset.done $0x0  }
0xe8: {  	[sflag:s19] =	ssyncadd.s32 $0xFFFFFFB0  }
0xe9: {  	_ =	sfence.sel $0x180000  }
0xea: {  	[bflag:$0x0] =	sbarrier.arrive $0xFFFF  }
0xeb: {  	_ =	strace $0x90000047  }
0xec: {  	s0 =	stileid.u32;
	[bflag:$0x2] =	sbarrier.arrive $0xFFFF  }
0xed: {  	p0 =	sne.s32 s0, $0x0;
	s0 =	rddreg [dreg:$0x5]  }
0xee: {  	s0 =	sadd.s32 @!p0 $0x100000, s0  }
0xef: {  	[sflag:s0] =	ssyncadd.tile.s32 @!p0 $0x1;
	_ =	shalt  }
.Lfunc_end2:
_tile_overlayer_lowered:
.L_overlay_start_2:
0xf0: {  	(tag) =	ssettag $0x2  }
0xf1: {  	s0 =	rddreg [dreg:$0x0];
	s2 =	stileid.u32  }
0xf2: {  	s1 =	rddreg [dreg:$0x1];
	p0 =	sne.s32 s2, $0x0  }
0xf3: {  	s3 =	rddreg [dreg:$0x2];
	[bflag:$0x3] =	sbarrier.arrive $0xFFFF;
	s2 =	simm.s32 @!p0 $0x1C05  }
0xf4: {  	[timem:s3], [sflag:s2] =	dma.local @!p0 [hbm:s0], s1  }
0xf5: {  	s0 =	simm.s32 @!p0 $0x5  }
0xf6: {  	_ =	swait.ge @!p0 [sflag:s0], s1  }
0xf7: {  	s1 =	ssub.s32 @!p0 $0x0, s1;
	[sflag:s0] =	ssyncset.done @!p0 $0x0  }
0xf8: {  	[sflag:s0] =	ssyncadd.s32 @!p0 s1  }
0xf9: {  	[bflag:$0x3] =	sbarrier.arrive $0xFFFF  }
0xfa: {  	_ =	shalt  }

</sc_bundles>
